<compile_context>
chip_gen: v7x
topology: tpu7x:2x2x1
jax: 0.10.2.dev20260603
libtpu: 0.0.44.dev20260713+nightly
codegen_flags: <defaults>
</compile_context>

<pallas_src>
import functools

import jax
import jax.numpy as jnp
from jax import lax
from jax.experimental import pallas as pl
from jax.experimental.pallas import tpu as pltpu
from jax.experimental.pallas import tpu_sc as plsc

D = 64
NC = 2
NS = 16
NW = NC * NS
BB = 128
NBUF = 2


def _sc_gather(xt, table, n_seq, n_batch):
    n_bblk = n_batch // BB
    assert n_bblk == NW
    mesh = plsc.VectorSubcoreMesh(core_axis_name="c", subcore_axis_name="s")

    @functools.partial(
        pl.kernel,
        mesh=mesh,
        out_type=jax.ShapeDtypeStruct((n_seq, D // 8, n_bblk, 8, BB), jnp.float32),
        compiler_params=pltpu.CompilerParams(
            use_tc_tiling_on_sc=False, needs_layout_passes=False
        ),
        scratch_types=[
            pltpu.VMEM((NBUF * BB,), jnp.int32),
            pltpu.VMEM((NBUF * BB, 2 * D), jnp.float32),
            pltpu.VMEM((NBUF * D, BB + 1), jnp.float32),
            pltpu.SemaphoreType.DMA,
            pltpu.SemaphoreType.DMA,
            pltpu.SemaphoreType.DMA,
            pltpu.SemaphoreType.DMA,
            pltpu.SemaphoreType.DMA,
            pltpu.SemaphoreType.DMA,
        ],
    )
    def k(xt_hbm, table_hbm, out_hbm, idx_v, rows_v, stage_v, g0, g1, w0, w1, i0, i1):
        gsem = (g0, g1)
        wsem = (w0, w1)
        isem = (i0, i1)
        wid = lax.axis_index("s") * NC + lax.axis_index("c")
        lane16 = lax.iota(jnp.int32, 16)

        def idx_src(s):
            return xt_hbm.at[s, pl.ds(wid * BB, BB)]

        def idx_dst(slot):
            return idx_v.at[pl.ds(slot * BB, BB)]

        def gather_copy(slot):
            return pltpu.make_async_copy(
                table_hbm.at[idx_v.at[pl.ds(slot * BB, BB)]],
                rows_v.at[pl.ds(slot * BB, BB)],
                gsem[slot],
            )

        def out_copies(s, slot):
            return [
                pltpu.make_async_copy(
                    stage_v.at[pl.ds(slot * D + 8 * j, 8), pl.ds(0, BB)],
                    out_hbm.at[s, j, wid],
                    wsem[slot],
                )
                for j in range(D // 8)
            ]

        def transpose(slot):
            row0 = slot * BB
            srow0 = slot * D

            def body(t8, carry):
                t0 = t8 * 8
                for dt in range(8):
                    for f in range(D // 16):
                        vals = rows_v[row0 + t0 + dt, pl.ds(16 * f, 16)]
                        plsc.store_scatter(
                            stage_v,
                            [
                                lane16 + (srow0 + 16 * f),
                                jnp.full((16,), t0 + dt, jnp.int32),
                            ],
                            vals,
                        )
                return carry

            lax.fori_loop(0, BB // 8, body, 0)

        pltpu.sync_copy(idx_src(0), idx_dst(0))
        gather_copy(0).start()
        pltpu.async_copy(idx_src(1), idx_dst(1), isem[1])

        def stage(s, slot):
            nslot = 1 - slot

            @pl.when(s + 1 < n_seq)
            def _():
                pltpu.make_async_copy(idx_src(s + 1), idx_dst(nslot), isem[nslot]).wait()
                gather_copy(nslot).start()

            gather_copy(slot).wait()

            @pl.when(s + 2 < n_seq)
            def _():
                pltpu.async_copy(idx_src(s + 2), idx_dst(slot), isem[slot])

            @pl.when(s >= NBUF)
            def _():
                for c in out_copies(s - NBUF, slot):
                    c.wait()

            transpose(slot)

            for c in out_copies(s, slot):
                c.start()

        def outer(p, carry):
            stage(NBUF * p, 0)
            stage(NBUF * p + 1, 1)
            return carry

        lax.fori_loop(0, n_seq // NBUF, outer, 0)

        for t in (n_seq - 2, n_seq - 1):
            for c in out_copies(t, t % NBUF):
                c.wait()

    return k(xt, table)


def kernel(x, table):
    b, s = x.shape
    xt = x.T.astype(jnp.int32)
    table128 = jnp.pad(table, ((0, 0), (0, D)))
    out5 = _sc_gather(xt, table128, s, b)
    return out5.transpose(2, 4, 0, 1, 3).reshape(b, s, D)

# --- scband reference (transcript-rebuilt; emitter-appended) ---
"""Pipeline reference for scband-transformer-embedding-21792664060496 (READ-ONLY COPY).

The authoritative reference and input builder live on the scoring server;
editing this copy changes nothing except your own understanding.
"""

import jax, jax.numpy as jnp
import numpy as np

VOCAB = 1000000
D_MODEL = 64
BATCH = 4096
SEQ = 200

def setup_inputs(seed: int = 0) -> dict:
    key = jax.random.key(seed)
    k_idx, k_tab = jax.random.split(key)
    x = jax.random.randint(k_idx, (BATCH, SEQ), 0, VOCAB, dtype=jnp.int64 if jax.config.jax_enable_x64 else jnp.int32)
    table = jax.random.normal(k_tab, (VOCAB, D_MODEL), dtype=jnp.float32) * 0.02
    return {"x": x, "table": table}

def reference(x, table):
    # nn.Embedding forward: row gather from the embedding table
    return jnp.take(table, x, axis=0)

if __name__ == "__main__":
    import jax
    _d = setup_inputs()
    print(jax.jit(kernel)(*tuple(_d.values())))

</pallas_src>

<mosaic_0001>
#map = affine_map<(d0, d1) -> (0, 0)>
#map1 = affine_map<(d0, d1) -> (0, 0, 0, 0, 0)>
module attributes {stable_mosaic.version = 14 : i64} {
  func.func @k(%arg0: i32, %arg1: i32, %arg2: memref<200x4096xi32, #tpu.memory_space<hbm>>, %arg3: memref<1000000x128xf32, #tpu.memory_space<hbm>>, %arg4: memref<200x8x32x8x128xf32, #tpu.memory_space<hbm>>, %arg5: memref<256xi32, #tpu.memory_space<vmem>>, %arg6: memref<256x128xf32, #tpu.memory_space<vmem>>, %arg7: memref<128x129xf32, #tpu.memory_space<vmem>>, %arg8: memref<!tpu.dma_semaphore, #tpu.memory_space<semaphore_mem>>, %arg9: memref<!tpu.dma_semaphore, #tpu.memory_space<semaphore_mem>>, %arg10: memref<!tpu.dma_semaphore, #tpu.memory_space<semaphore_mem>>, %arg11: memref<!tpu.dma_semaphore, #tpu.memory_space<semaphore_mem>>, %arg12: memref<!tpu.dma_semaphore, #tpu.memory_space<semaphore_mem>>, %arg13: memref<!tpu.dma_semaphore, #tpu.memory_space<semaphore_mem>>) attributes {dimension_semantics = [#tpu.dimension_semantics<core_parallel>, #tpu.dimension_semantics<subcore_parallel>], iteration_bounds = array<i64: 2, 16>, scalar_prefetch = 0 : i64, scratch_operands = 9 : i64, tpu.core_type = #tpu.core_type<sc_vector_subcore>, window_params = [{transform_indices = #map}, {transform_indices = #map}, {transform_indices = #map1}]} {
    %mul3A = arith.constant 2 : i32
    %mul3A_0 = arith.muli %arg1, %mul3A : i32
    %add3A = arith.addi %mul3A_0, %arg0 : i32
    %iota3A = tpu.iota {dimensions = array<i32: 0>} : vector<16xi32>
    %mul3A_1 = arith.constant 128 : i32
    %mul3A_2 = arith.muli %add3A, %mul3A_1 : i32
    %run_scoped3A = arith.constant 0 : i32
    "tpu.region"() ({
      %run_scoped3A_281 = tpu.sem_alloc : memref<!tpu.dma_semaphore, #tpu.memory_space<semaphore_mem>>
      %dma_start3A_282 = arith.constant 0 : i32
      %dma_start3A_283 = tpu.memref_slice %arg5[%dma_start3A_282] : memref<256xi32, #tpu.memory_space<vmem>> -> memref<128xi32, #tpu.memory_space<vmem>>
      %dma_start3A_284 = tpu.memref_slice %arg2[%run_scoped3A, %mul3A_2] : memref<200x4096xi32, #tpu.memory_space<hbm>> -> memref<1x128xi32, #tpu.memory_space<hbm>>
      %dma_start3A_285 = tpu.memref_squeeze %dma_start3A_284 : memref<1x128xi32, #tpu.memory_space<hbm>> -> memref<128xi32, #tpu.memory_space<hbm>>
      %dma_start3A_286 = arith.constant 0 : i32
      %dma_start3A_287 = tpu.memref_slice %arg5[%dma_start3A_286] : memref<256xi32, #tpu.memory_space<vmem>> -> memref<128xi32, #tpu.memory_space<vmem>>
      %dma_start3A_288 = tpu.memref_slice %arg2[%run_scoped3A, %mul3A_2] : memref<200x4096xi32, #tpu.memory_space<hbm>> -> memref<1x128xi32, #tpu.memory_space<hbm>>
      %dma_start3A_289 = tpu.memref_squeeze %dma_start3A_288 : memref<1x128xi32, #tpu.memory_space<hbm>> -> memref<128xi32, #tpu.memory_space<hbm>>
      tpu.enqueue_dma source(%dma_start3A_289 : memref<128xi32, #tpu.memory_space<hbm>>) target(%dma_start3A_287 : memref<128xi32, #tpu.memory_space<vmem>>) target_semaphore(%run_scoped3A_281 : memref<!tpu.dma_semaphore, #tpu.memory_space<semaphore_mem>>)
      %dma_wait3A_290 = arith.constant 0 : i32
      %dma_wait3A_291 = tpu.memref_slice %arg5[%dma_wait3A_290] : memref<256xi32, #tpu.memory_space<vmem>> -> memref<128xi32, #tpu.memory_space<vmem>>
      %dma_wait3A_292 = tpu.memref_slice %arg2[%run_scoped3A, %mul3A_2] : memref<200x4096xi32, #tpu.memory_space<hbm>> -> memref<1x128xi32, #tpu.memory_space<hbm>>
      %dma_wait3A_293 = tpu.memref_squeeze %dma_wait3A_292 : memref<1x128xi32, #tpu.memory_space<hbm>> -> memref<128xi32, #tpu.memory_space<hbm>>
      %dma_wait3A_294 = arith.constant 0 : i32
      %dma_wait3A_295 = tpu.memref_slice %arg5[%dma_wait3A_294] : memref<256xi32, #tpu.memory_space<vmem>> -> memref<128xi32, #tpu.memory_space<vmem>>
      %dma_wait3A_296 = tpu.memref_slice %arg2[%run_scoped3A, %mul3A_2] : memref<200x4096xi32, #tpu.memory_space<hbm>> -> memref<1x128xi32, #tpu.memory_space<hbm>>
      %dma_wait3A_297 = tpu.memref_squeeze %dma_wait3A_296 : memref<1x128xi32, #tpu.memory_space<hbm>> -> memref<128xi32, #tpu.memory_space<hbm>>
      tpu.wait_dma2 semaphore(%run_scoped3A_281 : memref<!tpu.dma_semaphore, #tpu.memory_space<semaphore_mem>>) src(%dma_wait3A_297 : memref<128xi32, #tpu.memory_space<hbm>>) dst(%dma_wait3A_295 : memref<128xi32, #tpu.memory_space<vmem>>)
      tpu.yield
    }) : () -> ()
    %dma_start3A = arith.constant 0 : i32
    %dma_start3A_3 = arith.constant 0 : i32
    %dma_start3A_4 = tpu.memref_slice %arg6[%dma_start3A, %dma_start3A_3] : memref<256x128xf32, #tpu.memory_space<vmem>> -> memref<128x128xf32, #tpu.memory_space<vmem>>
    %dma_start3A_5 = arith.constant 0 : i32
    %dma_start3A_6 = tpu.memref_slice %arg5[%dma_start3A_5] : memref<256xi32, #tpu.memory_space<vmem>> -> memref<128xi32, #tpu.memory_space<vmem>>
    %dma_start3A_7 = arith.constant 0 : i32
    %dma_start3A_8 = arith.constant 0 : i32
    %dma_start3A_9 = tpu.memref_slice %arg3[%dma_start3A_7, %dma_start3A_8] : memref<1000000x128xf32, #tpu.memory_space<hbm>> -> memref<1000000x128xf32, #tpu.memory_space<hbm>>
    tpu.enqueue_indirect_dma source(%dma_start3A_9 : memref<1000000x128xf32, #tpu.memory_space<hbm>>) target(%dma_start3A_4 : memref<128x128xf32, #tpu.memory_space<vmem>>) offsets(%dma_start3A_6 : memref<128xi32, #tpu.memory_space<vmem>>) semaphore(%arg8 : memref<!tpu.dma_semaphore, #tpu.memory_space<semaphore_mem>>)
    %mul3A_10 = arith.constant 128 : i32
    %mul3A_11 = arith.muli %add3A, %mul3A_10 : i32
    %dma_start3A_12 = arith.constant 1 : i32
    %dma_start3A_13 = arith.constant 128 : i32
    %dma_start3A_14 = tpu.memref_slice %arg5[%dma_start3A_13] : memref<256xi32, #tpu.memory_space<vmem>> -> memref<128xi32, #tpu.memory_space<vmem>>
    %dma_start3A_15 = tpu.memref_slice %arg2[%dma_start3A_12, %mul3A_11] : memref<200x4096xi32, #tpu.memory_space<hbm>> -> memref<1x128xi32, #tpu.memory_space<hbm>>
    %dma_start3A_16 = tpu.memref_squeeze %dma_start3A_15 : memref<1x128xi32, #tpu.memory_space<hbm>> -> memref<128xi32, #tpu.memory_space<hbm>>
    %dma_start3A_17 = arith.constant 128 : i32
    %dma_start3A_18 = tpu.memref_slice %arg5[%dma_start3A_17] : memref<256xi32, #tpu.memory_space<vmem>> -> memref<128xi32, #tpu.memory_space<vmem>>
    %dma_start3A_19 = tpu.memref_slice %arg2[%dma_start3A_12, %mul3A_11] : memref<200x4096xi32, #tpu.memory_space<hbm>> -> memref<1x128xi32, #tpu.memory_space<hbm>>
    %dma_start3A_20 = tpu.memref_squeeze %dma_start3A_19 : memref<1x128xi32, #tpu.memory_space<hbm>> -> memref<128xi32, #tpu.memory_space<hbm>>
    tpu.enqueue_dma source(%dma_start3A_20 : memref<128xi32, #tpu.memory_space<hbm>>) target(%dma_start3A_18 : memref<128xi32, #tpu.memory_space<vmem>>) target_semaphore(%arg13 : memref<!tpu.dma_semaphore, #tpu.memory_space<semaphore_mem>>)
    %scan3A = arith.constant 0 : i32
    %scan3A_21 = arith.constant 0 : i32
    %scan3A_22 = arith.constant 100 : i32
    %scan3A_23 = arith.addi %scan3A_21, %scan3A_22 : i32
    %scan3A_24 = arith.constant 1 : i32
    scf.for %scan3A_281 = %scan3A_21 to %scan3A_23 step %scan3A_24  : i32 {
      %mul3A_282 = arith.constant 2 : i32
      %mul3A_283 = arith.muli %mul3A_282, %scan3A_281 : i32
      %add3A_284 = arith.constant 1 : i32
      %add3A_285 = arith.addi %mul3A_283, %add3A_284 : i32
      %lt3A = arith.constant 200 : i32
      %lt3A_286 = arith.cmpi slt, %add3A_285, %lt3A : i32
      %convert_element_type3A = arith.extui %lt3A_286 : i1 to i32
      %cond3A = arith.constant 0 : i32
      %cond3A_287 = arith.cmpi ne, %convert_element_type3A, %cond3A : i32
      scf.if %cond3A_287 {
        %add3A_590 = arith.constant 1 : i32
        %add3A_591 = arith.addi %mul3A_283, %add3A_590 : i32
        %mul3A_592 = arith.constant 128 : i32
        %mul3A_593 = arith.muli %add3A, %mul3A_592 : i32
        %dma_wait3A_594 = arith.constant 128 : i32
        %dma_wait3A_595 = tpu.memref_slice %arg5[%dma_wait3A_594] : memref<256xi32, #tpu.memory_space<vmem>> -> memref<128xi32, #tpu.memory_space<vmem>>
        %dma_wait3A_596 = tpu.memref_slice %arg2[%add3A_591, %mul3A_593] : memref<200x4096xi32, #tpu.memory_space<hbm>> -> memref<1x128xi32, #tpu.memory_space<hbm>>
        %dma_wait3A_597 = tpu.memref_squeeze %dma_wait3A_596 : memref<1x128xi32, #tpu.memory_space<hbm>> -> memref<128xi32, #tpu.memory_space<hbm>>
        %dma_wait3A_598 = arith.constant 128 : i32
        %dma_wait3A_599 = tpu.memref_slice %arg5[%dma_wait3A_598] : memref<256xi32, #tpu.memory_space<vmem>> -> memref<128xi32, #tpu.memory_space<vmem>>
        %dma_wait3A_600 = tpu.memref_slice %arg2[%add3A_591, %mul3A_593] : memref<200x4096xi32, #tpu.memory_space<hbm>> -> memref<1x128xi32, #tpu.memory_space<hbm>>
        %dma_wait3A_601 = tpu.memref_squeeze %dma_wait3A_600 : memref<1x128xi32, #tpu.memory_space<hbm>> -> memref<128xi32, #tpu.memory_space<hbm>>
        tpu.wait_dma2 semaphore(%arg13 : memref<!tpu.dma_semaphore, #tpu.memory_space<semaphore_mem>>) src(%dma_wait3A_601 : memref<128xi32, #tpu.memory_space<hbm>>) dst(%dma_wait3A_599 : memref<128xi32, #tpu.memory_space<vmem>>)
        %dma_start3A_602 = arith.constant 128 : i32
        %dma_start3A_603 = arith.constant 0 : i32
        %dma_start3A_604 = tpu.memref_slice %arg6[%dma_start3A_602, %dma_start3A_603] : memref<256x128xf32, #tpu.memory_space<vmem>> -> memref<128x128xf32, #tpu.memory_space<vmem>>
        %dma_start3A_605 = arith.constant 128 : i32
        %dma_start3A_606 = tpu.memref_slice %arg5[%dma_start3A_605] : memref<256xi32, #tpu.memory_space<vmem>> -> memref<128xi32, #tpu.memory_space<vmem>>
        %dma_start3A_607 = arith.constant 0 : i32
        %dma_start3A_608 = arith.constant 0 : i32
        %dma_start3A_609 = tpu.memref_slice %arg3[%dma_start3A_607, %dma_start3A_608] : memref<1000000x128xf32, #tpu.memory_space<hbm>> -> memref<1000000x128xf32, #tpu.memory_space<hbm>>
        tpu.enqueue_indirect_dma source(%dma_start3A_609 : memref<1000000x128xf32, #tpu.memory_space<hbm>>) target(%dma_start3A_604 : memref<128x128xf32, #tpu.memory_space<vmem>>) offsets(%dma_start3A_606 : memref<128xi32, #tpu.memory_space<vmem>>) semaphore(%arg9 : memref<!tpu.dma_semaphore, #tpu.memory_space<semaphore_mem>>)
      } else {
      }
      %dma_wait3A_288 = arith.constant 0 : i32
      %dma_wait3A_289 = arith.constant 0 : i32
      %dma_wait3A_290 = tpu.memref_slice %arg6[%dma_wait3A_288, %dma_wait3A_289] : memref<256x128xf32, #tpu.memory_space<vmem>> -> memref<128x128xf32, #tpu.memory_space<vmem>>
      %dma_wait3A_291 = arith.constant 0 : i32
      %dma_wait3A_292 = tpu.memref_slice %arg5[%dma_wait3A_291] : memref<256xi32, #tpu.memory_space<vmem>> -> memref<128xi32, #tpu.memory_space<vmem>>
      %dma_wait3A_293 = arith.constant 0 : i32
      %dma_wait3A_294 = arith.constant 0 : i32
      %dma_wait3A_295 = tpu.memref_slice %arg3[%dma_wait3A_293, %dma_wait3A_294] : memref<1000000x128xf32, #tpu.memory_space<hbm>> -> memref<1000000x128xf32, #tpu.memory_space<hbm>>
      tpu.wait_indirect_dma semaphore(%arg8 : memref<!tpu.dma_semaphore, #tpu.memory_space<semaphore_mem>>) src(%dma_wait3A_295 : memref<1000000x128xf32, #tpu.memory_space<hbm>>) dst(%dma_wait3A_290 : memref<128x128xf32, #tpu.memory_space<vmem>>)
      %add3A_296 = arith.constant 2 : i32
      %add3A_297 = arith.addi %mul3A_283, %add3A_296 : i32
      %lt3A_298 = arith.constant 200 : i32
      %lt3A_299 = arith.cmpi slt, %add3A_297, %lt3A_298 : i32
      %convert_element_type3A_300 = arith.extui %lt3A_299 : i1 to i32
      %cond3A_301 = arith.constant 0 : i32
      %cond3A_302 = arith.cmpi ne, %convert_element_type3A_300, %cond3A_301 : i32
      scf.if %cond3A_302 {
        %add3A_590 = arith.constant 2 : i32
        %add3A_591 = arith.addi %mul3A_283, %add3A_590 : i32
        %mul3A_592 = arith.constant 128 : i32
        %mul3A_593 = arith.muli %add3A, %mul3A_592 : i32
        %dma_start3A_594 = arith.constant 0 : i32
        %dma_start3A_595 = tpu.memref_slice %arg5[%dma_start3A_594] : memref<256xi32, #tpu.memory_space<vmem>> -> memref<128xi32, #tpu.memory_space<vmem>>
        %dma_start3A_596 = tpu.memref_slice %arg2[%add3A_591, %mul3A_593] : memref<200x4096xi32, #tpu.memory_space<hbm>> -> memref<1x128xi32, #tpu.memory_space<hbm>>
        %dma_start3A_597 = tpu.memref_squeeze %dma_start3A_596 : memref<1x128xi32, #tpu.memory_space<hbm>> -> memref<128xi32, #tpu.memory_space<hbm>>
        %dma_start3A_598 = arith.constant 0 : i32
        %dma_start3A_599 = tpu.memref_slice %arg5[%dma_start3A_598] : memref<256xi32, #tpu.memory_space<vmem>> -> memref<128xi32, #tpu.memory_space<vmem>>
        %dma_start3A_600 = tpu.memref_slice %arg2[%add3A_591, %mul3A_593] : memref<200x4096xi32, #tpu.memory_space<hbm>> -> memref<1x128xi32, #tpu.memory_space<hbm>>
        %dma_start3A_601 = tpu.memref_squeeze %dma_start3A_600 : memref<1x128xi32, #tpu.memory_space<hbm>> -> memref<128xi32, #tpu.memory_space<hbm>>
        tpu.enqueue_dma source(%dma_start3A_601 : memref<128xi32, #tpu.memory_space<hbm>>) target(%dma_start3A_599 : memref<128xi32, #tpu.memory_space<vmem>>) target_semaphore(%arg12 : memref<!tpu.dma_semaphore, #tpu.memory_space<semaphore_mem>>)
      } else {
      }
      %ge3A = arith.constant 2 : i32
      %ge3A_303 = arith.cmpi sge, %mul3A_283, %ge3A : i32
      %convert_element_type3A_304 = arith.extui %ge3A_303 : i1 to i32
      %cond3A_305 = arith.constant 0 : i32
      %cond3A_306 = arith.cmpi ne, %convert_element_type3A_304, %cond3A_305 : i32
      scf.if %cond3A_306 {
        %sub3A = arith.constant 2 : i32
        %sub3A_590 = arith.subi %mul3A_283, %sub3A : i32
        %dma_wait3A_591 = arith.constant 0 : i32
        %dma_wait3A_592 = arith.constant 0 : i32
        %dma_wait3A_593 = arith.constant 0 : i32
        %dma_wait3A_594 = tpu.memref_slice %arg7[%dma_wait3A_592, %dma_wait3A_593] : memref<128x129xf32, #tpu.memory_space<vmem>> -> memref<8x128xf32, #tpu.memory_space<vmem>>
        %dma_wait3A_595 = arith.constant 0 : i32
        %dma_wait3A_596 = arith.constant 0 : i32
        %dma_wait3A_597 = tpu.memref_slice %arg4[%sub3A_590, %dma_wait3A_591, %add3A, %dma_wait3A_595, %dma_wait3A_596] : memref<200x8x32x8x128xf32, #tpu.memory_space<hbm>> -> memref<1x1x1x8x128xf32, #tpu.memory_space<hbm>>
        %dma_wait3A_598 = tpu.memref_squeeze %dma_wait3A_597 : memref<1x1x1x8x128xf32, #tpu.memory_space<hbm>> -> memref<8x128xf32, #tpu.memory_space<hbm>>
        %dma_wait3A_599 = arith.constant 0 : i32
        %dma_wait3A_600 = arith.constant 0 : i32
        %dma_wait3A_601 = tpu.memref_slice %arg4[%sub3A_590, %dma_wait3A_591, %add3A, %dma_wait3A_599, %dma_wait3A_600] : memref<200x8x32x8x128xf32, #tpu.memory_space<hbm>> -> memref<1x1x1x8x128xf32, #tpu.memory_space<hbm>>
        %dma_wait3A_602 = tpu.memref_squeeze %dma_wait3A_601 : memref<1x1x1x8x128xf32, #tpu.memory_space<hbm>> -> memref<8x128xf32, #tpu.memory_space<hbm>>
        %dma_wait3A_603 = arith.constant 0 : i32
        %dma_wait3A_604 = arith.constant 0 : i32
        %dma_wait3A_605 = tpu.memref_slice %arg7[%dma_wait3A_603, %dma_wait3A_604] : memref<128x129xf32, #tpu.memory_space<vmem>> -> memref<8x128xf32, #tpu.memory_space<vmem>>
        tpu.wait_dma2 semaphore(%arg10 : memref<!tpu.dma_semaphore, #tpu.memory_space<semaphore_mem>>) src(%dma_wait3A_605 : memref<8x128xf32, #tpu.memory_space<vmem>>) dst(%dma_wait3A_602 : memref<8x128xf32, #tpu.memory_space<hbm>>)
        %dma_wait3A_606 = arith.constant 1 : i32
        %dma_wait3A_607 = arith.constant 8 : i32
        %dma_wait3A_608 = arith.constant 0 : i32
        %dma_wait3A_609 = tpu.memref_slice %arg7[%dma_wait3A_607, %dma_wait3A_608] : memref<128x129xf32, #tpu.memory_space<vmem>> -> memref<8x128xf32, #tpu.memory_space<vmem>>
        %dma_wait3A_610 = arith.constant 0 : i32
        %dma_wait3A_611 = arith.constant 0 : i32
        %dma_wait3A_612 = tpu.memref_slice %arg4[%sub3A_590, %dma_wait3A_606, %add3A, %dma_wait3A_610, %dma_wait3A_611] : memref<200x8x32x8x128xf32, #tpu.memory_space<hbm>> -> memref<1x1x1x8x128xf32, #tpu.memory_space<hbm>>
        %dma_wait3A_613 = tpu.memref_squeeze %dma_wait3A_612 : memref<1x1x1x8x128xf32, #tpu.memory_space<hbm>> -> memref<8x128xf32, #tpu.memory_space<hbm>>
        %dma_wait3A_614 = arith.constant 0 : i32
        %dma_wait3A_615 = arith.constant 0 : i32
        %dma_wait3A_616 = tpu.memref_slice %arg4[%sub3A_590, %dma_wait3A_606, %add3A, %dma_wait3A_614, %dma_wait3A_615] : memref<200x8x32x8x128xf32, #tpu.memory_space<hbm>> -> memref<1x1x1x8x128xf32, #tpu.memory_space<hbm>>
        %dma_wait3A_617 = tpu.memref_squeeze %dma_wait3A_616 : memref<1x1x1x8x128xf32, #tpu.memory_space<hbm>> -> memref<8x128xf32, #tpu.memory_space<hbm>>
        %dma_wait3A_618 = arith.constant 8 : i32
        %dma_wait3A_619 = arith.constant 0 : i32
        %dma_wait3A_620 = tpu.memref_slice %arg7[%dma_wait3A_618, %dma_wait3A_619] : memref<128x129xf32, #tpu.memory_space<vmem>> -> memref<8x128xf32, #tpu.memory_space<vmem>>
        tpu.wait_dma2 semaphore(%arg10 : memref<!tpu.dma_semaphore, #tpu.memory_space<semaphore_mem>>) src(%dma_wait3A_620 : memref<8x128xf32, #tpu.memory_space<vmem>>) dst(%dma_wait3A_617 : memref<8x128xf32, #tpu.memory_space<hbm>>)
        %dma_wait3A_621 = arith.constant 2 : i32
        %dma_wait3A_622 = arith.constant 16 : i32
        %dma_wait3A_623 = arith.constant 0 : i32
        %dma_wait3A_624 = tpu.memref_slice %arg7[%dma_wait3A_622, %dma_wait3A_623] : memref<128x129xf32, #tpu.memory_space<vmem>> -> memref<8x128xf32, #tpu.memory_space<vmem>>
        %dma_wait3A_625 = arith.constant 0 : i32
        %dma_wait3A_626 = arith.constant 0 : i32
        %dma_wait3A_627 = tpu.memref_slice %arg4[%sub3A_590, %dma_wait3A_621, %add3A, %dma_wait3A_625, %dma_wait3A_626] : memref<200x8x32x8x128xf32, #tpu.memory_space<hbm>> -> memref<1x1x1x8x128xf32, #tpu.memory_space<hbm>>
        %dma_wait3A_628 = tpu.memref_squeeze %dma_wait3A_627 : memref<1x1x1x8x128xf32, #tpu.memory_space<hbm>> -> memref<8x128xf32, #tpu.memory_space<hbm>>
        %dma_wait3A_629 = arith.constant 0 : i32
        %dma_wait3A_630 = arith.constant 0 : i32
        %dma_wait3A_631 = tpu.memref_slice %arg4[%sub3A_590, %dma_wait3A_621, %add3A, %dma_wait3A_629, %dma_wait3A_630] : memref<200x8x32x8x128xf32, #tpu.memory_space<hbm>> -> memref<1x1x1x8x128xf32, #tpu.memory_space<hbm>>
        %dma_wait3A_632 = tpu.memref_squeeze %dma_wait3A_631 : memref<1x1x1x8x128xf32, #tpu.memory_space<hbm>> -> memref<8x128xf32, #tpu.memory_space<hbm>>
        %dma_wait3A_633 = arith.constant 16 : i32
        %dma_wait3A_634 = arith.constant 0 : i32
        %dma_wait3A_635 = tpu.memref_slice %arg7[%dma_wait3A_633, %dma_wait3A_634] : memref<128x129xf32, #tpu.memory_space<vmem>> -> memref<8x128xf32, #tpu.memory_space<vmem>>
        tpu.wait_dma2 semaphore(%arg10 : memref<!tpu.dma_semaphore, #tpu.memory_space<semaphore_mem>>) src(%dma_wait3A_635 : memref<8x128xf32, #tpu.memory_space<vmem>>) dst(%dma_wait3A_632 : memref<8x128xf32, #tpu.memory_space<hbm>>)
        %dma_wait3A_636 = arith.constant 3 : i32
        %dma_wait3A_637 = arith.constant 24 : i32
        %dma_wait3A_638 = arith.constant 0 : i32
        %dma_wait3A_639 = tpu.memref_slice %arg7[%dma_wait3A_637, %dma_wait3A_638] : memref<128x129xf32, #tpu.memory_space<vmem>> -> memref<8x128xf32, #tpu.memory_space<vmem>>
        %dma_wait3A_640 = arith.constant 0 : i32
        %dma_wait3A_641 = arith.constant 0 : i32
        %dma_wait3A_642 = tpu.memref_slice %arg4[%sub3A_590, %dma_wait3A_636, %add3A, %dma_wait3A_640, %dma_wait3A_641] : memref<200x8x32x8x128xf32, #tpu.memory_space<hbm>> -> memref<1x1x1x8x128xf32, #tpu.memory_space<hbm>>
        %dma_wait3A_643 = tpu.memref_squeeze %dma_wait3A_642 : memref<1x1x1x8x128xf32, #tpu.memory_space<hbm>> -> memref<8x128xf32, #tpu.memory_space<hbm>>
        %dma_wait3A_644 = arith.constant 0 : i32
        %dma_wait3A_645 = arith.constant 0 : i32
        %dma_wait3A_646 = tpu.memref_slice %arg4[%sub3A_590, %dma_wait3A_636, %add3A, %dma_wait3A_644, %dma_wait3A_645] : memref<200x8x32x8x128xf32, #tpu.memory_space<hbm>> -> memref<1x1x1x8x128xf32, #tpu.memory_space<hbm>>
        %dma_wait3A_647 = tpu.memref_squeeze %dma_wait3A_646 : memref<1x1x1x8x128xf32, #tpu.memory_space<hbm>> -> memref<8x128xf32, #tpu.memory_space<hbm>>
        %dma_wait3A_648 = arith.constant 24 : i32
        %dma_wait3A_649 = arith.constant 0 : i32
        %dma_wait3A_650 = tpu.memref_slice %arg7[%dma_wait3A_648, %dma_wait3A_649] : memref<128x129xf32, #tpu.memory_space<vmem>> -> memref<8x128xf32, #tpu.memory_space<vmem>>
        tpu.wait_dma2 semaphore(%arg10 : memref<!tpu.dma_semaphore, #tpu.memory_space<semaphore_mem>>) src(%dma_wait3A_650 : memref<8x128xf32, #tpu.memory_space<vmem>>) dst(%dma_wait3A_647 : memref<8x128xf32, #tpu.memory_space<hbm>>)
        %dma_wait3A_651 = arith.constant 4 : i32
        %dma_wait3A_652 = arith.constant 32 : i32
        %dma_wait3A_653 = arith.constant 0 : i32
        %dma_wait3A_654 = tpu.memref_slice %arg7[%dma_wait3A_652, %dma_wait3A_653] : memref<128x129xf32, #tpu.memory_space<vmem>> -> memref<8x128xf32, #tpu.memory_space<vmem>>
        %dma_wait3A_655 = arith.constant 0 : i32
        %dma_wait3A_656 = arith.constant 0 : i32
        %dma_wait3A_657 = tpu.memref_slice %arg4[%sub3A_590, %dma_wait3A_651, %add3A, %dma_wait3A_655, %dma_wait3A_656] : memref<200x8x32x8x128xf32, #tpu.memory_space<hbm>> -> memref<1x1x1x8x128xf32, #tpu.memory_space<hbm>>
        %dma_wait3A_658 = tpu.memref_squeeze %dma_wait3A_657 : memref<1x1x1x8x128xf32, #tpu.memory_space<hbm>> -> memref<8x128xf32, #tpu.memory_space<hbm>>
        %dma_wait3A_659 = arith.constant 0 : i32
        %dma_wait3A_660 = arith.constant 0 : i32
        %dma_wait3A_661 = tpu.memref_slice %arg4[%sub3A_590, %dma_wait3A_651, %add3A, %dma_wait3A_659, %dma_wait3A_660] : memref<200x8x32x8x128xf32, #tpu.memory_space<hbm>> -> memref<1x1x1x8x128xf32, #tpu.memory_space<hbm>>
        %dma_wait3A_662 = tpu.memref_squeeze %dma_wait3A_661 : memref<1x1x1x8x128xf32, #tpu.memory_space<hbm>> -> memref<8x128xf32, #tpu.memory_space<hbm>>
        %dma_wait3A_663 = arith.constant 32 : i32
        %dma_wait3A_664 = arith.constant 0 : i32
        %dma_wait3A_665 = tpu.memref_slice %arg7[%dma_wait3A_663, %dma_wait3A_664] : memref<128x129xf32, #tpu.memory_space<vmem>> -> memref<8x128xf32, #tpu.memory_space<vmem>>
        tpu.wait_dma2 semaphore(%arg10 : memref<!tpu.dma_semaphore, #tpu.memory_space<semaphore_mem>>) src(%dma_wait3A_665 : memref<8x128xf32, #tpu.memory_space<vmem>>) dst(%dma_wait3A_662 : memref<8x128xf32, #tpu.memory_space<hbm>>)
        %dma_wait3A_666 = arith.constant 5 : i32
        %dma_wait3A_667 = arith.constant 40 : i32
        %dma_wait3A_668 = arith.constant 0 : i32
        %dma_wait3A_669 = tpu.memref_slice %arg7[%dma_wait3A_667, %dma_wait3A_668] : memref<128x129xf32, #tpu.memory_space<vmem>> -> memref<8x128xf32, #tpu.memory_space<vmem>>
        %dma_wait3A_670 = arith.constant 0 : i32
        %dma_wait3A_671 = arith.constant 0 : i32
        %dma_wait3A_672 = tpu.memref_slice %arg4[%sub3A_590, %dma_wait3A_666, %add3A, %dma_wait3A_670, %dma_wait3A_671] : memref<200x8x32x8x128xf32, #tpu.memory_space<hbm>> -> memref<1x1x1x8x128xf32, #tpu.memory_space<hbm>>
        %dma_wait3A_673 = tpu.memref_squeeze %dma_wait3A_672 : memref<1x1x1x8x128xf32, #tpu.memory_space<hbm>> -> memref<8x128xf32, #tpu.memory_space<hbm>>
        %dma_wait3A_674 = arith.constant 0 : i32
        %dma_wait3A_675 = arith.constant 0 : i32
        %dma_wait3A_676 = tpu.memref_slice %arg4[%sub3A_590, %dma_wait3A_666, %add3A, %dma_wait3A_674, %dma_wait3A_675] : memref<200x8x32x8x128xf32, #tpu.memory_space<hbm>> -> memref<1x1x1x8x128xf32, #tpu.memory_space<hbm>>
        %dma_wait3A_677 = tpu.memref_squeeze %dma_wait3A_676 : memref<1x1x1x8x128xf32, #tpu.memory_space<hbm>> -> memref<8x128xf32, #tpu.memory_space<hbm>>
        %dma_wait3A_678 = arith.constant 40 : i32
        %dma_wait3A_679 = arith.constant 0 : i32
        %dma_wait3A_680 = tpu.memref_slice %arg7[%dma_wait3A_678, %dma_wait3A_679] : memref<128x129xf32, #tpu.memory_space<vmem>> -> memref<8x128xf32, #tpu.memory_space<vmem>>
        tpu.wait_dma2 semaphore(%arg10 : memref<!tpu.dma_semaphore, #tpu.memory_space<semaphore_mem>>) src(%dma_wait3A_680 : memref<8x128xf32, #tpu.memory_space<vmem>>) dst(%dma_wait3A_677 : memref<8x128xf32, #tpu.memory_space<hbm>>)
        %dma_wait3A_681 = arith.constant 6 : i32
        %dma_wait3A_682 = arith.constant 48 : i32
        %dma_wait3A_683 = arith.constant 0 : i32
        %dma_wait3A_684 = tpu.memref_slice %arg7[%dma_wait3A_682, %dma_wait3A_683] : memref<128x129xf32, #tpu.memory_space<vmem>> -> memref<8x128xf32, #tpu.memory_space<vmem>>
        %dma_wait3A_685 = arith.constant 0 : i32
        %dma_wait3A_686 = arith.constant 0 : i32
        %dma_wait3A_687 = tpu.memref_slice %arg4[%sub3A_590, %dma_wait3A_681, %add3A, %dma_wait3A_685, %dma_wait3A_686] : memref<200x8x32x8x128xf32, #tpu.memory_space<hbm>> -> memref<1x1x1x8x128xf32, #tpu.memory_space<hbm>>
        %dma_wait3A_688 = tpu.memref_squeeze %dma_wait3A_687 : memref<1x1x1x8x128xf32, #tpu.memory_space<hbm>> -> memref<8x128xf32, #tpu.memory_space<hbm>>
        %dma_wait3A_689 = arith.constant 0 : i32
        %dma_wait3A_690 = arith.constant 0 : i32
        %dma_wait3A_691 = tpu.memref_slice %arg4[%sub3A_590, %dma_wait3A_681, %add3A, %dma_wait3A_689, %dma_wait3A_690] : memref<200x8x32x8x128xf32, #tpu.memory_space<hbm>> -> memref<1x1x1x8x128xf32, #tpu.memory_space<hbm>>
        %dma_wait3A_692 = tpu.memref_squeeze %dma_wait3A_691 : memref<1x1x1x8x128xf32, #tpu.memory_space<hbm>> -> memref<8x128xf32, #tpu.memory_space<hbm>>
        %dma_wait3A_693 = arith.constant 48 : i32
        %dma_wait3A_694 = arith.constant 0 : i32
        %dma_wait3A_695 = tpu.memref_slice %arg7[%dma_wait3A_693, %dma_wait3A_694] : memref<128x129xf32, #tpu.memory_space<vmem>> -> memref<8x128xf32, #tpu.memory_space<vmem>>
        tpu.wait_dma2 semaphore(%arg10 : memref<!tpu.dma_semaphore, #tpu.memory_space<semaphore_mem>>) src(%dma_wait3A_695 : memref<8x128xf32, #tpu.memory_space<vmem>>) dst(%dma_wait3A_692 : memref<8x128xf32, #tpu.memory_space<hbm>>)
        %dma_wait3A_696 = arith.constant 7 : i32
        %dma_wait3A_697 = arith.constant 56 : i32
        %dma_wait3A_698 = arith.constant 0 : i32
        %dma_wait3A_699 = tpu.memref_slice %arg7[%dma_wait3A_697, %dma_wait3A_698] : memref<128x129xf32, #tpu.memory_space<vmem>> -> memref<8x128xf32, #tpu.memory_space<vmem>>
        %dma_wait3A_700 = arith.constant 0 : i32
        %dma_wait3A_701 = arith.constant 0 : i32
        %dma_wait3A_702 = tpu.memref_slice %arg4[%sub3A_590, %dma_wait3A_696, %add3A, %dma_wait3A_700, %dma_wait3A_701] : memref<200x8x32x8x128xf32, #tpu.memory_space<hbm>> -> memref<1x1x1x8x128xf32, #tpu.memory_space<hbm>>
        %dma_wait3A_703 = tpu.memref_squeeze %dma_wait3A_702 : memref<1x1x1x8x128xf32, #tpu.memory_space<hbm>> -> memref<8x128xf32, #tpu.memory_space<hbm>>
        %dma_wait3A_704 = arith.constant 0 : i32
        %dma_wait3A_705 = arith.constant 0 : i32
        %dma_wait3A_706 = tpu.memref_slice %arg4[%sub3A_590, %dma_wait3A_696, %add3A, %dma_wait3A_704, %dma_wait3A_705] : memref<200x8x32x8x128xf32, #tpu.memory_space<hbm>> -> memref<1x1x1x8x128xf32, #tpu.memory_space<hbm>>
        %dma_wait3A_707 = tpu.memref_squeeze %dma_wait3A_706 : memref<1x1x1x8x128xf32, #tpu.memory_space<hbm>> -> memref<8x128xf32, #tpu.memory_space<hbm>>
        %dma_wait3A_708 = arith.constant 56 : i32
        %dma_wait3A_709 = arith.constant 0 : i32
        %dma_wait3A_710 = tpu.memref_slice %arg7[%dma_wait3A_708, %dma_wait3A_709] : memref<128x129xf32, #tpu.memory_space<vmem>> -> memref<8x128xf32, #tpu.memory_space<vmem>>
        tpu.wait_dma2 semaphore(%arg10 : memref<!tpu.dma_semaphore, #tpu.memory_space<semaphore_mem>>) src(%dma_wait3A_710 : memref<8x128xf32, #tpu.memory_space<vmem>>) dst(%dma_wait3A_707 : memref<8x128xf32, #tpu.memory_space<hbm>>)
      } else {
      }
      %scan3A_307 = arith.constant 0 : i32
      %scan3A_308 = arith.constant 0 : i32
      %scan3A_309 = arith.constant 16 : i32
      %scan3A_310 = arith.addi %scan3A_308, %scan3A_309 : i32
      %scan3A_311 = arith.constant 1 : i32
      scf.for %scan3A_590 = %scan3A_308 to %scan3A_310 step %scan3A_311  : i32 {
        %mul3A_591 = arith.constant 8 : i32
        %mul3A_592 = arith.muli %scan3A_590, %mul3A_591 : i32
        %add3A_593 = arith.constant 0 : i32
        %add3A_594 = arith.addi %add3A_593, %mul3A_592 : i32
        %add3A_595 = arith.constant 0 : i32
        %add3A_596 = arith.addi %add3A_594, %add3A_595 : i32
        %get3A = arith.index_cast %add3A_596 : i32 to index
        %get3A_597 = arith.constant 0 : index
        %get3A_598 = tpu.vector_load %arg6[%get3A, %get3A_597] {strides = array<i32>} : memref<256x128xf32, #tpu.memory_space<vmem>>, vector<16xf32>,
        %add3A_599 = arith.constant 0 : i32
        %add3A_600 = vector.broadcast %add3A_599 : i32 to vector<16xi32>
        %add3A_601 = arith.addi %iota3A, %add3A_600 : vector<16xi32>
        %add3A_602 = arith.constant 0 : i32
        %add3A_603 = arith.addi %mul3A_592, %add3A_602 : i32
        %broadcast_in_dim3A = vector.broadcast %add3A_603 : i32 to vector<16xi32>
        tpu.vector_store_idx %arg7[%add3A_601, %broadcast_in_dim3A], %get3A_598 : memref<128x129xf32, #tpu.memory_space<vmem>>[vector<16xi32>, vector<16xi32>], vector<16xf32>,
        %add3A_604 = arith.constant 0 : i32
        %add3A_605 = arith.addi %add3A_604, %mul3A_592 : i32
        %add3A_606 = arith.constant 0 : i32
        %add3A_607 = arith.addi %add3A_605, %add3A_606 : i32
        %get3A_608 = arith.index_cast %add3A_607 : i32 to index
        %get3A_609 = arith.constant 16 : index
        %get3A_610 = tpu.vector_load %arg6[%get3A_608, %get3A_609] {strides = array<i32>} : memref<256x128xf32, #tpu.memory_space<vmem>>, vector<16xf32>,
        %add3A_611 = arith.constant 16 : i32
        %add3A_612 = vector.broadcast %add3A_611 : i32 to vector<16xi32>
        %add3A_613 = arith.addi %iota3A, %add3A_612 : vector<16xi32>
        %add3A_614 = arith.constant 0 : i32
        %add3A_615 = arith.addi %mul3A_592, %add3A_614 : i32
        %broadcast_in_dim3A_616 = vector.broadcast %add3A_615 : i32 to vector<16xi32>
        tpu.vector_store_idx %arg7[%add3A_613, %broadcast_in_dim3A_616], %get3A_610 : memref<128x129xf32, #tpu.memory_space<vmem>>[vector<16xi32>, vector<16xi32>], vector<16xf32>,
        %add3A_617 = arith.constant 0 : i32
        %add3A_618 = arith.addi %add3A_617, %mul3A_592 : i32
        %add3A_619 = arith.constant 0 : i32
        %add3A_620 = arith.addi %add3A_618, %add3A_619 : i32
        %get3A_621 = arith.index_cast %add3A_620 : i32 to index
        %get3A_622 = arith.constant 32 : index
        %get3A_623 = tpu.vector_load %arg6[%get3A_621, %get3A_622] {strides = array<i32>} : memref<256x128xf32, #tpu.memory_space<vmem>>, vector<16xf32>,
        %add3A_624 = arith.constant 32 : i32
        %add3A_625 = vector.broadcast %add3A_624 : i32 to vector<16xi32>
        %add3A_626 = arith.addi %iota3A, %add3A_625 : vector<16xi32>
        %add3A_627 = arith.constant 0 : i32
        %add3A_628 = arith.addi %mul3A_592, %add3A_627 : i32
        %broadcast_in_dim3A_629 = vector.broadcast %add3A_628 : i32 to vector<16xi32>
        tpu.vector_store_idx %arg7[%add3A_626, %broadcast_in_dim3A_629], %get3A_623 : memref<128x129xf32, #tpu.memory_space<vmem>>[vector<16xi32>, vector<16xi32>], vector<16xf32>,
        %add3A_630 = arith.constant 0 : i32
        %add3A_631 = arith.addi %add3A_630, %mul3A_592 : i32
        %add3A_632 = arith.constant 0 : i32
        %add3A_633 = arith.addi %add3A_631, %add3A_632 : i32
        %get3A_634 = arith.index_cast %add3A_633 : i32 to index
        %get3A_635 = arith.constant 48 : index
        %get3A_636 = tpu.vector_load %arg6[%get3A_634, %get3A_635] {strides = array<i32>} : memref<256x128xf32, #tpu.memory_space<vmem>>, vector<16xf32>,
        %add3A_637 = arith.constant 48 : i32
        %add3A_638 = vector.broadcast %add3A_637 : i32 to vector<16xi32>
        %add3A_639 = arith.addi %iota3A, %add3A_638 : vector<16xi32>
        %add3A_640 = arith.constant 0 : i32
        %add3A_641 = arith.addi %mul3A_592, %add3A_640 : i32
        %broadcast_in_dim3A_642 = vector.broadcast %add3A_641 : i32 to vector<16xi32>
        tpu.vector_store_idx %arg7[%add3A_639, %broadcast_in_dim3A_642], %get3A_636 : memref<128x129xf32, #tpu.memory_space<vmem>>[vector<16xi32>, vector<16xi32>], vector<16xf32>,
        %add3A_643 = arith.constant 0 : i32
        %add3A_644 = arith.addi %add3A_643, %mul3A_592 : i32
        %add3A_645 = arith.constant 1 : i32
        %add3A_646 = arith.addi %add3A_644, %add3A_645 : i32
        %get3A_647 = arith.index_cast %add3A_646 : i32 to index
        %get3A_648 = arith.constant 0 : index
        %get3A_649 = tpu.vector_load %arg6[%get3A_647, %get3A_648] {strides = array<i32>} : memref<256x128xf32, #tpu.memory_space<vmem>>, vector<16xf32>,
        %add3A_650 = arith.constant 0 : i32
        %add3A_651 = vector.broadcast %add3A_650 : i32 to vector<16xi32>
        %add3A_652 = arith.addi %iota3A, %add3A_651 : vector<16xi32>
        %add3A_653 = arith.constant 1 : i32
        %add3A_654 = arith.addi %mul3A_592, %add3A_653 : i32
        %broadcast_in_dim3A_655 = vector.broadcast %add3A_654 : i32 to vector<16xi32>
        tpu.vector_store_idx %arg7[%add3A_652, %broadcast_in_dim3A_655], %get3A_649 : memref<128x129xf32, #tpu.memory_space<vmem>>[vector<16xi32>, vector<16xi32>], vector<16xf32>,
        %add3A_656 = arith.constant 0 : i32
        %add3A_657 = arith.addi %add3A_656, %mul3A_592 : i32
        %add3A_658 = arith.constant 1 : i32
        %add3A_659 = arith.addi %add3A_657, %add3A_658 : i32
        %get3A_660 = arith.index_cast %add3A_659 : i32 to index
        %get3A_661 = arith.constant 16 : index
        %get3A_662 = tpu.vector_load %arg6[%get3A_660, %get3A_661] {strides = array<i32>} : memref<256x128xf32, #tpu.memory_space<vmem>>, vector<16xf32>,
        %add3A_663 = arith.constant 16 : i32
        %add3A_664 = vector.broadcast %add3A_663 : i32 to vector<16xi32>
        %add3A_665 = arith.addi %iota3A, %add3A_664 : vector<16xi32>
        %add3A_666 = arith.constant 1 : i32
        %add3A_667 = arith.addi %mul3A_592, %add3A_666 : i32
        %broadcast_in_dim3A_668 = vector.broadcast %add3A_667 : i32 to vector<16xi32>
        tpu.vector_store_idx %arg7[%add3A_665, %broadcast_in_dim3A_668], %get3A_662 : memref<128x129xf32, #tpu.memory_space<vmem>>[vector<16xi32>, vector<16xi32>], vector<16xf32>,
        %add3A_669 = arith.constant 0 : i32
        %add3A_670 = arith.addi %add3A_669, %mul3A_592 : i32
        %add3A_671 = arith.constant 1 : i32
        %add3A_672 = arith.addi %add3A_670, %add3A_671 : i32
        %get3A_673 = arith.index_cast %add3A_672 : i32 to index
        %get3A_674 = arith.constant 32 : index
        %get3A_675 = tpu.vector_load %arg6[%get3A_673, %get3A_674] {strides = array<i32>} : memref<256x128xf32, #tpu.memory_space<vmem>>, vector<16xf32>,
        %add3A_676 = arith.constant 32 : i32
        %add3A_677 = vector.broadcast %add3A_676 : i32 to vector<16xi32>
        %add3A_678 = arith.addi %iota3A, %add3A_677 : vector<16xi32>
        %add3A_679 = arith.constant 1 : i32
        %add3A_680 = arith.addi %mul3A_592, %add3A_679 : i32
        %broadcast_in_dim3A_681 = vector.broadcast %add3A_680 : i32 to vector<16xi32>
        tpu.vector_store_idx %arg7[%add3A_678, %broadcast_in_dim3A_681], %get3A_675 : memref<128x129xf32, #tpu.memory_space<vmem>>[vector<16xi32>, vector<16xi32>], vector<16xf32>,
        %add3A_682 = arith.constant 0 : i32
        %add3A_683 = arith.addi %add3A_682, %mul3A_592 : i32
        %add3A_684 = arith.constant 1 : i32
        %add3A_685 = arith.addi %add3A_683, %add3A_684 : i32
        %get3A_686 = arith.index_cast %add3A_685 : i32 to index
        %get3A_687 = arith.constant 48 : index
        %get3A_688 = tpu.vector_load %arg6[%get3A_686, %get3A_687] {strides = array<i32>} : memref<256x128xf32, #tpu.memory_space<vmem>>, vector<16xf32>,
        %add3A_689 = arith.constant 48 : i32
        %add3A_690 = vector.broadcast %add3A_689 : i32 to vector<16xi32>
        %add3A_691 = arith.addi %iota3A, %add3A_690 : vector<16xi32>
        %add3A_692 = arith.constant 1 : i32
        %add3A_693 = arith.addi %mul3A_592, %add3A_692 : i32
        %broadcast_in_dim3A_694 = vector.broadcast %add3A_693 : i32 to vector<16xi32>
        tpu.vector_store_idx %arg7[%add3A_691, %broadcast_in_dim3A_694], %get3A_688 : memref<128x129xf32, #tpu.memory_space<vmem>>[vector<16xi32>, vector<16xi32>], vector<16xf32>,
        %add3A_695 = arith.constant 0 : i32
        %add3A_696 = arith.addi %add3A_695, %mul3A_592 : i32
        %add3A_697 = arith.constant 2 : i32
        %add3A_698 = arith.addi %add3A_696, %add3A_697 : i32
        %get3A_699 = arith.index_cast %add3A_698 : i32 to index
        %get3A_700 = arith.constant 0 : index
        %get3A_701 = tpu.vector_load %arg6[%get3A_699, %get3A_700] {strides = array<i32>} : memref<256x128xf32, #tpu.memory_space<vmem>>, vector<16xf32>,
        %add3A_702 = arith.constant 0 : i32
        %add3A_703 = vector.broadcast %add3A_702 : i32 to vector<16xi32>
        %add3A_704 = arith.addi %iota3A, %add3A_703 : vector<16xi32>
        %add3A_705 = arith.constant 2 : i32
        %add3A_706 = arith.addi %mul3A_592, %add3A_705 : i32
        %broadcast_in_dim3A_707 = vector.broadcast %add3A_706 : i32 to vector<16xi32>
        tpu.vector_store_idx %arg7[%add3A_704, %broadcast_in_dim3A_707], %get3A_701 : memref<128x129xf32, #tpu.memory_space<vmem>>[vector<16xi32>, vector<16xi32>], vector<16xf32>,
        %add3A_708 = arith.constant 0 : i32
        %add3A_709 = arith.addi %add3A_708, %mul3A_592 : i32
        %add3A_710 = arith.constant 2 : i32
        %add3A_711 = arith.addi %add3A_709, %add3A_710 : i32
        %get3A_712 = arith.index_cast %add3A_711 : i32 to index
        %get3A_713 = arith.constant 16 : index
        %get3A_714 = tpu.vector_load %arg6[%get3A_712, %get3A_713] {strides = array<i32>} : memref<256x128xf32, #tpu.memory_space<vmem>>, vector<16xf32>,
        %add3A_715 = arith.constant 16 : i32
        %add3A_716 = vector.broadcast %add3A_715 : i32 to vector<16xi32>
        %add3A_717 = arith.addi %iota3A, %add3A_716 : vector<16xi32>
        %add3A_718 = arith.constant 2 : i32
        %add3A_719 = arith.addi %mul3A_592, %add3A_718 : i32
        %broadcast_in_dim3A_720 = vector.broadcast %add3A_719 : i32 to vector<16xi32>
        tpu.vector_store_idx %arg7[%add3A_717, %broadcast_in_dim3A_720], %get3A_714 : memref<128x129xf32, #tpu.memory_space<vmem>>[vector<16xi32>, vector<16xi32>], vector<16xf32>,
        %add3A_721 = arith.constant 0 : i32
        %add3A_722 = arith.addi %add3A_721, %mul3A_592 : i32
        %add3A_723 = arith.constant 2 : i32
        %add3A_724 = arith.addi %add3A_722, %add3A_723 : i32
        %get3A_725 = arith.index_cast %add3A_724 : i32 to index
        %get3A_726 = arith.constant 32 : index
        %get3A_727 = tpu.vector_load %arg6[%get3A_725, %get3A_726] {strides = array<i32>} : memref<256x128xf32, #tpu.memory_space<vmem>>, vector<16xf32>,
        %add3A_728 = arith.constant 32 : i32
        %add3A_729 = vector.broadcast %add3A_728 : i32 to vector<16xi32>
        %add3A_730 = arith.addi %iota3A, %add3A_729 : vector<16xi32>
        %add3A_731 = arith.constant 2 : i32
        %add3A_732 = arith.addi %mul3A_592, %add3A_731 : i32
        %broadcast_in_dim3A_733 = vector.broadcast %add3A_732 : i32 to vector<16xi32>
        tpu.vector_store_idx %arg7[%add3A_730, %broadcast_in_dim3A_733], %get3A_727 : memref<128x129xf32, #tpu.memory_space<vmem>>[vector<16xi32>, vector<16xi32>], vector<16xf32>,
        %add3A_734 = arith.constant 0 : i32
        %add3A_735 = arith.addi %add3A_734, %mul3A_592 : i32
        %add3A_736 = arith.constant 2 : i32
        %add3A_737 = arith.addi %add3A_735, %add3A_736 : i32
        %get3A_738 = arith.index_cast %add3A_737 : i32 to index
        %get3A_739 = arith.constant 48 : index
        %get3A_740 = tpu.vector_load %arg6[%get3A_738, %get3A_739] {strides = array<i32>} : memref<256x128xf32, #tpu.memory_space<vmem>>, vector<16xf32>,
        %add3A_741 = arith.constant 48 : i32
        %add3A_742 = vector.broadcast %add3A_741 : i32 to vector<16xi32>
        %add3A_743 = arith.addi %iota3A, %add3A_742 : vector<16xi32>
        %add3A_744 = arith.constant 2 : i32
        %add3A_745 = arith.addi %mul3A_592, %add3A_744 : i32
        %broadcast_in_dim3A_746 = vector.broadcast %add3A_745 : i32 to vector<16xi32>
        tpu.vector_store_idx %arg7[%add3A_743, %broadcast_in_dim3A_746], %get3A_740 : memref<128x129xf32, #tpu.memory_space<vmem>>[vector<16xi32>, vector<16xi32>], vector<16xf32>,
        %add3A_747 = arith.constant 0 : i32
        %add3A_748 = arith.addi %add3A_747, %mul3A_592 : i32
        %add3A_749 = arith.constant 3 : i32
        %add3A_750 = arith.addi %add3A_748, %add3A_749 : i32
        %get3A_751 = arith.index_cast %add3A_750 : i32 to index
        %get3A_752 = arith.constant 0 : index
        %get3A_753 = tpu.vector_load %arg6[%get3A_751, %get3A_752] {strides = array<i32>} : memref<256x128xf32, #tpu.memory_space<vmem>>, vector<16xf32>,
        %add3A_754 = arith.constant 0 : i32
        %add3A_755 = vector.broadcast %add3A_754 : i32 to vector<16xi32>
        %add3A_756 = arith.addi %iota3A, %add3A_755 : vector<16xi32>
        %add3A_757 = arith.constant 3 : i32
        %add3A_758 = arith.addi %mul3A_592, %add3A_757 : i32
        %broadcast_in_dim3A_759 = vector.broadcast %add3A_758 : i32 to vector<16xi32>
        tpu.vector_store_idx %arg7[%add3A_756, %broadcast_in_dim3A_759], %get3A_753 : memref<128x129xf32, #tpu.memory_space<vmem>>[vector<16xi32>, vector<16xi32>], vector<16xf32>,
        %add3A_760 = arith.constant 0 : i32
        %add3A_761 = arith.addi %add3A_760, %mul3A_592 : i32
        %add3A_762 = arith.constant 3 : i32
        %add3A_763 = arith.addi %add3A_761, %add3A_762 : i32
        %get3A_764 = arith.index_cast %add3A_763 : i32 to index
        %get3A_765 = arith.constant 16 : index
        %get3A_766 = tpu.vector_load %arg6[%get3A_764, %get3A_765] {strides = array<i32>} : memref<256x128xf32, #tpu.memory_space<vmem>>, vector<16xf32>,
        %add3A_767 = arith.constant 16 : i32
        %add3A_768 = vector.broadcast %add3A_767 : i32 to vector<16xi32>
        %add3A_769 = arith.addi %iota3A, %add3A_768 : vector<16xi32>
        %add3A_770 = arith.constant 3 : i32
        %add3A_771 = arith.addi %mul3A_592, %add3A_770 : i32
        %broadcast_in_dim3A_772 = vector.broadcast %add3A_771 : i32 to vector<16xi32>
        tpu.vector_store_idx %arg7[%add3A_769, %broadcast_in_dim3A_772], %get3A_766 : memref<128x129xf32, #tpu.memory_space<vmem>>[vector<16xi32>, vector<16xi32>], vector<16xf32>,
        %add3A_773 = arith.constant 0 : i32
        %add3A_774 = arith.addi %add3A_773, %mul3A_592 : i32
        %add3A_775 = arith.constant 3 : i32
        %add3A_776 = arith.addi %add3A_774, %add3A_775 : i32
        %get3A_777 = arith.index_cast %add3A_776 : i32 to index
        %get3A_778 = arith.constant 32 : index
        %get3A_779 = tpu.vector_load %arg6[%get3A_777, %get3A_778] {strides = array<i32>} : memref<256x128xf32, #tpu.memory_space<vmem>>, vector<16xf32>,
        %add3A_780 = arith.constant 32 : i32
        %add3A_781 = vector.broadcast %add3A_780 : i32 to vector<16xi32>
        %add3A_782 = arith.addi %iota3A, %add3A_781 : vector<16xi32>
        %add3A_783 = arith.constant 3 : i32
        %add3A_784 = arith.addi %mul3A_592, %add3A_783 : i32
        %broadcast_in_dim3A_785 = vector.broadcast %add3A_784 : i32 to vector<16xi32>
        tpu.vector_store_idx %arg7[%add3A_782, %broadcast_in_dim3A_785], %get3A_779 : memref<128x129xf32, #tpu.memory_space<vmem>>[vector<16xi32>, vector<16xi32>], vector<16xf32>,
        %add3A_786 = arith.constant 0 : i32
        %add3A_787 = arith.addi %add3A_786, %mul3A_592 : i32
        %add3A_788 = arith.constant 3 : i32
        %add3A_789 = arith.addi %add3A_787, %add3A_788 : i32
        %get3A_790 = arith.index_cast %add3A_789 : i32 to index
        %get3A_791 = arith.constant 48 : index
        %get3A_792 = tpu.vector_load %arg6[%get3A_790, %get3A_791] {strides = array<i32>} : memref<256x128xf32, #tpu.memory_space<vmem>>, vector<16xf32>,
        %add3A_793 = arith.constant 48 : i32
        %add3A_794 = vector.broadcast %add3A_793 : i32 to vector<16xi32>
        %add3A_795 = arith.addi %iota3A, %add3A_794 : vector<16xi32>
        %add3A_796 = arith.constant 3 : i32
        %add3A_797 = arith.addi %mul3A_592, %add3A_796 : i32
        %broadcast_in_dim3A_798 = vector.broadcast %add3A_797 : i32 to vector<16xi32>
        tpu.vector_store_idx %arg7[%add3A_795, %broadcast_in_dim3A_798], %get3A_792 : memref<128x129xf32, #tpu.memory_space<vmem>>[vector<16xi32>, vector<16xi32>], vector<16xf32>,
        %add3A_799 = arith.constant 0 : i32
        %add3A_800 = arith.addi %add3A_799, %mul3A_592 : i32
        %add3A_801 = arith.constant 4 : i32
        %add3A_802 = arith.addi %add3A_800, %add3A_801 : i32
        %get3A_803 = arith.index_cast %add3A_802 : i32 to index
        %get3A_804 = arith.constant 0 : index
        %get3A_805 = tpu.vector_load %arg6[%get3A_803, %get3A_804] {strides = array<i32>} : memref<256x128xf32, #tpu.memory_space<vmem>>, vector<16xf32>,
        %add3A_806 = arith.constant 0 : i32
        %add3A_807 = vector.broadcast %add3A_806 : i32 to vector<16xi32>
        %add3A_808 = arith.addi %iota3A, %add3A_807 : vector<16xi32>
        %add3A_809 = arith.constant 4 : i32
        %add3A_810 = arith.addi %mul3A_592, %add3A_809 : i32
        %broadcast_in_dim3A_811 = vector.broadcast %add3A_810 : i32 to vector<16xi32>
        tpu.vector_store_idx %arg7[%add3A_808, %broadcast_in_dim3A_811], %get3A_805 : memref<128x129xf32, #tpu.memory_space<vmem>>[vector<16xi32>, vector<16xi32>], vector<16xf32>,
        %add3A_812 = arith.constant 0 : i32
        %add3A_813 = arith.addi %add3A_812, %mul3A_592 : i32
        %add3A_814 = arith.constant 4 : i32
        %add3A_815 = arith.addi %add3A_813, %add3A_814 : i32
        %get3A_816 = arith.index_cast %add3A_815 : i32 to index
        %get3A_817 = arith.constant 16 : index
        %get3A_818 = tpu.vector_load %arg6[%get3A_816, %get3A_817] {strides = array<i32>} : memref<256x128xf32, #tpu.memory_space<vmem>>, vector<16xf32>,
        %add3A_819 = arith.constant 16 : i32
        %add3A_820 = vector.broadcast %add3A_819 : i32 to vector<16xi32>
        %add3A_821 = arith.addi %iota3A, %add3A_820 : vector<16xi32>
        %add3A_822 = arith.constant 4 : i32
        %add3A_823 = arith.addi %mul3A_592, %add3A_822 : i32
        %broadcast_in_dim3A_824 = vector.broadcast %add3A_823 : i32 to vector<16xi32>
        tpu.vector_store_idx %arg7[%add3A_821, %broadcast_in_dim3A_824], %get3A_818 : memref<128x129xf32, #tpu.memory_space<vmem>>[vector<16xi32>, vector<16xi32>], vector<16xf32>,
        %add3A_825 = arith.constant 0 : i32
        %add3A_826 = arith.addi %add3A_825, %mul3A_592 : i32
        %add3A_827 = arith.constant 4 : i32
        %add3A_828 = arith.addi %add3A_826, %add3A_827 : i32
        %get3A_829 = arith.index_cast %add3A_828 : i32 to index
        %get3A_830 = arith.constant 32 : index
        %get3A_831 = tpu.vector_load %arg6[%get3A_829, %get3A_830] {strides = array<i32>} : memref<256x128xf32, #tpu.memory_space<vmem>>, vector<16xf32>,
        %add3A_832 = arith.constant 32 : i32
        %add3A_833 = vector.broadcast %add3A_832 : i32 to vector<16xi32>
        %add3A_834 = arith.addi %iota3A, %add3A_833 : vector<16xi32>
        %add3A_835 = arith.constant 4 : i32
        %add3A_836 = arith.addi %mul3A_592, %add3A_835 : i32
        %broadcast_in_dim3A_837 = vector.broadcast %add3A_836 : i32 to vector<16xi32>
        tpu.vector_store_idx %arg7[%add3A_834, %broadcast_in_dim3A_837], %get3A_831 : memref<128x129xf32, #tpu.memory_space<vmem>>[vector<16xi32>, vector<16xi32>], vector<16xf32>,
        %add3A_838 = arith.constant 0 : i32
        %add3A_839 = arith.addi %add3A_838, %mul3A_592 : i32
        %add3A_840 = arith.constant 4 : i32
        %add3A_841 = arith.addi %add3A_839, %add3A_840 : i32
        %get3A_842 = arith.index_cast %add3A_841 : i32 to index
        %get3A_843 = arith.constant 48 : index
        %get3A_844 = tpu.vector_load %arg6[%get3A_842, %get3A_843] {strides = array<i32>} : memref<256x128xf32, #tpu.memory_space<vmem>>, vector<16xf32>,
        %add3A_845 = arith.constant 48 : i32
        %add3A_846 = vector.broadcast %add3A_845 : i32 to vector<16xi32>
        %add3A_847 = arith.addi %iota3A, %add3A_846 : vector<16xi32>
        %add3A_848 = arith.constant 4 : i32
        %add3A_849 = arith.addi %mul3A_592, %add3A_848 : i32
        %broadcast_in_dim3A_850 = vector.broadcast %add3A_849 : i32 to vector<16xi32>
        tpu.vector_store_idx %arg7[%add3A_847, %broadcast_in_dim3A_850], %get3A_844 : memref<128x129xf32, #tpu.memory_space<vmem>>[vector<16xi32>, vector<16xi32>], vector<16xf32>,
        %add3A_851 = arith.constant 0 : i32
        %add3A_852 = arith.addi %add3A_851, %mul3A_592 : i32
        %add3A_853 = arith.constant 5 : i32
        %add3A_854 = arith.addi %add3A_852, %add3A_853 : i32
        %get3A_855 = arith.index_cast %add3A_854 : i32 to index
        %get3A_856 = arith.constant 0 : index
        %get3A_857 = tpu.vector_load %arg6[%get3A_855, %get3A_856] {strides = array<i32>} : memref<256x128xf32, #tpu.memory_space<vmem>>, vector<16xf32>,
        %add3A_858 = arith.constant 0 : i32
        %add3A_859 = vector.broadcast %add3A_858 : i32 to vector<16xi32>
        %add3A_860 = arith.addi %iota3A, %add3A_859 : vector<16xi32>
        %add3A_861 = arith.constant 5 : i32
        %add3A_862 = arith.addi %mul3A_592, %add3A_861 : i32
        %broadcast_in_dim3A_863 = vector.broadcast %add3A_862 : i32 to vector<16xi32>
        tpu.vector_store_idx %arg7[%add3A_860, %broadcast_in_dim3A_863], %get3A_857 : memref<128x129xf32, #tpu.memory_space<vmem>>[vector<16xi32>, vector<16xi32>], vector<16xf32>,
        %add3A_864 = arith.constant 0 : i32
        %add3A_865 = arith.addi %add3A_864, %mul3A_592 : i32
        %add3A_866 = arith.constant 5 : i32
        %add3A_867 = arith.addi %add3A_865, %add3A_866 : i32
        %get3A_868 = arith.index_cast %add3A_867 : i32 to index
        %get3A_869 = arith.constant 16 : index
        %get3A_870 = tpu.vector_load %arg6[%get3A_868, %get3A_869] {strides = array<i32>} : memref<256x128xf32, #tpu.memory_space<vmem>>, vector<16xf32>,
        %add3A_871 = arith.constant 16 : i32
        %add3A_872 = vector.broadcast %add3A_871 : i32 to vector<16xi32>
        %add3A_873 = arith.addi %iota3A, %add3A_872 : vector<16xi32>
        %add3A_874 = arith.constant 5 : i32
        %add3A_875 = arith.addi %mul3A_592, %add3A_874 : i32
        %broadcast_in_dim3A_876 = vector.broadcast %add3A_875 : i32 to vector<16xi32>
        tpu.vector_store_idx %arg7[%add3A_873, %broadcast_in_dim3A_876], %get3A_870 : memref<128x129xf32, #tpu.memory_space<vmem>>[vector<16xi32>, vector<16xi32>], vector<16xf32>,
        %add3A_877 = arith.constant 0 : i32
        %add3A_878 = arith.addi %add3A_877, %mul3A_592 : i32
        %add3A_879 = arith.constant 5 : i32
        %add3A_880 = arith.addi %add3A_878, %add3A_879 : i32
        %get3A_881 = arith.index_cast %add3A_880 : i32 to index
        %get3A_882 = arith.constant 32 : index
        %get3A_883 = tpu.vector_load %arg6[%get3A_881, %get3A_882] {strides = array<i32>} : memref<256x128xf32, #tpu.memory_space<vmem>>, vector<16xf32>,
        %add3A_884 = arith.constant 32 : i32
        %add3A_885 = vector.broadcast %add3A_884 : i32 to vector<16xi32>
        %add3A_886 = arith.addi %iota3A, %add3A_885 : vector<16xi32>
        %add3A_887 = arith.constant 5 : i32
        %add3A_888 = arith.addi %mul3A_592, %add3A_887 : i32
        %broadcast_in_dim3A_889 = vector.broadcast %add3A_888 : i32 to vector<16xi32>
        tpu.vector_store_idx %arg7[%add3A_886, %broadcast_in_dim3A_889], %get3A_883 : memref<128x129xf32, #tpu.memory_space<vmem>>[vector<16xi32>, vector<16xi32>], vector<16xf32>,
        %add3A_890 = arith.constant 0 : i32
        %add3A_891 = arith.addi %add3A_890, %mul3A_592 : i32
        %add3A_892 = arith.constant 5 : i32
        %add3A_893 = arith.addi %add3A_891, %add3A_892 : i32
        %get3A_894 = arith.index_cast %add3A_893 : i32 to index
        %get3A_895 = arith.constant 48 : index
        %get3A_896 = tpu.vector_load %arg6[%get3A_894, %get3A_895] {strides = array<i32>} : memref<256x128xf32, #tpu.memory_space<vmem>>, vector<16xf32>,
        %add3A_897 = arith.constant 48 : i32
        %add3A_898 = vector.broadcast %add3A_897 : i32 to vector<16xi32>
        %add3A_899 = arith.addi %iota3A, %add3A_898 : vector<16xi32>
        %add3A_900 = arith.constant 5 : i32
        %add3A_901 = arith.addi %mul3A_592, %add3A_900 : i32
        %broadcast_in_dim3A_902 = vector.broadcast %add3A_901 : i32 to vector<16xi32>
        tpu.vector_store_idx %arg7[%add3A_899, %broadcast_in_dim3A_902], %get3A_896 : memref<128x129xf32, #tpu.memory_space<vmem>>[vector<16xi32>, vector<16xi32>], vector<16xf32>,
        %add3A_903 = arith.constant 0 : i32
        %add3A_904 = arith.addi %add3A_903, %mul3A_592 : i32
        %add3A_905 = arith.constant 6 : i32
        %add3A_906 = arith.addi %add3A_904, %add3A_905 : i32
        %get3A_907 = arith.index_cast %add3A_906 : i32 to index
        %get3A_908 = arith.constant 0 : index
        %get3A_909 = tpu.vector_load %arg6[%get3A_907, %get3A_908] {strides = array<i32>} : memref<256x128xf32, #tpu.memory_space<vmem>>, vector<16xf32>,
        %add3A_910 = arith.constant 0 : i32
        %add3A_911 = vector.broadcast %add3A_910 : i32 to vector<16xi32>
        %add3A_912 = arith.addi %iota3A, %add3A_911 : vector<16xi32>
        %add3A_913 = arith.constant 6 : i32
        %add3A_914 = arith.addi %mul3A_592, %add3A_913 : i32
        %broadcast_in_dim3A_915 = vector.broadcast %add3A_914 : i32 to vector<16xi32>
        tpu.vector_store_idx %arg7[%add3A_912, %broadcast_in_dim3A_915], %get3A_909 : memref<128x129xf32, #tpu.memory_space<vmem>>[vector<16xi32>, vector<16xi32>], vector<16xf32>,
        %add3A_916 = arith.constant 0 : i32
        %add3A_917 = arith.addi %add3A_916, %mul3A_592 : i32
        %add3A_918 = arith.constant 6 : i32
        %add3A_919 = arith.addi %add3A_917, %add3A_918 : i32
        %get3A_920 = arith.index_cast %add3A_919 : i32 to index
        %get3A_921 = arith.constant 16 : index
        %get3A_922 = tpu.vector_load %arg6[%get3A_920, %get3A_921] {strides = array<i32>} : memref<256x128xf32, #tpu.memory_space<vmem>>, vector<16xf32>,
        %add3A_923 = arith.constant 16 : i32
        %add3A_924 = vector.broadcast %add3A_923 : i32 to vector<16xi32>
        %add3A_925 = arith.addi %iota3A, %add3A_924 : vector<16xi32>
        %add3A_926 = arith.constant 6 : i32
        %add3A_927 = arith.addi %mul3A_592, %add3A_926 : i32
        %broadcast_in_dim3A_928 = vector.broadcast %add3A_927 : i32 to vector<16xi32>
        tpu.vector_store_idx %arg7[%add3A_925, %broadcast_in_dim3A_928], %get3A_922 : memref<128x129xf32, #tpu.memory_space<vmem>>[vector<16xi32>, vector<16xi32>], vector<16xf32>,
        %add3A_929 = arith.constant 0 : i32
        %add3A_930 = arith.addi %add3A_929, %mul3A_592 : i32
        %add3A_931 = arith.constant 6 : i32
        %add3A_932 = arith.addi %add3A_930, %add3A_931 : i32
        %get3A_933 = arith.index_cast %add3A_932 : i32 to index
        %get3A_934 = arith.constant 32 : index
        %get3A_935 = tpu.vector_load %arg6[%get3A_933, %get3A_934] {strides = array<i32>} : memref<256x128xf32, #tpu.memory_space<vmem>>, vector<16xf32>,
        %add3A_936 = arith.constant 32 : i32
        %add3A_937 = vector.broadcast %add3A_936 : i32 to vector<16xi32>
        %add3A_938 = arith.addi %iota3A, %add3A_937 : vector<16xi32>
        %add3A_939 = arith.constant 6 : i32
        %add3A_940 = arith.addi %mul3A_592, %add3A_939 : i32
        %broadcast_in_dim3A_941 = vector.broadcast %add3A_940 : i32 to vector<16xi32>
        tpu.vector_store_idx %arg7[%add3A_938, %broadcast_in_dim3A_941], %get3A_935 : memref<128x129xf32, #tpu.memory_space<vmem>>[vector<16xi32>, vector<16xi32>], vector<16xf32>,
        %add3A_942 = arith.constant 0 : i32
        %add3A_943 = arith.addi %add3A_942, %mul3A_592 : i32
        %add3A_944 = arith.constant 6 : i32
        %add3A_945 = arith.addi %add3A_943, %add3A_944 : i32
        %get3A_946 = arith.index_cast %add3A_945 : i32 to index
        %get3A_947 = arith.constant 48 : index
        %get3A_948 = tpu.vector_load %arg6[%get3A_946, %get3A_947] {strides = array<i32>} : memref<256x128xf32, #tpu.memory_space<vmem>>, vector<16xf32>,
        %add3A_949 = arith.constant 48 : i32
        %add3A_950 = vector.broadcast %add3A_949 : i32 to vector<16xi32>
        %add3A_951 = arith.addi %iota3A, %add3A_950 : vector<16xi32>
        %add3A_952 = arith.constant 6 : i32
        %add3A_953 = arith.addi %mul3A_592, %add3A_952 : i32
        %broadcast_in_dim3A_954 = vector.broadcast %add3A_953 : i32 to vector<16xi32>
        tpu.vector_store_idx %arg7[%add3A_951, %broadcast_in_dim3A_954], %get3A_948 : memref<128x129xf32, #tpu.memory_space<vmem>>[vector<16xi32>, vector<16xi32>], vector<16xf32>,
        %add3A_955 = arith.constant 0 : i32
        %add3A_956 = arith.addi %add3A_955, %mul3A_592 : i32
        %add3A_957 = arith.constant 7 : i32
        %add3A_958 = arith.addi %add3A_956, %add3A_957 : i32
        %get3A_959 = arith.index_cast %add3A_958 : i32 to index
        %get3A_960 = arith.constant 0 : index
        %get3A_961 = tpu.vector_load %arg6[%get3A_959, %get3A_960] {strides = array<i32>} : memref<256x128xf32, #tpu.memory_space<vmem>>, vector<16xf32>,
        %add3A_962 = arith.constant 0 : i32
        %add3A_963 = vector.broadcast %add3A_962 : i32 to vector<16xi32>
        %add3A_964 = arith.addi %iota3A, %add3A_963 : vector<16xi32>
        %add3A_965 = arith.constant 7 : i32
        %add3A_966 = arith.addi %mul3A_592, %add3A_965 : i32
        %broadcast_in_dim3A_967 = vector.broadcast %add3A_966 : i32 to vector<16xi32>
        tpu.vector_store_idx %arg7[%add3A_964, %broadcast_in_dim3A_967], %get3A_961 : memref<128x129xf32, #tpu.memory_space<vmem>>[vector<16xi32>, vector<16xi32>], vector<16xf32>,
        %add3A_968 = arith.constant 0 : i32
        %add3A_969 = arith.addi %add3A_968, %mul3A_592 : i32
        %add3A_970 = arith.constant 7 : i32
        %add3A_971 = arith.addi %add3A_969, %add3A_970 : i32
        %get3A_972 = arith.index_cast %add3A_971 : i32 to index
        %get3A_973 = arith.constant 16 : index
        %get3A_974 = tpu.vector_load %arg6[%get3A_972, %get3A_973] {strides = array<i32>} : memref<256x128xf32, #tpu.memory_space<vmem>>, vector<16xf32>,
        %add3A_975 = arith.constant 16 : i32
        %add3A_976 = vector.broadcast %add3A_975 : i32 to vector<16xi32>
        %add3A_977 = arith.addi %iota3A, %add3A_976 : vector<16xi32>
        %add3A_978 = arith.constant 7 : i32
        %add3A_979 = arith.addi %mul3A_592, %add3A_978 : i32
        %broadcast_in_dim3A_980 = vector.broadcast %add3A_979 : i32 to vector<16xi32>
        tpu.vector_store_idx %arg7[%add3A_977, %broadcast_in_dim3A_980], %get3A_974 : memref<128x129xf32, #tpu.memory_space<vmem>>[vector<16xi32>, vector<16xi32>], vector<16xf32>,
        %add3A_981 = arith.constant 0 : i32
        %add3A_982 = arith.addi %add3A_981, %mul3A_592 : i32
        %add3A_983 = arith.constant 7 : i32
        %add3A_984 = arith.addi %add3A_982, %add3A_983 : i32
        %get3A_985 = arith.index_cast %add3A_984 : i32 to index
        %get3A_986 = arith.constant 32 : index
        %get3A_987 = tpu.vector_load %arg6[%get3A_985, %get3A_986] {strides = array<i32>} : memref<256x128xf32, #tpu.memory_space<vmem>>, vector<16xf32>,
        %add3A_988 = arith.constant 32 : i32
        %add3A_989 = vector.broadcast %add3A_988 : i32 to vector<16xi32>
        %add3A_990 = arith.addi %iota3A, %add3A_989 : vector<16xi32>
        %add3A_991 = arith.constant 7 : i32
        %add3A_992 = arith.addi %mul3A_592, %add3A_991 : i32
        %broadcast_in_dim3A_993 = vector.broadcast %add3A_992 : i32 to vector<16xi32>
        tpu.vector_store_idx %arg7[%add3A_990, %broadcast_in_dim3A_993], %get3A_987 : memref<128x129xf32, #tpu.memory_space<vmem>>[vector<16xi32>, vector<16xi32>], vector<16xf32>,
        %add3A_994 = arith.constant 0 : i32
        %add3A_995 = arith.addi %add3A_994, %mul3A_592 : i32
        %add3A_996 = arith.constant 7 : i32
        %add3A_997 = arith.addi %add3A_995, %add3A_996 : i32
        %get3A_998 = arith.index_cast %add3A_997 : i32 to index
        %get3A_999 = arith.constant 48 : index
        %get3A_1000 = tpu.vector_load %arg6[%get3A_998, %get3A_999] {strides = array<i32>} : memref<256x128xf32, #tpu.memory_space<vmem>>, vector<16xf32>,
        %add3A_1001 = arith.constant 48 : i32
        %add3A_1002 = vector.broadcast %add3A_1001 : i32 to vector<16xi32>
        %add3A_1003 = arith.addi %iota3A, %add3A_1002 : vector<16xi32>
        %add3A_1004 = arith.constant 7 : i32
        %add3A_1005 = arith.addi %mul3A_592, %add3A_1004 : i32
        %broadcast_in_dim3A_1006 = vector.broadcast %add3A_1005 : i32 to vector<16xi32>
        tpu.vector_store_idx %arg7[%add3A_1003, %broadcast_in_dim3A_1006], %get3A_1000 : memref<128x129xf32, #tpu.memory_space<vmem>>[vector<16xi32>, vector<16xi32>], vector<16xf32>,
      }
      %scan3A_312 = arith.constant 16 : i32
      %dma_start3A_313 = arith.constant 0 : i32
      %dma_start3A_314 = arith.constant 0 : i32
      %dma_start3A_315 = arith.constant 0 : i32
      %dma_start3A_316 = tpu.memref_slice %arg7[%dma_start3A_314, %dma_start3A_315] : memref<128x129xf32, #tpu.memory_space<vmem>> -> memref<8x128xf32, #tpu.memory_space<vmem>>
      %dma_start3A_317 = arith.constant 0 : i32
      %dma_start3A_318 = arith.constant 0 : i32
      %dma_start3A_319 = tpu.memref_slice %arg4[%mul3A_283, %dma_start3A_313, %add3A, %dma_start3A_317, %dma_start3A_318] : memref<200x8x32x8x128xf32, #tpu.memory_space<hbm>> -> memref<1x1x1x8x128xf32, #tpu.memory_space<hbm>>
      %dma_start3A_320 = tpu.memref_squeeze %dma_start3A_319 : memref<1x1x1x8x128xf32, #tpu.memory_space<hbm>> -> memref<8x128xf32, #tpu.memory_space<hbm>>
      %dma_start3A_321 = arith.constant 0 : i32
      %dma_start3A_322 = arith.constant 0 : i32
      %dma_start3A_323 = tpu.memref_slice %arg4[%mul3A_283, %dma_start3A_313, %add3A, %dma_start3A_321, %dma_start3A_322] : memref<200x8x32x8x128xf32, #tpu.memory_space<hbm>> -> memref<1x1x1x8x128xf32, #tpu.memory_space<hbm>>
      %dma_start3A_324 = tpu.memref_squeeze %dma_start3A_323 : memref<1x1x1x8x128xf32, #tpu.memory_space<hbm>> -> memref<8x128xf32, #tpu.memory_space<hbm>>
      %dma_start3A_325 = arith.constant 0 : i32
      %dma_start3A_326 = arith.constant 0 : i32
      %dma_start3A_327 = tpu.memref_slice %arg7[%dma_start3A_325, %dma_start3A_326] : memref<128x129xf32, #tpu.memory_space<vmem>> -> memref<8x128xf32, #tpu.memory_space<vmem>>
      tpu.enqueue_dma source(%dma_start3A_327 : memref<8x128xf32, #tpu.memory_space<vmem>>) target(%dma_start3A_324 : memref<8x128xf32, #tpu.memory_space<hbm>>) target_semaphore(%arg10 : memref<!tpu.dma_semaphore, #tpu.memory_space<semaphore_mem>>)
      %dma_start3A_328 = arith.constant 1 : i32
      %dma_start3A_329 = arith.constant 8 : i32
      %dma_start3A_330 = arith.constant 0 : i32
      %dma_start3A_331 = tpu.memref_slice %arg7[%dma_start3A_329, %dma_start3A_330] : memref<128x129xf32, #tpu.memory_space<vmem>> -> memref<8x128xf32, #tpu.memory_space<vmem>>
      %dma_start3A_332 = arith.constant 0 : i32
      %dma_start3A_333 = arith.constant 0 : i32
      %dma_start3A_334 = tpu.memref_slice %arg4[%mul3A_283, %dma_start3A_328, %add3A, %dma_start3A_332, %dma_start3A_333] : memref<200x8x32x8x128xf32, #tpu.memory_space<hbm>> -> memref<1x1x1x8x128xf32, #tpu.memory_space<hbm>>
      %dma_start3A_335 = tpu.memref_squeeze %dma_start3A_334 : memref<1x1x1x8x128xf32, #tpu.memory_space<hbm>> -> memref<8x128xf32, #tpu.memory_space<hbm>>
      %dma_start3A_336 = arith.constant 0 : i32
      %dma_start3A_337 = arith.constant 0 : i32
      %dma_start3A_338 = tpu.memref_slice %arg4[%mul3A_283, %dma_start3A_328, %add3A, %dma_start3A_336, %dma_start3A_337] : memref<200x8x32x8x128xf32, #tpu.memory_space<hbm>> -> memref<1x1x1x8x128xf32, #tpu.memory_space<hbm>>
      %dma_start3A_339 = tpu.memref_squeeze %dma_start3A_338 : memref<1x1x1x8x128xf32, #tpu.memory_space<hbm>> -> memref<8x128xf32, #tpu.memory_space<hbm>>
      %dma_start3A_340 = arith.constant 8 : i32
      %dma_start3A_341 = arith.constant 0 : i32
      %dma_start3A_342 = tpu.memref_slice %arg7[%dma_start3A_340, %dma_start3A_341] : memref<128x129xf32, #tpu.memory_space<vmem>> -> memref<8x128xf32, #tpu.memory_space<vmem>>
      tpu.enqueue_dma source(%dma_start3A_342 : memref<8x128xf32, #tpu.memory_space<vmem>>) target(%dma_start3A_339 : memref<8x128xf32, #tpu.memory_space<hbm>>) target_semaphore(%arg10 : memref<!tpu.dma_semaphore, #tpu.memory_space<semaphore_mem>>)
      %dma_start3A_343 = arith.constant 2 : i32
      %dma_start3A_344 = arith.constant 16 : i32
      %dma_start3A_345 = arith.constant 0 : i32
      %dma_start3A_346 = tpu.memref_slice %arg7[%dma_start3A_344, %dma_start3A_345] : memref<128x129xf32, #tpu.memory_space<vmem>> -> memref<8x128xf32, #tpu.memory_space<vmem>>
      %dma_start3A_347 = arith.constant 0 : i32
      %dma_start3A_348 = arith.constant 0 : i32
      %dma_start3A_349 = tpu.memref_slice %arg4[%mul3A_283, %dma_start3A_343, %add3A, %dma_start3A_347, %dma_start3A_348] : memref<200x8x32x8x128xf32, #tpu.memory_space<hbm>> -> memref<1x1x1x8x128xf32, #tpu.memory_space<hbm>>
      %dma_start3A_350 = tpu.memref_squeeze %dma_start3A_349 : memref<1x1x1x8x128xf32, #tpu.memory_space<hbm>> -> memref<8x128xf32, #tpu.memory_space<hbm>>
      %dma_start3A_351 = arith.constant 0 : i32
      %dma_start3A_352 = arith.constant 0 : i32
      %dma_start3A_353 = tpu.memref_slice %arg4[%mul3A_283, %dma_start3A_343, %add3A, %dma_start3A_351, %dma_start3A_352] : memref<200x8x32x8x128xf32, #tpu.memory_space<hbm>> -> memref<1x1x1x8x128xf32, #tpu.memory_space<hbm>>
      %dma_start3A_354 = tpu.memref_squeeze %dma_start3A_353 : memref<1x1x1x8x128xf32, #tpu.memory_space<hbm>> -> memref<8x128xf32, #tpu.memory_space<hbm>>
      %dma_start3A_355 = arith.constant 16 : i32
      %dma_start3A_356 = arith.constant 0 : i32
      %dma_start3A_357 = tpu.memref_slice %arg7[%dma_start3A_355, %dma_start3A_356] : memref<128x129xf32, #tpu.memory_space<vmem>> -> memref<8x128xf32, #tpu.memory_space<vmem>>
      tpu.enqueue_dma source(%dma_start3A_357 : memref<8x128xf32, #tpu.memory_space<vmem>>) target(%dma_start3A_354 : memref<8x128xf32, #tpu.memory_space<hbm>>) target_semaphore(%arg10 : memref<!tpu.dma_semaphore, #tpu.memory_space<semaphore_mem>>)
      %dma_start3A_358 = arith.constant 3 : i32
      %dma_start3A_359 = arith.constant 24 : i32
      %dma_start3A_360 = arith.constant 0 : i32
      %dma_start3A_361 = tpu.memref_slice %arg7[%dma_start3A_359, %dma_start3A_360] : memref<128x129xf32, #tpu.memory_space<vmem>> -> memref<8x128xf32, #tpu.memory_space<vmem>>
      %dma_start3A_362 = arith.constant 0 : i32
      %dma_start3A_363 = arith.constant 0 : i32
      %dma_start3A_364 = tpu.memref_slice %arg4[%mul3A_283, %dma_start3A_358, %add3A, %dma_start3A_362, %dma_start3A_363] : memref<200x8x32x8x128xf32, #tpu.memory_space<hbm>> -> memref<1x1x1x8x128xf32, #tpu.memory_space<hbm>>
      %dma_start3A_365 = tpu.memref_squeeze %dma_start3A_364 : memref<1x1x1x8x128xf32, #tpu.memory_space<hbm>> -> memref<8x128xf32, #tpu.memory_space<hbm>>
      %dma_start3A_366 = arith.constant 0 : i32
      %dma_start3A_367 = arith.constant 0 : i32
      %dma_start3A_368 = tpu.memref_slice %arg4[%mul3A_283, %dma_start3A_358, %add3A, %dma_start3A_366, %dma_start3A_367] : memref<200x8x32x8x128xf32, #tpu.memory_space<hbm>> -> memref<1x1x1x8x128xf32, #tpu.memory_space<hbm>>
      %dma_start3A_369 = tpu.memref_squeeze %dma_start3A_368 : memref<1x1x1x8x128xf32, #tpu.memory_space<hbm>> -> memref<8x128xf32, #tpu.memory_space<hbm>>
      %dma_start3A_370 = arith.constant 24 : i32
      %dma_start3A_371 = arith.constant 0 : i32
      %dma_start3A_372 = tpu.memref_slice %arg7[%dma_start3A_370, %dma_start3A_371] : memref<128x129xf32, #tpu.memory_space<vmem>> -> memref<8x128xf32, #tpu.memory_space<vmem>>
      tpu.enqueue_dma source(%dma_start3A_372 : memref<8x128xf32, #tpu.memory_space<vmem>>) target(%dma_start3A_369 : memref<8x128xf32, #tpu.memory_space<hbm>>) target_semaphore(%arg10 : memref<!tpu.dma_semaphore, #tpu.memory_space<semaphore_mem>>)
      %dma_start3A_373 = arith.constant 4 : i32
      %dma_start3A_374 = arith.constant 32 : i32
      %dma_start3A_375 = arith.constant 0 : i32
      %dma_start3A_376 = tpu.memref_slice %arg7[%dma_start3A_374, %dma_start3A_375] : memref<128x129xf32, #tpu.memory_space<vmem>> -> memref<8x128xf32, #tpu.memory_space<vmem>>
      %dma_start3A_377 = arith.constant 0 : i32
      %dma_start3A_378 = arith.constant 0 : i32
      %dma_start3A_379 = tpu.memref_slice %arg4[%mul3A_283, %dma_start3A_373, %add3A, %dma_start3A_377, %dma_start3A_378] : memref<200x8x32x8x128xf32, #tpu.memory_space<hbm>> -> memref<1x1x1x8x128xf32, #tpu.memory_space<hbm>>
      %dma_start3A_380 = tpu.memref_squeeze %dma_start3A_379 : memref<1x1x1x8x128xf32, #tpu.memory_space<hbm>> -> memref<8x128xf32, #tpu.memory_space<hbm>>
      %dma_start3A_381 = arith.constant 0 : i32
      %dma_start3A_382 = arith.constant 0 : i32
      %dma_start3A_383 = tpu.memref_slice %arg4[%mul3A_283, %dma_start3A_373, %add3A, %dma_start3A_381, %dma_start3A_382] : memref<200x8x32x8x128xf32, #tpu.memory_space<hbm>> -> memref<1x1x1x8x128xf32, #tpu.memory_space<hbm>>
      %dma_start3A_384 = tpu.memref_squeeze %dma_start3A_383 : memref<1x1x1x8x128xf32, #tpu.memory_space<hbm>> -> memref<8x128xf32, #tpu.memory_space<hbm>>
      %dma_start3A_385 = arith.constant 32 : i32
      %dma_start3A_386 = arith.constant 0 : i32
      %dma_start3A_387 = tpu.memref_slice %arg7[%dma_start3A_385, %dma_start3A_386] : memref<128x129xf32, #tpu.memory_space<vmem>> -> memref<8x128xf32, #tpu.memory_space<vmem>>
      tpu.enqueue_dma source(%dma_start3A_387 : memref<8x128xf32, #tpu.memory_space<vmem>>) target(%dma_start3A_384 : memref<8x128xf32, #tpu.memory_space<hbm>>) target_semaphore(%arg10 : memref<!tpu.dma_semaphore, #tpu.memory_space<semaphore_mem>>)
      %dma_start3A_388 = arith.constant 5 : i32
      %dma_start3A_389 = arith.constant 40 : i32
      %dma_start3A_390 = arith.constant 0 : i32
      %dma_start3A_391 = tpu.memref_slice %arg7[%dma_start3A_389, %dma_start3A_390] : memref<128x129xf32, #tpu.memory_space<vmem>> -> memref<8x128xf32, #tpu.memory_space<vmem>>
      %dma_start3A_392 = arith.constant 0 : i32
      %dma_start3A_393 = arith.constant 0 : i32
      %dma_start3A_394 = tpu.memref_slice %arg4[%mul3A_283, %dma_start3A_388, %add3A, %dma_start3A_392, %dma_start3A_393] : memref<200x8x32x8x128xf32, #tpu.memory_space<hbm>> -> memref<1x1x1x8x128xf32, #tpu.memory_space<hbm>>
      %dma_start3A_395 = tpu.memref_squeeze %dma_start3A_394 : memref<1x1x1x8x128xf32, #tpu.memory_space<hbm>> -> memref<8x128xf32, #tpu.memory_space<hbm>>
      %dma_start3A_396 = arith.constant 0 : i32
      %dma_start3A_397 = arith.constant 0 : i32
      %dma_start3A_398 = tpu.memref_slice %arg4[%mul3A_283, %dma_start3A_388, %add3A, %dma_start3A_396, %dma_start3A_397] : memref<200x8x32x8x128xf32, #tpu.memory_space<hbm>> -> memref<1x1x1x8x128xf32, #tpu.memory_space<hbm>>
      %dma_start3A_399 = tpu.memref_squeeze %dma_start3A_398 : memref<1x1x1x8x128xf32, #tpu.memory_space<hbm>> -> memref<8x128xf32, #tpu.memory_space<hbm>>
      %dma_start3A_400 = arith.constant 40 : i32
      %dma_start3A_401 = arith.constant 0 : i32
      %dma_start3A_402 = tpu.memref_slice %arg7[%dma_start3A_400, %dma_start3A_401] : memref<128x129xf32, #tpu.memory_space<vmem>> -> memref<8x128xf32, #tpu.memory_space<vmem>>
      tpu.enqueue_dma source(%dma_start3A_402 : memref<8x128xf32, #tpu.memory_space<vmem>>) target(%dma_start3A_399 : memref<8x128xf32, #tpu.memory_space<hbm>>) target_semaphore(%arg10 : memref<!tpu.dma_semaphore, #tpu.memory_space<semaphore_mem>>)
      %dma_start3A_403 = arith.constant 6 : i32
      %dma_start3A_404 = arith.constant 48 : i32
      %dma_start3A_405 = arith.constant 0 : i32
      %dma_start3A_406 = tpu.memref_slice %arg7[%dma_start3A_404, %dma_start3A_405] : memref<128x129xf32, #tpu.memory_space<vmem>> -> memref<8x128xf32, #tpu.memory_space<vmem>>
      %dma_start3A_407 = arith.constant 0 : i32
      %dma_start3A_408 = arith.constant 0 : i32
      %dma_start3A_409 = tpu.memref_slice %arg4[%mul3A_283, %dma_start3A_403, %add3A, %dma_start3A_407, %dma_start3A_408] : memref<200x8x32x8x128xf32, #tpu.memory_space<hbm>> -> memref<1x1x1x8x128xf32, #tpu.memory_space<hbm>>
      %dma_start3A_410 = tpu.memref_squeeze %dma_start3A_409 : memref<1x1x1x8x128xf32, #tpu.memory_space<hbm>> -> memref<8x128xf32, #tpu.memory_space<hbm>>
      %dma_start3A_411 = arith.constant 0 : i32
      %dma_start3A_412 = arith.constant 0 : i32
      %dma_start3A_413 = tpu.memref_slice %arg4[%mul3A_283, %dma_start3A_403, %add3A, %dma_start3A_411, %dma_start3A_412] : memref<200x8x32x8x128xf32, #tpu.memory_space<hbm>> -> memref<1x1x1x8x128xf32, #tpu.memory_space<hbm>>
      %dma_start3A_414 = tpu.memref_squeeze %dma_start3A_413 : memref<1x1x1x8x128xf32, #tpu.memory_space<hbm>> -> memref<8x128xf32, #tpu.memory_space<hbm>>
      %dma_start3A_415 = arith.constant 48 : i32
      %dma_start3A_416 = arith.constant 0 : i32
      %dma_start3A_417 = tpu.memref_slice %arg7[%dma_start3A_415, %dma_start3A_416] : memref<128x129xf32, #tpu.memory_space<vmem>> -> memref<8x128xf32, #tpu.memory_space<vmem>>
      tpu.enqueue_dma source(%dma_start3A_417 : memref<8x128xf32, #tpu.memory_space<vmem>>) target(%dma_start3A_414 : memref<8x128xf32, #tpu.memory_space<hbm>>) target_semaphore(%arg10 : memref<!tpu.dma_semaphore, #tpu.memory_space<semaphore_mem>>)
      %dma_start3A_418 = arith.constant 7 : i32
      %dma_start3A_419 = arith.constant 56 : i32
      %dma_start3A_420 = arith.constant 0 : i32
      %dma_start3A_421 = tpu.memref_slice %arg7[%dma_start3A_419, %dma_start3A_420] : memref<128x129xf32, #tpu.memory_space<vmem>> -> memref<8x128xf32, #tpu.memory_space<vmem>>
      %dma_start3A_422 = arith.constant 0 : i32
      %dma_start3A_423 = arith.constant 0 : i32
      %dma_start3A_424 = tpu.memref_slice %arg4[%mul3A_283, %dma_start3A_418, %add3A, %dma_start3A_422, %dma_start3A_423] : memref<200x8x32x8x128xf32, #tpu.memory_space<hbm>> -> memref<1x1x1x8x128xf32, #tpu.memory_space<hbm>>
      %dma_start3A_425 = tpu.memref_squeeze %dma_start3A_424 : memref<1x1x1x8x128xf32, #tpu.memory_space<hbm>> -> memref<8x128xf32, #tpu.memory_space<hbm>>
      %dma_start3A_426 = arith.constant 0 : i32
      %dma_start3A_427 = arith.constant 0 : i32
      %dma_start3A_428 = tpu.memref_slice %arg4[%mul3A_283, %dma_start3A_418, %add3A, %dma_start3A_426, %dma_start3A_427] : memref<200x8x32x8x128xf32, #tpu.memory_space<hbm>> -> memref<1x1x1x8x128xf32, #tpu.memory_space<hbm>>
      %dma_start3A_429 = tpu.memref_squeeze %dma_start3A_428 : memref<1x1x1x8x128xf32, #tpu.memory_space<hbm>> -> memref<8x128xf32, #tpu.memory_space<hbm>>
      %dma_start3A_430 = arith.constant 56 : i32
      %dma_start3A_431 = arith.constant 0 : i32
      %dma_start3A_432 = tpu.memref_slice %arg7[%dma_start3A_430, %dma_start3A_431] : memref<128x129xf32, #tpu.memory_space<vmem>> -> memref<8x128xf32, #tpu.memory_space<vmem>>
      tpu.enqueue_dma source(%dma_start3A_432 : memref<8x128xf32, #tpu.memory_space<vmem>>) target(%dma_start3A_429 : memref<8x128xf32, #tpu.memory_space<hbm>>) target_semaphore(%arg10 : memref<!tpu.dma_semaphore, #tpu.memory_space<semaphore_mem>>)
      %mul3A_433 = arith.constant 2 : i32
      %mul3A_434 = arith.muli %mul3A_433, %scan3A_281 : i32
      %add3A_435 = arith.constant 1 : i32
      %add3A_436 = arith.addi %mul3A_434, %add3A_435 : i32
      %add3A_437 = arith.constant 1 : i32
      %add3A_438 = arith.addi %add3A_436, %add3A_437 : i32
      %lt3A_439 = arith.constant 200 : i32
      %lt3A_440 = arith.cmpi slt, %add3A_438, %lt3A_439 : i32
      %convert_element_type3A_441 = arith.extui %lt3A_440 : i1 to i32
      %cond3A_442 = arith.constant 0 : i32
      %cond3A_443 = arith.cmpi ne, %convert_element_type3A_441, %cond3A_442 : i32
      scf.if %cond3A_443 {
        %add3A_590 = arith.constant 1 : i32
        %add3A_591 = arith.addi %add3A_436, %add3A_590 : i32
        %mul3A_592 = arith.constant 128 : i32
        %mul3A_593 = arith.muli %add3A, %mul3A_592 : i32
        %dma_wait3A_594 = arith.constant 0 : i32
        %dma_wait3A_595 = tpu.memref_slice %arg5[%dma_wait3A_594] : memref<256xi32, #tpu.memory_space<vmem>> -> memref<128xi32, #tpu.memory_space<vmem>>
        %dma_wait3A_596 = tpu.memref_slice %arg2[%add3A_591, %mul3A_593] : memref<200x4096xi32, #tpu.memory_space<hbm>> -> memref<1x128xi32, #tpu.memory_space<hbm>>
        %dma_wait3A_597 = tpu.memref_squeeze %dma_wait3A_596 : memref<1x128xi32, #tpu.memory_space<hbm>> -> memref<128xi32, #tpu.memory_space<hbm>>
        %dma_wait3A_598 = arith.constant 0 : i32
        %dma_wait3A_599 = tpu.memref_slice %arg5[%dma_wait3A_598] : memref<256xi32, #tpu.memory_space<vmem>> -> memref<128xi32, #tpu.memory_space<vmem>>
        %dma_wait3A_600 = tpu.memref_slice %arg2[%add3A_591, %mul3A_593] : memref<200x4096xi32, #tpu.memory_space<hbm>> -> memref<1x128xi32, #tpu.memory_space<hbm>>
        %dma_wait3A_601 = tpu.memref_squeeze %dma_wait3A_600 : memref<1x128xi32, #tpu.memory_space<hbm>> -> memref<128xi32, #tpu.memory_space<hbm>>
        tpu.wait_dma2 semaphore(%arg12 : memref<!tpu.dma_semaphore, #tpu.memory_space<semaphore_mem>>) src(%dma_wait3A_601 : memref<128xi32, #tpu.memory_space<hbm>>) dst(%dma_wait3A_599 : memref<128xi32, #tpu.memory_space<vmem>>)
        %dma_start3A_602 = arith.constant 0 : i32
        %dma_start3A_603 = arith.constant 0 : i32
        %dma_start3A_604 = tpu.memref_slice %arg6[%dma_start3A_602, %dma_start3A_603] : memref<256x128xf32, #tpu.memory_space<vmem>> -> memref<128x128xf32, #tpu.memory_space<vmem>>
        %dma_start3A_605 = arith.constant 0 : i32
        %dma_start3A_606 = tpu.memref_slice %arg5[%dma_start3A_605] : memref<256xi32, #tpu.memory_space<vmem>> -> memref<128xi32, #tpu.memory_space<vmem>>
        %dma_start3A_607 = arith.constant 0 : i32
        %dma_start3A_608 = arith.constant 0 : i32
        %dma_start3A_609 = tpu.memref_slice %arg3[%dma_start3A_607, %dma_start3A_608] : memref<1000000x128xf32, #tpu.memory_space<hbm>> -> memref<1000000x128xf32, #tpu.memory_space<hbm>>
        tpu.enqueue_indirect_dma source(%dma_start3A_609 : memref<1000000x128xf32, #tpu.memory_space<hbm>>) target(%dma_start3A_604 : memref<128x128xf32, #tpu.memory_space<vmem>>) offsets(%dma_start3A_606 : memref<128xi32, #tpu.memory_space<vmem>>) semaphore(%arg8 : memref<!tpu.dma_semaphore, #tpu.memory_space<semaphore_mem>>)
      } else {
      }
      %dma_wait3A_444 = arith.constant 128 : i32
      %dma_wait3A_445 = arith.constant 0 : i32
      %dma_wait3A_446 = tpu.memref_slice %arg6[%dma_wait3A_444, %dma_wait3A_445] : memref<256x128xf32, #tpu.memory_space<vmem>> -> memref<128x128xf32, #tpu.memory_space<vmem>>
      %dma_wait3A_447 = arith.constant 128 : i32
      %dma_wait3A_448 = tpu.memref_slice %arg5[%dma_wait3A_447] : memref<256xi32, #tpu.memory_space<vmem>> -> memref<128xi32, #tpu.memory_space<vmem>>
      %dma_wait3A_449 = arith.constant 0 : i32
      %dma_wait3A_450 = arith.constant 0 : i32
      %dma_wait3A_451 = tpu.memref_slice %arg3[%dma_wait3A_449, %dma_wait3A_450] : memref<1000000x128xf32, #tpu.memory_space<hbm>> -> memref<1000000x128xf32, #tpu.memory_space<hbm>>
      tpu.wait_indirect_dma semaphore(%arg9 : memref<!tpu.dma_semaphore, #tpu.memory_space<semaphore_mem>>) src(%dma_wait3A_451 : memref<1000000x128xf32, #tpu.memory_space<hbm>>) dst(%dma_wait3A_446 : memref<128x128xf32, #tpu.memory_space<vmem>>)
      %add3A_452 = arith.constant 2 : i32
      %add3A_453 = arith.addi %add3A_436, %add3A_452 : i32
      %lt3A_454 = arith.constant 200 : i32
      %lt3A_455 = arith.cmpi slt, %add3A_453, %lt3A_454 : i32
      %convert_element_type3A_456 = arith.extui %lt3A_455 : i1 to i32
      %cond3A_457 = arith.constant 0 : i32
      %cond3A_458 = arith.cmpi ne, %convert_element_type3A_456, %cond3A_457 : i32
      scf.if %cond3A_458 {
        %add3A_590 = arith.constant 2 : i32
        %add3A_591 = arith.addi %add3A_436, %add3A_590 : i32
        %mul3A_592 = arith.constant 128 : i32
        %mul3A_593 = arith.muli %add3A, %mul3A_592 : i32
        %dma_start3A_594 = arith.constant 128 : i32
        %dma_start3A_595 = tpu.memref_slice %arg5[%dma_start3A_594] : memref<256xi32, #tpu.memory_space<vmem>> -> memref<128xi32, #tpu.memory_space<vmem>>
        %dma_start3A_596 = tpu.memref_slice %arg2[%add3A_591, %mul3A_593] : memref<200x4096xi32, #tpu.memory_space<hbm>> -> memref<1x128xi32, #tpu.memory_space<hbm>>
        %dma_start3A_597 = tpu.memref_squeeze %dma_start3A_596 : memref<1x128xi32, #tpu.memory_space<hbm>> -> memref<128xi32, #tpu.memory_space<hbm>>
        %dma_start3A_598 = arith.constant 128 : i32
        %dma_start3A_599 = tpu.memref_slice %arg5[%dma_start3A_598] : memref<256xi32, #tpu.memory_space<vmem>> -> memref<128xi32, #tpu.memory_space<vmem>>
        %dma_start3A_600 = tpu.memref_slice %arg2[%add3A_591, %mul3A_593] : memref<200x4096xi32, #tpu.memory_space<hbm>> -> memref<1x128xi32, #tpu.memory_space<hbm>>
        %dma_start3A_601 = tpu.memref_squeeze %dma_start3A_600 : memref<1x128xi32, #tpu.memory_space<hbm>> -> memref<128xi32, #tpu.memory_space<hbm>>
        tpu.enqueue_dma source(%dma_start3A_601 : memref<128xi32, #tpu.memory_space<hbm>>) target(%dma_start3A_599 : memref<128xi32, #tpu.memory_space<vmem>>) target_semaphore(%arg13 : memref<!tpu.dma_semaphore, #tpu.memory_space<semaphore_mem>>)
      } else {
      }
      %ge3A_459 = arith.constant 2 : i32
      %ge3A_460 = arith.cmpi sge, %add3A_436, %ge3A_459 : i32
      %convert_element_type3A_461 = arith.extui %ge3A_460 : i1 to i32
      %cond3A_462 = arith.constant 0 : i32
      %cond3A_463 = arith.cmpi ne, %convert_element_type3A_461, %cond3A_462 : i32
      scf.if %cond3A_463 {
        %sub3A = arith.constant 2 : i32
        %sub3A_590 = arith.subi %add3A_436, %sub3A : i32
        %dma_wait3A_591 = arith.constant 0 : i32
        %dma_wait3A_592 = arith.constant 64 : i32
        %dma_wait3A_593 = arith.constant 0 : i32
        %dma_wait3A_594 = tpu.memref_slice %arg7[%dma_wait3A_592, %dma_wait3A_593] : memref<128x129xf32, #tpu.memory_space<vmem>> -> memref<8x128xf32, #tpu.memory_space<vmem>>
        %dma_wait3A_595 = arith.constant 0 : i32
        %dma_wait3A_596 = arith.constant 0 : i32
        %dma_wait3A_597 = tpu.memref_slice %arg4[%sub3A_590, %dma_wait3A_591, %add3A, %dma_wait3A_595, %dma_wait3A_596] : memref<200x8x32x8x128xf32, #tpu.memory_space<hbm>> -> memref<1x1x1x8x128xf32, #tpu.memory_space<hbm>>
        %dma_wait3A_598 = tpu.memref_squeeze %dma_wait3A_597 : memref<1x1x1x8x128xf32, #tpu.memory_space<hbm>> -> memref<8x128xf32, #tpu.memory_space<hbm>>
        %dma_wait3A_599 = arith.constant 0 : i32
        %dma_wait3A_600 = arith.constant 0 : i32
        %dma_wait3A_601 = tpu.memref_slice %arg4[%sub3A_590, %dma_wait3A_591, %add3A, %dma_wait3A_599, %dma_wait3A_600] : memref<200x8x32x8x128xf32, #tpu.memory_space<hbm>> -> memref<1x1x1x8x128xf32, #tpu.memory_space<hbm>>
        %dma_wait3A_602 = tpu.memref_squeeze %dma_wait3A_601 : memref<1x1x1x8x128xf32, #tpu.memory_space<hbm>> -> memref<8x128xf32, #tpu.memory_space<hbm>>
        %dma_wait3A_603 = arith.constant 64 : i32
        %dma_wait3A_604 = arith.constant 0 : i32
        %dma_wait3A_605 = tpu.memref_slice %arg7[%dma_wait3A_603, %dma_wait3A_604] : memref<128x129xf32, #tpu.memory_space<vmem>> -> memref<8x128xf32, #tpu.memory_space<vmem>>
        tpu.wait_dma2 semaphore(%arg11 : memref<!tpu.dma_semaphore, #tpu.memory_space<semaphore_mem>>) src(%dma_wait3A_605 : memref<8x128xf32, #tpu.memory_space<vmem>>) dst(%dma_wait3A_602 : memref<8x128xf32, #tpu.memory_space<hbm>>)
        %dma_wait3A_606 = arith.constant 1 : i32
        %dma_wait3A_607 = arith.constant 72 : i32
        %dma_wait3A_608 = arith.constant 0 : i32
        %dma_wait3A_609 = tpu.memref_slice %arg7[%dma_wait3A_607, %dma_wait3A_608] : memref<128x129xf32, #tpu.memory_space<vmem>> -> memref<8x128xf32, #tpu.memory_space<vmem>>
        %dma_wait3A_610 = arith.constant 0 : i32
        %dma_wait3A_611 = arith.constant 0 : i32
        %dma_wait3A_612 = tpu.memref_slice %arg4[%sub3A_590, %dma_wait3A_606, %add3A, %dma_wait3A_610, %dma_wait3A_611] : memref<200x8x32x8x128xf32, #tpu.memory_space<hbm>> -> memref<1x1x1x8x128xf32, #tpu.memory_space<hbm>>
        %dma_wait3A_613 = tpu.memref_squeeze %dma_wait3A_612 : memref<1x1x1x8x128xf32, #tpu.memory_space<hbm>> -> memref<8x128xf32, #tpu.memory_space<hbm>>
        %dma_wait3A_614 = arith.constant 0 : i32
        %dma_wait3A_615 = arith.constant 0 : i32
        %dma_wait3A_616 = tpu.memref_slice %arg4[%sub3A_590, %dma_wait3A_606, %add3A, %dma_wait3A_614, %dma_wait3A_615] : memref<200x8x32x8x128xf32, #tpu.memory_space<hbm>> -> memref<1x1x1x8x128xf32, #tpu.memory_space<hbm>>
        %dma_wait3A_617 = tpu.memref_squeeze %dma_wait3A_616 : memref<1x1x1x8x128xf32, #tpu.memory_space<hbm>> -> memref<8x128xf32, #tpu.memory_space<hbm>>
        %dma_wait3A_618 = arith.constant 72 : i32
        %dma_wait3A_619 = arith.constant 0 : i32
        %dma_wait3A_620 = tpu.memref_slice %arg7[%dma_wait3A_618, %dma_wait3A_619] : memref<128x129xf32, #tpu.memory_space<vmem>> -> memref<8x128xf32, #tpu.memory_space<vmem>>
        tpu.wait_dma2 semaphore(%arg11 : memref<!tpu.dma_semaphore, #tpu.memory_space<semaphore_mem>>) src(%dma_wait3A_620 : memref<8x128xf32, #tpu.memory_space<vmem>>) dst(%dma_wait3A_617 : memref<8x128xf32, #tpu.memory_space<hbm>>)
        %dma_wait3A_621 = arith.constant 2 : i32
        %dma_wait3A_622 = arith.constant 80 : i32
        %dma_wait3A_623 = arith.constant 0 : i32
        %dma_wait3A_624 = tpu.memref_slice %arg7[%dma_wait3A_622, %dma_wait3A_623] : memref<128x129xf32, #tpu.memory_space<vmem>> -> memref<8x128xf32, #tpu.memory_space<vmem>>
        %dma_wait3A_625 = arith.constant 0 : i32
        %dma_wait3A_626 = arith.constant 0 : i32
        %dma_wait3A_627 = tpu.memref_slice %arg4[%sub3A_590, %dma_wait3A_621, %add3A, %dma_wait3A_625, %dma_wait3A_626] : memref<200x8x32x8x128xf32, #tpu.memory_space<hbm>> -> memref<1x1x1x8x128xf32, #tpu.memory_space<hbm>>
        %dma_wait3A_628 = tpu.memref_squeeze %dma_wait3A_627 : memref<1x1x1x8x128xf32, #tpu.memory_space<hbm>> -> memref<8x128xf32, #tpu.memory_space<hbm>>
        %dma_wait3A_629 = arith.constant 0 : i32
        %dma_wait3A_630 = arith.constant 0 : i32
        %dma_wait3A_631 = tpu.memref_slice %arg4[%sub3A_590, %dma_wait3A_621, %add3A, %dma_wait3A_629, %dma_wait3A_630] : memref<200x8x32x8x128xf32, #tpu.memory_space<hbm>> -> memref<1x1x1x8x128xf32, #tpu.memory_space<hbm>>
        %dma_wait3A_632 = tpu.memref_squeeze %dma_wait3A_631 : memref<1x1x1x8x128xf32, #tpu.memory_space<hbm>> -> memref<8x128xf32, #tpu.memory_space<hbm>>
        %dma_wait3A_633 = arith.constant 80 : i32
        %dma_wait3A_634 = arith.constant 0 : i32
        %dma_wait3A_635 = tpu.memref_slice %arg7[%dma_wait3A_633, %dma_wait3A_634] : memref<128x129xf32, #tpu.memory_space<vmem>> -> memref<8x128xf32, #tpu.memory_space<vmem>>
        tpu.wait_dma2 semaphore(%arg11 : memref<!tpu.dma_semaphore, #tpu.memory_space<semaphore_mem>>) src(%dma_wait3A_635 : memref<8x128xf32, #tpu.memory_space<vmem>>) dst(%dma_wait3A_632 : memref<8x128xf32, #tpu.memory_space<hbm>>)
        %dma_wait3A_636 = arith.constant 3 : i32
        %dma_wait3A_637 = arith.constant 88 : i32
        %dma_wait3A_638 = arith.constant 0 : i32
        %dma_wait3A_639 = tpu.memref_slice %arg7[%dma_wait3A_637, %dma_wait3A_638] : memref<128x129xf32, #tpu.memory_space<vmem>> -> memref<8x128xf32, #tpu.memory_space<vmem>>
        %dma_wait3A_640 = arith.constant 0 : i32
        %dma_wait3A_641 = arith.constant 0 : i32
        %dma_wait3A_642 = tpu.memref_slice %arg4[%sub3A_590, %dma_wait3A_636, %add3A, %dma_wait3A_640, %dma_wait3A_641] : memref<200x8x32x8x128xf32, #tpu.memory_space<hbm>> -> memref<1x1x1x8x128xf32, #tpu.memory_space<hbm>>
        %dma_wait3A_643 = tpu.memref_squeeze %dma_wait3A_642 : memref<1x1x1x8x128xf32, #tpu.memory_space<hbm>> -> memref<8x128xf32, #tpu.memory_space<hbm>>
        %dma_wait3A_644 = arith.constant 0 : i32
        %dma_wait3A_645 = arith.constant 0 : i32
        %dma_wait3A_646 = tpu.memref_slice %arg4[%sub3A_590, %dma_wait3A_636, %add3A, %dma_wait3A_644, %dma_wait3A_645] : memref<200x8x32x8x128xf32, #tpu.memory_space<hbm>> -> memref<1x1x1x8x128xf32, #tpu.memory_space<hbm>>
        %dma_wait3A_647 = tpu.memref_squeeze %dma_wait3A_646 : memref<1x1x1x8x128xf32, #tpu.memory_space<hbm>> -> memref<8x128xf32, #tpu.memory_space<hbm>>
        %dma_wait3A_648 = arith.constant 88 : i32
        %dma_wait3A_649 = arith.constant 0 : i32
        %dma_wait3A_650 = tpu.memref_slice %arg7[%dma_wait3A_648, %dma_wait3A_649] : memref<128x129xf32, #tpu.memory_space<vmem>> -> memref<8x128xf32, #tpu.memory_space<vmem>>
        tpu.wait_dma2 semaphore(%arg11 : memref<!tpu.dma_semaphore, #tpu.memory_space<semaphore_mem>>) src(%dma_wait3A_650 : memref<8x128xf32, #tpu.memory_space<vmem>>) dst(%dma_wait3A_647 : memref<8x128xf32, #tpu.memory_space<hbm>>)
        %dma_wait3A_651 = arith.constant 4 : i32
        %dma_wait3A_652 = arith.constant 96 : i32
        %dma_wait3A_653 = arith.constant 0 : i32
        %dma_wait3A_654 = tpu.memref_slice %arg7[%dma_wait3A_652, %dma_wait3A_653] : memref<128x129xf32, #tpu.memory_space<vmem>> -> memref<8x128xf32, #tpu.memory_space<vmem>>
        %dma_wait3A_655 = arith.constant 0 : i32
        %dma_wait3A_656 = arith.constant 0 : i32
        %dma_wait3A_657 = tpu.memref_slice %arg4[%sub3A_590, %dma_wait3A_651, %add3A, %dma_wait3A_655, %dma_wait3A_656] : memref<200x8x32x8x128xf32, #tpu.memory_space<hbm>> -> memref<1x1x1x8x128xf32, #tpu.memory_space<hbm>>
        %dma_wait3A_658 = tpu.memref_squeeze %dma_wait3A_657 : memref<1x1x1x8x128xf32, #tpu.memory_space<hbm>> -> memref<8x128xf32, #tpu.memory_space<hbm>>
        %dma_wait3A_659 = arith.constant 0 : i32
        %dma_wait3A_660 = arith.constant 0 : i32
        %dma_wait3A_661 = tpu.memref_slice %arg4[%sub3A_590, %dma_wait3A_651, %add3A, %dma_wait3A_659, %dma_wait3A_660] : memref<200x8x32x8x128xf32, #tpu.memory_space<hbm>> -> memref<1x1x1x8x128xf32, #tpu.memory_space<hbm>>
        %dma_wait3A_662 = tpu.memref_squeeze %dma_wait3A_661 : memref<1x1x1x8x128xf32, #tpu.memory_space<hbm>> -> memref<8x128xf32, #tpu.memory_space<hbm>>
        %dma_wait3A_663 = arith.constant 96 : i32
        %dma_wait3A_664 = arith.constant 0 : i32
        %dma_wait3A_665 = tpu.memref_slice %arg7[%dma_wait3A_663, %dma_wait3A_664] : memref<128x129xf32, #tpu.memory_space<vmem>> -> memref<8x128xf32, #tpu.memory_space<vmem>>
        tpu.wait_dma2 semaphore(%arg11 : memref<!tpu.dma_semaphore, #tpu.memory_space<semaphore_mem>>) src(%dma_wait3A_665 : memref<8x128xf32, #tpu.memory_space<vmem>>) dst(%dma_wait3A_662 : memref<8x128xf32, #tpu.memory_space<hbm>>)
        %dma_wait3A_666 = arith.constant 5 : i32
        %dma_wait3A_667 = arith.constant 104 : i32
        %dma_wait3A_668 = arith.constant 0 : i32
        %dma_wait3A_669 = tpu.memref_slice %arg7[%dma_wait3A_667, %dma_wait3A_668] : memref<128x129xf32, #tpu.memory_space<vmem>> -> memref<8x128xf32, #tpu.memory_space<vmem>>
        %dma_wait3A_670 = arith.constant 0 : i32
        %dma_wait3A_671 = arith.constant 0 : i32
        %dma_wait3A_672 = tpu.memref_slice %arg4[%sub3A_590, %dma_wait3A_666, %add3A, %dma_wait3A_670, %dma_wait3A_671] : memref<200x8x32x8x128xf32, #tpu.memory_space<hbm>> -> memref<1x1x1x8x128xf32, #tpu.memory_space<hbm>>
        %dma_wait3A_673 = tpu.memref_squeeze %dma_wait3A_672 : memref<1x1x1x8x128xf32, #tpu.memory_space<hbm>> -> memref<8x128xf32, #tpu.memory_space<hbm>>
        %dma_wait3A_674 = arith.constant 0 : i32
        %dma_wait3A_675 = arith.constant 0 : i32
        %dma_wait3A_676 = tpu.memref_slice %arg4[%sub3A_590, %dma_wait3A_666, %add3A, %dma_wait3A_674, %dma_wait3A_675] : memref<200x8x32x8x128xf32, #tpu.memory_space<hbm>> -> memref<1x1x1x8x128xf32, #tpu.memory_space<hbm>>
        %dma_wait3A_677 = tpu.memref_squeeze %dma_wait3A_676 : memref<1x1x1x8x128xf32, #tpu.memory_space<hbm>> -> memref<8x128xf32, #tpu.memory_space<hbm>>
        %dma_wait3A_678 = arith.constant 104 : i32
        %dma_wait3A_679 = arith.constant 0 : i32
        %dma_wait3A_680 = tpu.memref_slice %arg7[%dma_wait3A_678, %dma_wait3A_679] : memref<128x129xf32, #tpu.memory_space<vmem>> -> memref<8x128xf32, #tpu.memory_space<vmem>>
        tpu.wait_dma2 semaphore(%arg11 : memref<!tpu.dma_semaphore, #tpu.memory_space<semaphore_mem>>) src(%dma_wait3A_680 : memref<8x128xf32, #tpu.memory_space<vmem>>) dst(%dma_wait3A_677 : memref<8x128xf32, #tpu.memory_space<hbm>>)
        %dma_wait3A_681 = arith.constant 6 : i32
        %dma_wait3A_682 = arith.constant 112 : i32
        %dma_wait3A_683 = arith.constant 0 : i32
        %dma_wait3A_684 = tpu.memref_slice %arg7[%dma_wait3A_682, %dma_wait3A_683] : memref<128x129xf32, #tpu.memory_space<vmem>> -> memref<8x128xf32, #tpu.memory_space<vmem>>
        %dma_wait3A_685 = arith.constant 0 : i32
        %dma_wait3A_686 = arith.constant 0 : i32
        %dma_wait3A_687 = tpu.memref_slice %arg4[%sub3A_590, %dma_wait3A_681, %add3A, %dma_wait3A_685, %dma_wait3A_686] : memref<200x8x32x8x128xf32, #tpu.memory_space<hbm>> -> memref<1x1x1x8x128xf32, #tpu.memory_space<hbm>>
        %dma_wait3A_688 = tpu.memref_squeeze %dma_wait3A_687 : memref<1x1x1x8x128xf32, #tpu.memory_space<hbm>> -> memref<8x128xf32, #tpu.memory_space<hbm>>
        %dma_wait3A_689 = arith.constant 0 : i32
        %dma_wait3A_690 = arith.constant 0 : i32
        %dma_wait3A_691 = tpu.memref_slice %arg4[%sub3A_590, %dma_wait3A_681, %add3A, %dma_wait3A_689, %dma_wait3A_690] : memref<200x8x32x8x128xf32, #tpu.memory_space<hbm>> -> memref<1x1x1x8x128xf32, #tpu.memory_space<hbm>>
        %dma_wait3A_692 = tpu.memref_squeeze %dma_wait3A_691 : memref<1x1x1x8x128xf32, #tpu.memory_space<hbm>> -> memref<8x128xf32, #tpu.memory_space<hbm>>
        %dma_wait3A_693 = arith.constant 112 : i32
        %dma_wait3A_694 = arith.constant 0 : i32
        %dma_wait3A_695 = tpu.memref_slice %arg7[%dma_wait3A_693, %dma_wait3A_694] : memref<128x129xf32, #tpu.memory_space<vmem>> -> memref<8x128xf32, #tpu.memory_space<vmem>>
        tpu.wait_dma2 semaphore(%arg11 : memref<!tpu.dma_semaphore, #tpu.memory_space<semaphore_mem>>) src(%dma_wait3A_695 : memref<8x128xf32, #tpu.memory_space<vmem>>) dst(%dma_wait3A_692 : memref<8x128xf32, #tpu.memory_space<hbm>>)
        %dma_wait3A_696 = arith.constant 7 : i32
        %dma_wait3A_697 = arith.constant 120 : i32
        %dma_wait3A_698 = arith.constant 0 : i32
        %dma_wait3A_699 = tpu.memref_slice %arg7[%dma_wait3A_697, %dma_wait3A_698] : memref<128x129xf32, #tpu.memory_space<vmem>> -> memref<8x128xf32, #tpu.memory_space<vmem>>
        %dma_wait3A_700 = arith.constant 0 : i32
        %dma_wait3A_701 = arith.constant 0 : i32
        %dma_wait3A_702 = tpu.memref_slice %arg4[%sub3A_590, %dma_wait3A_696, %add3A, %dma_wait3A_700, %dma_wait3A_701] : memref<200x8x32x8x128xf32, #tpu.memory_space<hbm>> -> memref<1x1x1x8x128xf32, #tpu.memory_space<hbm>>
        %dma_wait3A_703 = tpu.memref_squeeze %dma_wait3A_702 : memref<1x1x1x8x128xf32, #tpu.memory_space<hbm>> -> memref<8x128xf32, #tpu.memory_space<hbm>>
        %dma_wait3A_704 = arith.constant 0 : i32
        %dma_wait3A_705 = arith.constant 0 : i32
        %dma_wait3A_706 = tpu.memref_slice %arg4[%sub3A_590, %dma_wait3A_696, %add3A, %dma_wait3A_704, %dma_wait3A_705] : memref<200x8x32x8x128xf32, #tpu.memory_space<hbm>> -> memref<1x1x1x8x128xf32, #tpu.memory_space<hbm>>
        %dma_wait3A_707 = tpu.memref_squeeze %dma_wait3A_706 : memref<1x1x1x8x128xf32, #tpu.memory_space<hbm>> -> memref<8x128xf32, #tpu.memory_space<hbm>>
        %dma_wait3A_708 = arith.constant 120 : i32
        %dma_wait3A_709 = arith.constant 0 : i32
        %dma_wait3A_710 = tpu.memref_slice %arg7[%dma_wait3A_708, %dma_wait3A_709] : memref<128x129xf32, #tpu.memory_space<vmem>> -> memref<8x128xf32, #tpu.memory_space<vmem>>
        tpu.wait_dma2 semaphore(%arg11 : memref<!tpu.dma_semaphore, #tpu.memory_space<semaphore_mem>>) src(%dma_wait3A_710 : memref<8x128xf32, #tpu.memory_space<vmem>>) dst(%dma_wait3A_707 : memref<8x128xf32, #tpu.memory_space<hbm>>)
      } else {
      }
      %scan3A_464 = arith.constant 0 : i32
      %scan3A_465 = arith.constant 0 : i32
      %scan3A_466 = arith.constant 16 : i32
      %scan3A_467 = arith.addi %scan3A_465, %scan3A_466 : i32
      %scan3A_468 = arith.constant 1 : i32
      scf.for %scan3A_590 = %scan3A_465 to %scan3A_467 step %scan3A_468  : i32 {
        %mul3A_591 = arith.constant 8 : i32
        %mul3A_592 = arith.muli %scan3A_590, %mul3A_591 : i32
        %add3A_593 = arith.constant 128 : i32
        %add3A_594 = arith.addi %add3A_593, %mul3A_592 : i32
        %add3A_595 = arith.constant 0 : i32
        %add3A_596 = arith.addi %add3A_594, %add3A_595 : i32
        %get3A = arith.index_cast %add3A_596 : i32 to index
        %get3A_597 = arith.constant 0 : index
        %get3A_598 = tpu.vector_load %arg6[%get3A, %get3A_597] {strides = array<i32>} : memref<256x128xf32, #tpu.memory_space<vmem>>, vector<16xf32>,
        %add3A_599 = arith.constant 64 : i32
        %add3A_600 = vector.broadcast %add3A_599 : i32 to vector<16xi32>
        %add3A_601 = arith.addi %iota3A, %add3A_600 : vector<16xi32>
        %add3A_602 = arith.constant 0 : i32
        %add3A_603 = arith.addi %mul3A_592, %add3A_602 : i32
        %broadcast_in_dim3A = vector.broadcast %add3A_603 : i32 to vector<16xi32>
        tpu.vector_store_idx %arg7[%add3A_601, %broadcast_in_dim3A], %get3A_598 : memref<128x129xf32, #tpu.memory_space<vmem>>[vector<16xi32>, vector<16xi32>], vector<16xf32>,
        %add3A_604 = arith.constant 128 : i32
        %add3A_605 = arith.addi %add3A_604, %mul3A_592 : i32
        %add3A_606 = arith.constant 0 : i32
        %add3A_607 = arith.addi %add3A_605, %add3A_606 : i32
        %get3A_608 = arith.index_cast %add3A_607 : i32 to index
        %get3A_609 = arith.constant 16 : index
        %get3A_610 = tpu.vector_load %arg6[%get3A_608, %get3A_609] {strides = array<i32>} : memref<256x128xf32, #tpu.memory_space<vmem>>, vector<16xf32>,
        %add3A_611 = arith.constant 80 : i32
        %add3A_612 = vector.broadcast %add3A_611 : i32 to vector<16xi32>
        %add3A_613 = arith.addi %iota3A, %add3A_612 : vector<16xi32>
        %add3A_614 = arith.constant 0 : i32
        %add3A_615 = arith.addi %mul3A_592, %add3A_614 : i32
        %broadcast_in_dim3A_616 = vector.broadcast %add3A_615 : i32 to vector<16xi32>
        tpu.vector_store_idx %arg7[%add3A_613, %broadcast_in_dim3A_616], %get3A_610 : memref<128x129xf32, #tpu.memory_space<vmem>>[vector<16xi32>, vector<16xi32>], vector<16xf32>,
        %add3A_617 = arith.constant 128 : i32
        %add3A_618 = arith.addi %add3A_617, %mul3A_592 : i32
        %add3A_619 = arith.constant 0 : i32
        %add3A_620 = arith.addi %add3A_618, %add3A_619 : i32
        %get3A_621 = arith.index_cast %add3A_620 : i32 to index
        %get3A_622 = arith.constant 32 : index
        %get3A_623 = tpu.vector_load %arg6[%get3A_621, %get3A_622] {strides = array<i32>} : memref<256x128xf32, #tpu.memory_space<vmem>>, vector<16xf32>,
        %add3A_624 = arith.constant 96 : i32
        %add3A_625 = vector.broadcast %add3A_624 : i32 to vector<16xi32>
        %add3A_626 = arith.addi %iota3A, %add3A_625 : vector<16xi32>
        %add3A_627 = arith.constant 0 : i32
        %add3A_628 = arith.addi %mul3A_592, %add3A_627 : i32
        %broadcast_in_dim3A_629 = vector.broadcast %add3A_628 : i32 to vector<16xi32>
        tpu.vector_store_idx %arg7[%add3A_626, %broadcast_in_dim3A_629], %get3A_623 : memref<128x129xf32, #tpu.memory_space<vmem>>[vector<16xi32>, vector<16xi32>], vector<16xf32>,
        %add3A_630 = arith.constant 128 : i32
        %add3A_631 = arith.addi %add3A_630, %mul3A_592 : i32
        %add3A_632 = arith.constant 0 : i32
        %add3A_633 = arith.addi %add3A_631, %add3A_632 : i32
        %get3A_634 = arith.index_cast %add3A_633 : i32 to index
        %get3A_635 = arith.constant 48 : index
        %get3A_636 = tpu.vector_load %arg6[%get3A_634, %get3A_635] {strides = array<i32>} : memref<256x128xf32, #tpu.memory_space<vmem>>, vector<16xf32>,
        %add3A_637 = arith.constant 112 : i32
        %add3A_638 = vector.broadcast %add3A_637 : i32 to vector<16xi32>
        %add3A_639 = arith.addi %iota3A, %add3A_638 : vector<16xi32>
        %add3A_640 = arith.constant 0 : i32
        %add3A_641 = arith.addi %mul3A_592, %add3A_640 : i32
        %broadcast_in_dim3A_642 = vector.broadcast %add3A_641 : i32 to vector<16xi32>
        tpu.vector_store_idx %arg7[%add3A_639, %broadcast_in_dim3A_642], %get3A_636 : memref<128x129xf32, #tpu.memory_space<vmem>>[vector<16xi32>, vector<16xi32>], vector<16xf32>,
        %add3A_643 = arith.constant 128 : i32
        %add3A_644 = arith.addi %add3A_643, %mul3A_592 : i32
        %add3A_645 = arith.constant 1 : i32
        %add3A_646 = arith.addi %add3A_644, %add3A_645 : i32
        %get3A_647 = arith.index_cast %add3A_646 : i32 to index
        %get3A_648 = arith.constant 0 : index
        %get3A_649 = tpu.vector_load %arg6[%get3A_647, %get3A_648] {strides = array<i32>} : memref<256x128xf32, #tpu.memory_space<vmem>>, vector<16xf32>,
        %add3A_650 = arith.constant 64 : i32
        %add3A_651 = vector.broadcast %add3A_650 : i32 to vector<16xi32>
        %add3A_652 = arith.addi %iota3A, %add3A_651 : vector<16xi32>
        %add3A_653 = arith.constant 1 : i32
        %add3A_654 = arith.addi %mul3A_592, %add3A_653 : i32
        %broadcast_in_dim3A_655 = vector.broadcast %add3A_654 : i32 to vector<16xi32>
        tpu.vector_store_idx %arg7[%add3A_652, %broadcast_in_dim3A_655], %get3A_649 : memref<128x129xf32, #tpu.memory_space<vmem>>[vector<16xi32>, vector<16xi32>], vector<16xf32>,
        %add3A_656 = arith.constant 128 : i32
        %add3A_657 = arith.addi %add3A_656, %mul3A_592 : i32
        %add3A_658 = arith.constant 1 : i32
        %add3A_659 = arith.addi %add3A_657, %add3A_658 : i32
        %get3A_660 = arith.index_cast %add3A_659 : i32 to index
        %get3A_661 = arith.constant 16 : index
        %get3A_662 = tpu.vector_load %arg6[%get3A_660, %get3A_661] {strides = array<i32>} : memref<256x128xf32, #tpu.memory_space<vmem>>, vector<16xf32>,
        %add3A_663 = arith.constant 80 : i32
        %add3A_664 = vector.broadcast %add3A_663 : i32 to vector<16xi32>
        %add3A_665 = arith.addi %iota3A, %add3A_664 : vector<16xi32>
        %add3A_666 = arith.constant 1 : i32
        %add3A_667 = arith.addi %mul3A_592, %add3A_666 : i32
        %broadcast_in_dim3A_668 = vector.broadcast %add3A_667 : i32 to vector<16xi32>
        tpu.vector_store_idx %arg7[%add3A_665, %broadcast_in_dim3A_668], %get3A_662 : memref<128x129xf32, #tpu.memory_space<vmem>>[vector<16xi32>, vector<16xi32>], vector<16xf32>,
        %add3A_669 = arith.constant 128 : i32
        %add3A_670 = arith.addi %add3A_669, %mul3A_592 : i32
        %add3A_671 = arith.constant 1 : i32
        %add3A_672 = arith.addi %add3A_670, %add3A_671 : i32
        %get3A_673 = arith.index_cast %add3A_672 : i32 to index
        %get3A_674 = arith.constant 32 : index
        %get3A_675 = tpu.vector_load %arg6[%get3A_673, %get3A_674] {strides = array<i32>} : memref<256x128xf32, #tpu.memory_space<vmem>>, vector<16xf32>,
        %add3A_676 = arith.constant 96 : i32
        %add3A_677 = vector.broadcast %add3A_676 : i32 to vector<16xi32>
        %add3A_678 = arith.addi %iota3A, %add3A_677 : vector<16xi32>
        %add3A_679 = arith.constant 1 : i32
        %add3A_680 = arith.addi %mul3A_592, %add3A_679 : i32
        %broadcast_in_dim3A_681 = vector.broadcast %add3A_680 : i32 to vector<16xi32>
        tpu.vector_store_idx %arg7[%add3A_678, %broadcast_in_dim3A_681], %get3A_675 : memref<128x129xf32, #tpu.memory_space<vmem>>[vector<16xi32>, vector<16xi32>], vector<16xf32>,
        %add3A_682 = arith.constant 128 : i32
        %add3A_683 = arith.addi %add3A_682, %mul3A_592 : i32
        %add3A_684 = arith.constant 1 : i32
        %add3A_685 = arith.addi %add3A_683, %add3A_684 : i32
        %get3A_686 = arith.index_cast %add3A_685 : i32 to index
        %get3A_687 = arith.constant 48 : index
        %get3A_688 = tpu.vector_load %arg6[%get3A_686, %get3A_687] {strides = array<i32>} : memref<256x128xf32, #tpu.memory_space<vmem>>, vector<16xf32>,
        %add3A_689 = arith.constant 112 : i32
        %add3A_690 = vector.broadcast %add3A_689 : i32 to vector<16xi32>
        %add3A_691 = arith.addi %iota3A, %add3A_690 : vector<16xi32>
        %add3A_692 = arith.constant 1 : i32
        %add3A_693 = arith.addi %mul3A_592, %add3A_692 : i32
        %broadcast_in_dim3A_694 = vector.broadcast %add3A_693 : i32 to vector<16xi32>
        tpu.vector_store_idx %arg7[%add3A_691, %broadcast_in_dim3A_694], %get3A_688 : memref<128x129xf32, #tpu.memory_space<vmem>>[vector<16xi32>, vector<16xi32>], vector<16xf32>,
        %add3A_695 = arith.constant 128 : i32
        %add3A_696 = arith.addi %add3A_695, %mul3A_592 : i32
        %add3A_697 = arith.constant 2 : i32
        %add3A_698 = arith.addi %add3A_696, %add3A_697 : i32
        %get3A_699 = arith.index_cast %add3A_698 : i32 to index
        %get3A_700 = arith.constant 0 : index
        %get3A_701 = tpu.vector_load %arg6[%get3A_699, %get3A_700] {strides = array<i32>} : memref<256x128xf32, #tpu.memory_space<vmem>>, vector<16xf32>,
        %add3A_702 = arith.constant 64 : i32
        %add3A_703 = vector.broadcast %add3A_702 : i32 to vector<16xi32>
        %add3A_704 = arith.addi %iota3A, %add3A_703 : vector<16xi32>
        %add3A_705 = arith.constant 2 : i32
        %add3A_706 = arith.addi %mul3A_592, %add3A_705 : i32
        %broadcast_in_dim3A_707 = vector.broadcast %add3A_706 : i32 to vector<16xi32>
        tpu.vector_store_idx %arg7[%add3A_704, %broadcast_in_dim3A_707], %get3A_701 : memref<128x129xf32, #tpu.memory_space<vmem>>[vector<16xi32>, vector<16xi32>], vector<16xf32>,
        %add3A_708 = arith.constant 128 : i32
        %add3A_709 = arith.addi %add3A_708, %mul3A_592 : i32
        %add3A_710 = arith.constant 2 : i32
        %add3A_711 = arith.addi %add3A_709, %add3A_710 : i32
        %get3A_712 = arith.index_cast %add3A_711 : i32 to index
        %get3A_713 = arith.constant 16 : index
        %get3A_714 = tpu.vector_load %arg6[%get3A_712, %get3A_713] {strides = array<i32>} : memref<256x128xf32, #tpu.memory_space<vmem>>, vector<16xf32>,
        %add3A_715 = arith.constant 80 : i32
        %add3A_716 = vector.broadcast %add3A_715 : i32 to vector<16xi32>
        %add3A_717 = arith.addi %iota3A, %add3A_716 : vector<16xi32>
        %add3A_718 = arith.constant 2 : i32
        %add3A_719 = arith.addi %mul3A_592, %add3A_718 : i32
        %broadcast_in_dim3A_720 = vector.broadcast %add3A_719 : i32 to vector<16xi32>
        tpu.vector_store_idx %arg7[%add3A_717, %broadcast_in_dim3A_720], %get3A_714 : memref<128x129xf32, #tpu.memory_space<vmem>>[vector<16xi32>, vector<16xi32>], vector<16xf32>,
        %add3A_721 = arith.constant 128 : i32
        %add3A_722 = arith.addi %add3A_721, %mul3A_592 : i32
        %add3A_723 = arith.constant 2 : i32
        %add3A_724 = arith.addi %add3A_722, %add3A_723 : i32
        %get3A_725 = arith.index_cast %add3A_724 : i32 to index
        %get3A_726 = arith.constant 32 : index
        %get3A_727 = tpu.vector_load %arg6[%get3A_725, %get3A_726] {strides = array<i32>} : memref<256x128xf32, #tpu.memory_space<vmem>>, vector<16xf32>,
        %add3A_728 = arith.constant 96 : i32
        %add3A_729 = vector.broadcast %add3A_728 : i32 to vector<16xi32>
        %add3A_730 = arith.addi %iota3A, %add3A_729 : vector<16xi32>
        %add3A_731 = arith.constant 2 : i32
        %add3A_732 = arith.addi %mul3A_592, %add3A_731 : i32
        %broadcast_in_dim3A_733 = vector.broadcast %add3A_732 : i32 to vector<16xi32>
        tpu.vector_store_idx %arg7[%add3A_730, %broadcast_in_dim3A_733], %get3A_727 : memref<128x129xf32, #tpu.memory_space<vmem>>[vector<16xi32>, vector<16xi32>], vector<16xf32>,
        %add3A_734 = arith.constant 128 : i32
        %add3A_735 = arith.addi %add3A_734, %mul3A_592 : i32
        %add3A_736 = arith.constant 2 : i32
        %add3A_737 = arith.addi %add3A_735, %add3A_736 : i32
        %get3A_738 = arith.index_cast %add3A_737 : i32 to index
        %get3A_739 = arith.constant 48 : index
        %get3A_740 = tpu.vector_load %arg6[%get3A_738, %get3A_739] {strides = array<i32>} : memref<256x128xf32, #tpu.memory_space<vmem>>, vector<16xf32>,
        %add3A_741 = arith.constant 112 : i32
        %add3A_742 = vector.broadcast %add3A_741 : i32 to vector<16xi32>
        %add3A_743 = arith.addi %iota3A, %add3A_742 : vector<16xi32>
        %add3A_744 = arith.constant 2 : i32
        %add3A_745 = arith.addi %mul3A_592, %add3A_744 : i32
        %broadcast_in_dim3A_746 = vector.broadcast %add3A_745 : i32 to vector<16xi32>
        tpu.vector_store_idx %arg7[%add3A_743, %broadcast_in_dim3A_746], %get3A_740 : memref<128x129xf32, #tpu.memory_space<vmem>>[vector<16xi32>, vector<16xi32>], vector<16xf32>,
        %add3A_747 = arith.constant 128 : i32
        %add3A_748 = arith.addi %add3A_747, %mul3A_592 : i32
        %add3A_749 = arith.constant 3 : i32
        %add3A_750 = arith.addi %add3A_748, %add3A_749 : i32
        %get3A_751 = arith.index_cast %add3A_750 : i32 to index
        %get3A_752 = arith.constant 0 : index
        %get3A_753 = tpu.vector_load %arg6[%get3A_751, %get3A_752] {strides = array<i32>} : memref<256x128xf32, #tpu.memory_space<vmem>>, vector<16xf32>,
        %add3A_754 = arith.constant 64 : i32
        %add3A_755 = vector.broadcast %add3A_754 : i32 to vector<16xi32>
        %add3A_756 = arith.addi %iota3A, %add3A_755 : vector<16xi32>
        %add3A_757 = arith.constant 3 : i32
        %add3A_758 = arith.addi %mul3A_592, %add3A_757 : i32
        %broadcast_in_dim3A_759 = vector.broadcast %add3A_758 : i32 to vector<16xi32>
        tpu.vector_store_idx %arg7[%add3A_756, %broadcast_in_dim3A_759], %get3A_753 : memref<128x129xf32, #tpu.memory_space<vmem>>[vector<16xi32>, vector<16xi32>], vector<16xf32>,
        %add3A_760 = arith.constant 128 : i32
        %add3A_761 = arith.addi %add3A_760, %mul3A_592 : i32
        %add3A_762 = arith.constant 3 : i32
        %add3A_763 = arith.addi %add3A_761, %add3A_762 : i32
        %get3A_764 = arith.index_cast %add3A_763 : i32 to index
        %get3A_765 = arith.constant 16 : index
        %get3A_766 = tpu.vector_load %arg6[%get3A_764, %get3A_765] {strides = array<i32>} : memref<256x128xf32, #tpu.memory_space<vmem>>, vector<16xf32>,
        %add3A_767 = arith.constant 80 : i32
        %add3A_768 = vector.broadcast %add3A_767 : i32 to vector<16xi32>
        %add3A_769 = arith.addi %iota3A, %add3A_768 : vector<16xi32>
        %add3A_770 = arith.constant 3 : i32
        %add3A_771 = arith.addi %mul3A_592, %add3A_770 : i32
        %broadcast_in_dim3A_772 = vector.broadcast %add3A_771 : i32 to vector<16xi32>
        tpu.vector_store_idx %arg7[%add3A_769, %broadcast_in_dim3A_772], %get3A_766 : memref<128x129xf32, #tpu.memory_space<vmem>>[vector<16xi32>, vector<16xi32>], vector<16xf32>,
        %add3A_773 = arith.constant 128 : i32
        %add3A_774 = arith.addi %add3A_773, %mul3A_592 : i32
        %add3A_775 = arith.constant 3 : i32
        %add3A_776 = arith.addi %add3A_774, %add3A_775 : i32
        %get3A_777 = arith.index_cast %add3A_776 : i32 to index
        %get3A_778 = arith.constant 32 : index
        %get3A_779 = tpu.vector_load %arg6[%get3A_777, %get3A_778] {strides = array<i32>} : memref<256x128xf32, #tpu.memory_space<vmem>>, vector<16xf32>,
        %add3A_780 = arith.constant 96 : i32
        %add3A_781 = vector.broadcast %add3A_780 : i32 to vector<16xi32>
        %add3A_782 = arith.addi %iota3A, %add3A_781 : vector<16xi32>
        %add3A_783 = arith.constant 3 : i32
        %add3A_784 = arith.addi %mul3A_592, %add3A_783 : i32
        %broadcast_in_dim3A_785 = vector.broadcast %add3A_784 : i32 to vector<16xi32>
        tpu.vector_store_idx %arg7[%add3A_782, %broadcast_in_dim3A_785], %get3A_779 : memref<128x129xf32, #tpu.memory_space<vmem>>[vector<16xi32>, vector<16xi32>], vector<16xf32>,
        %add3A_786 = arith.constant 128 : i32
        %add3A_787 = arith.addi %add3A_786, %mul3A_592 : i32
        %add3A_788 = arith.constant 3 : i32
        %add3A_789 = arith.addi %add3A_787, %add3A_788 : i32
        %get3A_790 = arith.index_cast %add3A_789 : i32 to index
        %get3A_791 = arith.constant 48 : index
        %get3A_792 = tpu.vector_load %arg6[%get3A_790, %get3A_791] {strides = array<i32>} : memref<256x128xf32, #tpu.memory_space<vmem>>, vector<16xf32>,
        %add3A_793 = arith.constant 112 : i32
        %add3A_794 = vector.broadcast %add3A_793 : i32 to vector<16xi32>
        %add3A_795 = arith.addi %iota3A, %add3A_794 : vector<16xi32>
        %add3A_796 = arith.constant 3 : i32
        %add3A_797 = arith.addi %mul3A_592, %add3A_796 : i32
        %broadcast_in_dim3A_798 = vector.broadcast %add3A_797 : i32 to vector<16xi32>
        tpu.vector_store_idx %arg7[%add3A_795, %broadcast_in_dim3A_798], %get3A_792 : memref<128x129xf32, #tpu.memory_space<vmem>>[vector<16xi32>, vector<16xi32>], vector<16xf32>,
        %add3A_799 = arith.constant 128 : i32
        %add3A_800 = arith.addi %add3A_799, %mul3A_592 : i32
        %add3A_801 = arith.constant 4 : i32
        %add3A_802 = arith.addi %add3A_800, %add3A_801 : i32
        %get3A_803 = arith.index_cast %add3A_802 : i32 to index
        %get3A_804 = arith.constant 0 : index
        %get3A_805 = tpu.vector_load %arg6[%get3A_803, %get3A_804] {strides = array<i32>} : memref<256x128xf32, #tpu.memory_space<vmem>>, vector<16xf32>,
        %add3A_806 = arith.constant 64 : i32
        %add3A_807 = vector.broadcast %add3A_806 : i32 to vector<16xi32>
        %add3A_808 = arith.addi %iota3A, %add3A_807 : vector<16xi32>
        %add3A_809 = arith.constant 4 : i32
        %add3A_810 = arith.addi %mul3A_592, %add3A_809 : i32
        %broadcast_in_dim3A_811 = vector.broadcast %add3A_810 : i32 to vector<16xi32>
        tpu.vector_store_idx %arg7[%add3A_808, %broadcast_in_dim3A_811], %get3A_805 : memref<128x129xf32, #tpu.memory_space<vmem>>[vector<16xi32>, vector<16xi32>], vector<16xf32>,
        %add3A_812 = arith.constant 128 : i32
        %add3A_813 = arith.addi %add3A_812, %mul3A_592 : i32
        %add3A_814 = arith.constant 4 : i32
        %add3A_815 = arith.addi %add3A_813, %add3A_814 : i32
        %get3A_816 = arith.index_cast %add3A_815 : i32 to index
        %get3A_817 = arith.constant 16 : index
        %get3A_818 = tpu.vector_load %arg6[%get3A_816, %get3A_817] {strides = array<i32>} : memref<256x128xf32, #tpu.memory_space<vmem>>, vector<16xf32>,
        %add3A_819 = arith.constant 80 : i32
        %add3A_820 = vector.broadcast %add3A_819 : i32 to vector<16xi32>
        %add3A_821 = arith.addi %iota3A, %add3A_820 : vector<16xi32>
        %add3A_822 = arith.constant 4 : i32
        %add3A_823 = arith.addi %mul3A_592, %add3A_822 : i32
        %broadcast_in_dim3A_824 = vector.broadcast %add3A_823 : i32 to vector<16xi32>
        tpu.vector_store_idx %arg7[%add3A_821, %broadcast_in_dim3A_824], %get3A_818 : memref<128x129xf32, #tpu.memory_space<vmem>>[vector<16xi32>, vector<16xi32>], vector<16xf32>,
        %add3A_825 = arith.constant 128 : i32
        %add3A_826 = arith.addi %add3A_825, %mul3A_592 : i32
        %add3A_827 = arith.constant 4 : i32
        %add3A_828 = arith.addi %add3A_826, %add3A_827 : i32
        %get3A_829 = arith.index_cast %add3A_828 : i32 to index
        %get3A_830 = arith.constant 32 : index
        %get3A_831 = tpu.vector_load %arg6[%get3A_829, %get3A_830] {strides = array<i32>} : memref<256x128xf32, #tpu.memory_space<vmem>>, vector<16xf32>,
        %add3A_832 = arith.constant 96 : i32
        %add3A_833 = vector.broadcast %add3A_832 : i32 to vector<16xi32>
        %add3A_834 = arith.addi %iota3A, %add3A_833 : vector<16xi32>
        %add3A_835 = arith.constant 4 : i32
        %add3A_836 = arith.addi %mul3A_592, %add3A_835 : i32
        %broadcast_in_dim3A_837 = vector.broadcast %add3A_836 : i32 to vector<16xi32>
        tpu.vector_store_idx %arg7[%add3A_834, %broadcast_in_dim3A_837], %get3A_831 : memref<128x129xf32, #tpu.memory_space<vmem>>[vector<16xi32>, vector<16xi32>], vector<16xf32>,
        %add3A_838 = arith.constant 128 : i32
        %add3A_839 = arith.addi %add3A_838, %mul3A_592 : i32
        %add3A_840 = arith.constant 4 : i32
        %add3A_841 = arith.addi %add3A_839, %add3A_840 : i32
        %get3A_842 = arith.index_cast %add3A_841 : i32 to index
        %get3A_843 = arith.constant 48 : index
        %get3A_844 = tpu.vector_load %arg6[%get3A_842, %get3A_843] {strides = array<i32>} : memref<256x128xf32, #tpu.memory_space<vmem>>, vector<16xf32>,
        %add3A_845 = arith.constant 112 : i32
        %add3A_846 = vector.broadcast %add3A_845 : i32 to vector<16xi32>
        %add3A_847 = arith.addi %iota3A, %add3A_846 : vector<16xi32>
        %add3A_848 = arith.constant 4 : i32
        %add3A_849 = arith.addi %mul3A_592, %add3A_848 : i32
        %broadcast_in_dim3A_850 = vector.broadcast %add3A_849 : i32 to vector<16xi32>
        tpu.vector_store_idx %arg7[%add3A_847, %broadcast_in_dim3A_850], %get3A_844 : memref<128x129xf32, #tpu.memory_space<vmem>>[vector<16xi32>, vector<16xi32>], vector<16xf32>,
        %add3A_851 = arith.constant 128 : i32
        %add3A_852 = arith.addi %add3A_851, %mul3A_592 : i32
        %add3A_853 = arith.constant 5 : i32
        %add3A_854 = arith.addi %add3A_852, %add3A_853 : i32
        %get3A_855 = arith.index_cast %add3A_854 : i32 to index
        %get3A_856 = arith.constant 0 : index
        %get3A_857 = tpu.vector_load %arg6[%get3A_855, %get3A_856] {strides = array<i32>} : memref<256x128xf32, #tpu.memory_space<vmem>>, vector<16xf32>,
        %add3A_858 = arith.constant 64 : i32
        %add3A_859 = vector.broadcast %add3A_858 : i32 to vector<16xi32>
        %add3A_860 = arith.addi %iota3A, %add3A_859 : vector<16xi32>
        %add3A_861 = arith.constant 5 : i32
        %add3A_862 = arith.addi %mul3A_592, %add3A_861 : i32
        %broadcast_in_dim3A_863 = vector.broadcast %add3A_862 : i32 to vector<16xi32>
        tpu.vector_store_idx %arg7[%add3A_860, %broadcast_in_dim3A_863], %get3A_857 : memref<128x129xf32, #tpu.memory_space<vmem>>[vector<16xi32>, vector<16xi32>], vector<16xf32>,
        %add3A_864 = arith.constant 128 : i32
        %add3A_865 = arith.addi %add3A_864, %mul3A_592 : i32
        %add3A_866 = arith.constant 5 : i32
        %add3A_867 = arith.addi %add3A_865, %add3A_866 : i32
        %get3A_868 = arith.index_cast %add3A_867 : i32 to index
        %get3A_869 = arith.constant 16 : index
        %get3A_870 = tpu.vector_load %arg6[%get3A_868, %get3A_869] {strides = array<i32>} : memref<256x128xf32, #tpu.memory_space<vmem>>, vector<16xf32>,
        %add3A_871 = arith.constant 80 : i32
        %add3A_872 = vector.broadcast %add3A_871 : i32 to vector<16xi32>
        %add3A_873 = arith.addi %iota3A, %add3A_872 : vector<16xi32>
        %add3A_874 = arith.constant 5 : i32
        %add3A_875 = arith.addi %mul3A_592, %add3A_874 : i32
        %broadcast_in_dim3A_876 = vector.broadcast %add3A_875 : i32 to vector<16xi32>
        tpu.vector_store_idx %arg7[%add3A_873, %broadcast_in_dim3A_876], %get3A_870 : memref<128x129xf32, #tpu.memory_space<vmem>>[vector<16xi32>, vector<16xi32>], vector<16xf32>,
        %add3A_877 = arith.constant 128 : i32
        %add3A_878 = arith.addi %add3A_877, %mul3A_592 : i32
        %add3A_879 = arith.constant 5 : i32
        %add3A_880 = arith.addi %add3A_878, %add3A_879 : i32
        %get3A_881 = arith.index_cast %add3A_880 : i32 to index
        %get3A_882 = arith.constant 32 : index
        %get3A_883 = tpu.vector_load %arg6[%get3A_881, %get3A_882] {strides = array<i32>} : memref<256x128xf32, #tpu.memory_space<vmem>>, vector<16xf32>,
        %add3A_884 = arith.constant 96 : i32
        %add3A_885 = vector.broadcast %add3A_884 : i32 to vector<16xi32>
        %add3A_886 = arith.addi %iota3A, %add3A_885 : vector<16xi32>
        %add3A_887 = arith.constant 5 : i32
        %add3A_888 = arith.addi %mul3A_592, %add3A_887 : i32
        %broadcast_in_dim3A_889 = vector.broadcast %add3A_888 : i32 to vector<16xi32>
        tpu.vector_store_idx %arg7[%add3A_886, %broadcast_in_dim3A_889], %get3A_883 : memref<128x129xf32, #tpu.memory_space<vmem>>[vector<16xi32>, vector<16xi32>], vector<16xf32>,
        %add3A_890 = arith.constant 128 : i32
        %add3A_891 = arith.addi %add3A_890, %mul3A_592 : i32
        %add3A_892 = arith.constant 5 : i32
        %add3A_893 = arith.addi %add3A_891, %add3A_892 : i32
        %get3A_894 = arith.index_cast %add3A_893 : i32 to index
        %get3A_895 = arith.constant 48 : index
        %get3A_896 = tpu.vector_load %arg6[%get3A_894, %get3A_895] {strides = array<i32>} : memref<256x128xf32, #tpu.memory_space<vmem>>, vector<16xf32>,
        %add3A_897 = arith.constant 112 : i32
        %add3A_898 = vector.broadcast %add3A_897 : i32 to vector<16xi32>
        %add3A_899 = arith.addi %iota3A, %add3A_898 : vector<16xi32>
        %add3A_900 = arith.constant 5 : i32
        %add3A_901 = arith.addi %mul3A_592, %add3A_900 : i32
        %broadcast_in_dim3A_902 = vector.broadcast %add3A_901 : i32 to vector<16xi32>
        tpu.vector_store_idx %arg7[%add3A_899, %broadcast_in_dim3A_902], %get3A_896 : memref<128x129xf32, #tpu.memory_space<vmem>>[vector<16xi32>, vector<16xi32>], vector<16xf32>,
        %add3A_903 = arith.constant 128 : i32
        %add3A_904 = arith.addi %add3A_903, %mul3A_592 : i32
        %add3A_905 = arith.constant 6 : i32
        %add3A_906 = arith.addi %add3A_904, %add3A_905 : i32
        %get3A_907 = arith.index_cast %add3A_906 : i32 to index
        %get3A_908 = arith.constant 0 : index
        %get3A_909 = tpu.vector_load %arg6[%get3A_907, %get3A_908] {strides = array<i32>} : memref<256x128xf32, #tpu.memory_space<vmem>>, vector<16xf32>,
        %add3A_910 = arith.constant 64 : i32
        %add3A_911 = vector.broadcast %add3A_910 : i32 to vector<16xi32>
        %add3A_912 = arith.addi %iota3A, %add3A_911 : vector<16xi32>
        %add3A_913 = arith.constant 6 : i32
        %add3A_914 = arith.addi %mul3A_592, %add3A_913 : i32
        %broadcast_in_dim3A_915 = vector.broadcast %add3A_914 : i32 to vector<16xi32>
        tpu.vector_store_idx %arg7[%add3A_912, %broadcast_in_dim3A_915], %get3A_909 : memref<128x129xf32, #tpu.memory_space<vmem>>[vector<16xi32>, vector<16xi32>], vector<16xf32>,
        %add3A_916 = arith.constant 128 : i32
        %add3A_917 = arith.addi %add3A_916, %mul3A_592 : i32
        %add3A_918 = arith.constant 6 : i32
        %add3A_919 = arith.addi %add3A_917, %add3A_918 : i32
        %get3A_920 = arith.index_cast %add3A_919 : i32 to index
        %get3A_921 = arith.constant 16 : index
        %get3A_922 = tpu.vector_load %arg6[%get3A_920, %get3A_921] {strides = array<i32>} : memref<256x128xf32, #tpu.memory_space<vmem>>, vector<16xf32>,
        %add3A_923 = arith.constant 80 : i32
        %add3A_924 = vector.broadcast %add3A_923 : i32 to vector<16xi32>
        %add3A_925 = arith.addi %iota3A, %add3A_924 : vector<16xi32>
        %add3A_926 = arith.constant 6 : i32
        %add3A_927 = arith.addi %mul3A_592, %add3A_926 : i32
        %broadcast_in_dim3A_928 = vector.broadcast %add3A_927 : i32 to vector<16xi32>
        tpu.vector_store_idx %arg7[%add3A_925, %broadcast_in_dim3A_928], %get3A_922 : memref<128x129xf32, #tpu.memory_space<vmem>>[vector<16xi32>, vector<16xi32>], vector<16xf32>,
        %add3A_929 = arith.constant 128 : i32
        %add3A_930 = arith.addi %add3A_929, %mul3A_592 : i32
        %add3A_931 = arith.constant 6 : i32
        %add3A_932 = arith.addi %add3A_930, %add3A_931 : i32
        %get3A_933 = arith.index_cast %add3A_932 : i32 to index
        %get3A_934 = arith.constant 32 : index
        %get3A_935 = tpu.vector_load %arg6[%get3A_933, %get3A_934] {strides = array<i32>} : memref<256x128xf32, #tpu.memory_space<vmem>>, vector<16xf32>,
        %add3A_936 = arith.constant 96 : i32
        %add3A_937 = vector.broadcast %add3A_936 : i32 to vector<16xi32>
        %add3A_938 = arith.addi %iota3A, %add3A_937 : vector<16xi32>
        %add3A_939 = arith.constant 6 : i32
        %add3A_940 = arith.addi %mul3A_592, %add3A_939 : i32
        %broadcast_in_dim3A_941 = vector.broadcast %add3A_940 : i32 to vector<16xi32>
        tpu.vector_store_idx %arg7[%add3A_938, %broadcast_in_dim3A_941], %get3A_935 : memref<128x129xf32, #tpu.memory_space<vmem>>[vector<16xi32>, vector<16xi32>], vector<16xf32>,
        %add3A_942 = arith.constant 128 : i32
        %add3A_943 = arith.addi %add3A_942, %mul3A_592 : i32
        %add3A_944 = arith.constant 6 : i32
        %add3A_945 = arith.addi %add3A_943, %add3A_944 : i32
        %get3A_946 = arith.index_cast %add3A_945 : i32 to index
        %get3A_947 = arith.constant 48 : index
        %get3A_948 = tpu.vector_load %arg6[%get3A_946, %get3A_947] {strides = array<i32>} : memref<256x128xf32, #tpu.memory_space<vmem>>, vector<16xf32>,
        %add3A_949 = arith.constant 112 : i32
        %add3A_950 = vector.broadcast %add3A_949 : i32 to vector<16xi32>
        %add3A_951 = arith.addi %iota3A, %add3A_950 : vector<16xi32>
        %add3A_952 = arith.constant 6 : i32
        %add3A_953 = arith.addi %mul3A_592, %add3A_952 : i32
        %broadcast_in_dim3A_954 = vector.broadcast %add3A_953 : i32 to vector<16xi32>
        tpu.vector_store_idx %arg7[%add3A_951, %broadcast_in_dim3A_954], %get3A_948 : memref<128x129xf32, #tpu.memory_space<vmem>>[vector<16xi32>, vector<16xi32>], vector<16xf32>,
        %add3A_955 = arith.constant 128 : i32
        %add3A_956 = arith.addi %add3A_955, %mul3A_592 : i32
        %add3A_957 = arith.constant 7 : i32
        %add3A_958 = arith.addi %add3A_956, %add3A_957 : i32
        %get3A_959 = arith.index_cast %add3A_958 : i32 to index
        %get3A_960 = arith.constant 0 : index
        %get3A_961 = tpu.vector_load %arg6[%get3A_959, %get3A_960] {strides = array<i32>} : memref<256x128xf32, #tpu.memory_space<vmem>>, vector<16xf32>,
        %add3A_962 = arith.constant 64 : i32
        %add3A_963 = vector.broadcast %add3A_962 : i32 to vector<16xi32>
        %add3A_964 = arith.addi %iota3A, %add3A_963 : vector<16xi32>
        %add3A_965 = arith.constant 7 : i32
        %add3A_966 = arith.addi %mul3A_592, %add3A_965 : i32
        %broadcast_in_dim3A_967 = vector.broadcast %add3A_966 : i32 to vector<16xi32>
        tpu.vector_store_idx %arg7[%add3A_964, %broadcast_in_dim3A_967], %get3A_961 : memref<128x129xf32, #tpu.memory_space<vmem>>[vector<16xi32>, vector<16xi32>], vector<16xf32>,
        %add3A_968 = arith.constant 128 : i32
        %add3A_969 = arith.addi %add3A_968, %mul3A_592 : i32
        %add3A_970 = arith.constant 7 : i32
        %add3A_971 = arith.addi %add3A_969, %add3A_970 : i32
        %get3A_972 = arith.index_cast %add3A_971 : i32 to index
        %get3A_973 = arith.constant 16 : index
        %get3A_974 = tpu.vector_load %arg6[%get3A_972, %get3A_973] {strides = array<i32>} : memref<256x128xf32, #tpu.memory_space<vmem>>, vector<16xf32>,
        %add3A_975 = arith.constant 80 : i32
        %add3A_976 = vector.broadcast %add3A_975 : i32 to vector<16xi32>
        %add3A_977 = arith.addi %iota3A, %add3A_976 : vector<16xi32>
        %add3A_978 = arith.constant 7 : i32
        %add3A_979 = arith.addi %mul3A_592, %add3A_978 : i32
        %broadcast_in_dim3A_980 = vector.broadcast %add3A_979 : i32 to vector<16xi32>
        tpu.vector_store_idx %arg7[%add3A_977, %broadcast_in_dim3A_980], %get3A_974 : memref<128x129xf32, #tpu.memory_space<vmem>>[vector<16xi32>, vector<16xi32>], vector<16xf32>,
        %add3A_981 = arith.constant 128 : i32
        %add3A_982 = arith.addi %add3A_981, %mul3A_592 : i32
        %add3A_983 = arith.constant 7 : i32
        %add3A_984 = arith.addi %add3A_982, %add3A_983 : i32
        %get3A_985 = arith.index_cast %add3A_984 : i32 to index
        %get3A_986 = arith.constant 32 : index
        %get3A_987 = tpu.vector_load %arg6[%get3A_985, %get3A_986] {strides = array<i32>} : memref<256x128xf32, #tpu.memory_space<vmem>>, vector<16xf32>,
        %add3A_988 = arith.constant 96 : i32
        %add3A_989 = vector.broadcast %add3A_988 : i32 to vector<16xi32>
        %add3A_990 = arith.addi %iota3A, %add3A_989 : vector<16xi32>
        %add3A_991 = arith.constant 7 : i32
        %add3A_992 = arith.addi %mul3A_592, %add3A_991 : i32
        %broadcast_in_dim3A_993 = vector.broadcast %add3A_992 : i32 to vector<16xi32>
        tpu.vector_store_idx %arg7[%add3A_990, %broadcast_in_dim3A_993], %get3A_987 : memref<128x129xf32, #tpu.memory_space<vmem>>[vector<16xi32>, vector<16xi32>], vector<16xf32>,
        %add3A_994 = arith.constant 128 : i32
        %add3A_995 = arith.addi %add3A_994, %mul3A_592 : i32
        %add3A_996 = arith.constant 7 : i32
        %add3A_997 = arith.addi %add3A_995, %add3A_996 : i32
        %get3A_998 = arith.index_cast %add3A_997 : i32 to index
        %get3A_999 = arith.constant 48 : index
        %get3A_1000 = tpu.vector_load %arg6[%get3A_998, %get3A_999] {strides = array<i32>} : memref<256x128xf32, #tpu.memory_space<vmem>>, vector<16xf32>,
        %add3A_1001 = arith.constant 112 : i32
        %add3A_1002 = vector.broadcast %add3A_1001 : i32 to vector<16xi32>
        %add3A_1003 = arith.addi %iota3A, %add3A_1002 : vector<16xi32>
        %add3A_1004 = arith.constant 7 : i32
        %add3A_1005 = arith.addi %mul3A_592, %add3A_1004 : i32
        %broadcast_in_dim3A_1006 = vector.broadcast %add3A_1005 : i32 to vector<16xi32>
        tpu.vector_store_idx %arg7[%add3A_1003, %broadcast_in_dim3A_1006], %get3A_1000 : memref<128x129xf32, #tpu.memory_space<vmem>>[vector<16xi32>, vector<16xi32>], vector<16xf32>,
      }
      %scan3A_469 = arith.constant 16 : i32
      %dma_start3A_470 = arith.constant 0 : i32
      %dma_start3A_471 = arith.constant 64 : i32
      %dma_start3A_472 = arith.constant 0 : i32
      %dma_start3A_473 = tpu.memref_slice %arg7[%dma_start3A_471, %dma_start3A_472] : memref<128x129xf32, #tpu.memory_space<vmem>> -> memref<8x128xf32, #tpu.memory_space<vmem>>
      %dma_start3A_474 = arith.constant 0 : i32
      %dma_start3A_475 = arith.constant 0 : i32
      %dma_start3A_476 = tpu.memref_slice %arg4[%add3A_436, %dma_start3A_470, %add3A, %dma_start3A_474, %dma_start3A_475] : memref<200x8x32x8x128xf32, #tpu.memory_space<hbm>> -> memref<1x1x1x8x128xf32, #tpu.memory_space<hbm>>
      %dma_start3A_477 = tpu.memref_squeeze %dma_start3A_476 : memref<1x1x1x8x128xf32, #tpu.memory_space<hbm>> -> memref<8x128xf32, #tpu.memory_space<hbm>>
      %dma_start3A_478 = arith.constant 0 : i32
      %dma_start3A_479 = arith.constant 0 : i32
      %dma_start3A_480 = tpu.memref_slice %arg4[%add3A_436, %dma_start3A_470, %add3A, %dma_start3A_478, %dma_start3A_479] : memref<200x8x32x8x128xf32, #tpu.memory_space<hbm>> -> memref<1x1x1x8x128xf32, #tpu.memory_space<hbm>>
      %dma_start3A_481 = tpu.memref_squeeze %dma_start3A_480 : memref<1x1x1x8x128xf32, #tpu.memory_space<hbm>> -> memref<8x128xf32, #tpu.memory_space<hbm>>
      %dma_start3A_482 = arith.constant 64 : i32
      %dma_start3A_483 = arith.constant 0 : i32
      %dma_start3A_484 = tpu.memref_slice %arg7[%dma_start3A_482, %dma_start3A_483] : memref<128x129xf32, #tpu.memory_space<vmem>> -> memref<8x128xf32, #tpu.memory_space<vmem>>
      tpu.enqueue_dma source(%dma_start3A_484 : memref<8x128xf32, #tpu.memory_space<vmem>>) target(%dma_start3A_481 : memref<8x128xf32, #tpu.memory_space<hbm>>) target_semaphore(%arg11 : memref<!tpu.dma_semaphore, #tpu.memory_space<semaphore_mem>>)
      %dma_start3A_485 = arith.constant 1 : i32
      %dma_start3A_486 = arith.constant 72 : i32
      %dma_start3A_487 = arith.constant 0 : i32
      %dma_start3A_488 = tpu.memref_slice %arg7[%dma_start3A_486, %dma_start3A_487] : memref<128x129xf32, #tpu.memory_space<vmem>> -> memref<8x128xf32, #tpu.memory_space<vmem>>
      %dma_start3A_489 = arith.constant 0 : i32
      %dma_start3A_490 = arith.constant 0 : i32
      %dma_start3A_491 = tpu.memref_slice %arg4[%add3A_436, %dma_start3A_485, %add3A, %dma_start3A_489, %dma_start3A_490] : memref<200x8x32x8x128xf32, #tpu.memory_space<hbm>> -> memref<1x1x1x8x128xf32, #tpu.memory_space<hbm>>
      %dma_start3A_492 = tpu.memref_squeeze %dma_start3A_491 : memref<1x1x1x8x128xf32, #tpu.memory_space<hbm>> -> memref<8x128xf32, #tpu.memory_space<hbm>>
      %dma_start3A_493 = arith.constant 0 : i32
      %dma_start3A_494 = arith.constant 0 : i32
      %dma_start3A_495 = tpu.memref_slice %arg4[%add3A_436, %dma_start3A_485, %add3A, %dma_start3A_493, %dma_start3A_494] : memref<200x8x32x8x128xf32, #tpu.memory_space<hbm>> -> memref<1x1x1x8x128xf32, #tpu.memory_space<hbm>>
      %dma_start3A_496 = tpu.memref_squeeze %dma_start3A_495 : memref<1x1x1x8x128xf32, #tpu.memory_space<hbm>> -> memref<8x128xf32, #tpu.memory_space<hbm>>
      %dma_start3A_497 = arith.constant 72 : i32
      %dma_start3A_498 = arith.constant 0 : i32
      %dma_start3A_499 = tpu.memref_slice %arg7[%dma_start3A_497, %dma_start3A_498] : memref<128x129xf32, #tpu.memory_space<vmem>> -> memref<8x128xf32, #tpu.memory_space<vmem>>
      tpu.enqueue_dma source(%dma_start3A_499 : memref<8x128xf32, #tpu.memory_space<vmem>>) target(%dma_start3A_496 : memref<8x128xf32, #tpu.memory_space<hbm>>) target_semaphore(%arg11 : memref<!tpu.dma_semaphore, #tpu.memory_space<semaphore_mem>>)
      %dma_start3A_500 = arith.constant 2 : i32
      %dma_start3A_501 = arith.constant 80 : i32
      %dma_start3A_502 = arith.constant 0 : i32
      %dma_start3A_503 = tpu.memref_slice %arg7[%dma_start3A_501, %dma_start3A_502] : memref<128x129xf32, #tpu.memory_space<vmem>> -> memref<8x128xf32, #tpu.memory_space<vmem>>
      %dma_start3A_504 = arith.constant 0 : i32
      %dma_start3A_505 = arith.constant 0 : i32
      %dma_start3A_506 = tpu.memref_slice %arg4[%add3A_436, %dma_start3A_500, %add3A, %dma_start3A_504, %dma_start3A_505] : memref<200x8x32x8x128xf32, #tpu.memory_space<hbm>> -> memref<1x1x1x8x128xf32, #tpu.memory_space<hbm>>
      %dma_start3A_507 = tpu.memref_squeeze %dma_start3A_506 : memref<1x1x1x8x128xf32, #tpu.memory_space<hbm>> -> memref<8x128xf32, #tpu.memory_space<hbm>>
      %dma_start3A_508 = arith.constant 0 : i32
      %dma_start3A_509 = arith.constant 0 : i32
      %dma_start3A_510 = tpu.memref_slice %arg4[%add3A_436, %dma_start3A_500, %add3A, %dma_start3A_508, %dma_start3A_509] : memref<200x8x32x8x128xf32, #tpu.memory_space<hbm>> -> memref<1x1x1x8x128xf32, #tpu.memory_space<hbm>>
      %dma_start3A_511 = tpu.memref_squeeze %dma_start3A_510 : memref<1x1x1x8x128xf32, #tpu.memory_space<hbm>> -> memref<8x128xf32, #tpu.memory_space<hbm>>
      %dma_start3A_512 = arith.constant 80 : i32
      %dma_start3A_513 = arith.constant 0 : i32
      %dma_start3A_514 = tpu.memref_slice %arg7[%dma_start3A_512, %dma_start3A_513] : memref<128x129xf32, #tpu.memory_space<vmem>> -> memref<8x128xf32, #tpu.memory_space<vmem>>
      tpu.enqueue_dma source(%dma_start3A_514 : memref<8x128xf32, #tpu.memory_space<vmem>>) target(%dma_start3A_511 : memref<8x128xf32, #tpu.memory_space<hbm>>) target_semaphore(%arg11 : memref<!tpu.dma_semaphore, #tpu.memory_space<semaphore_mem>>)
      %dma_start3A_515 = arith.constant 3 : i32
      %dma_start3A_516 = arith.constant 88 : i32
      %dma_start3A_517 = arith.constant 0 : i32
      %dma_start3A_518 = tpu.memref_slice %arg7[%dma_start3A_516, %dma_start3A_517] : memref<128x129xf32, #tpu.memory_space<vmem>> -> memref<8x128xf32, #tpu.memory_space<vmem>>
      %dma_start3A_519 = arith.constant 0 : i32
      %dma_start3A_520 = arith.constant 0 : i32
      %dma_start3A_521 = tpu.memref_slice %arg4[%add3A_436, %dma_start3A_515, %add3A, %dma_start3A_519, %dma_start3A_520] : memref<200x8x32x8x128xf32, #tpu.memory_space<hbm>> -> memref<1x1x1x8x128xf32, #tpu.memory_space<hbm>>
      %dma_start3A_522 = tpu.memref_squeeze %dma_start3A_521 : memref<1x1x1x8x128xf32, #tpu.memory_space<hbm>> -> memref<8x128xf32, #tpu.memory_space<hbm>>
      %dma_start3A_523 = arith.constant 0 : i32
      %dma_start3A_524 = arith.constant 0 : i32
      %dma_start3A_525 = tpu.memref_slice %arg4[%add3A_436, %dma_start3A_515, %add3A, %dma_start3A_523, %dma_start3A_524] : memref<200x8x32x8x128xf32, #tpu.memory_space<hbm>> -> memref<1x1x1x8x128xf32, #tpu.memory_space<hbm>>
      %dma_start3A_526 = tpu.memref_squeeze %dma_start3A_525 : memref<1x1x1x8x128xf32, #tpu.memory_space<hbm>> -> memref<8x128xf32, #tpu.memory_space<hbm>>
      %dma_start3A_527 = arith.constant 88 : i32
      %dma_start3A_528 = arith.constant 0 : i32
      %dma_start3A_529 = tpu.memref_slice %arg7[%dma_start3A_527, %dma_start3A_528] : memref<128x129xf32, #tpu.memory_space<vmem>> -> memref<8x128xf32, #tpu.memory_space<vmem>>
      tpu.enqueue_dma source(%dma_start3A_529 : memref<8x128xf32, #tpu.memory_space<vmem>>) target(%dma_start3A_526 : memref<8x128xf32, #tpu.memory_space<hbm>>) target_semaphore(%arg11 : memref<!tpu.dma_semaphore, #tpu.memory_space<semaphore_mem>>)
      %dma_start3A_530 = arith.constant 4 : i32
      %dma_start3A_531 = arith.constant 96 : i32
      %dma_start3A_532 = arith.constant 0 : i32
      %dma_start3A_533 = tpu.memref_slice %arg7[%dma_start3A_531, %dma_start3A_532] : memref<128x129xf32, #tpu.memory_space<vmem>> -> memref<8x128xf32, #tpu.memory_space<vmem>>
      %dma_start3A_534 = arith.constant 0 : i32
      %dma_start3A_535 = arith.constant 0 : i32
      %dma_start3A_536 = tpu.memref_slice %arg4[%add3A_436, %dma_start3A_530, %add3A, %dma_start3A_534, %dma_start3A_535] : memref<200x8x32x8x128xf32, #tpu.memory_space<hbm>> -> memref<1x1x1x8x128xf32, #tpu.memory_space<hbm>>
      %dma_start3A_537 = tpu.memref_squeeze %dma_start3A_536 : memref<1x1x1x8x128xf32, #tpu.memory_space<hbm>> -> memref<8x128xf32, #tpu.memory_space<hbm>>
      %dma_start3A_538 = arith.constant 0 : i32
      %dma_start3A_539 = arith.constant 0 : i32
      %dma_start3A_540 = tpu.memref_slice %arg4[%add3A_436, %dma_start3A_530, %add3A, %dma_start3A_538, %dma_start3A_539] : memref<200x8x32x8x128xf32, #tpu.memory_space<hbm>> -> memref<1x1x1x8x128xf32, #tpu.memory_space<hbm>>
      %dma_start3A_541 = tpu.memref_squeeze %dma_start3A_540 : memref<1x1x1x8x128xf32, #tpu.memory_space<hbm>> -> memref<8x128xf32, #tpu.memory_space<hbm>>
      %dma_start3A_542 = arith.constant 96 : i32
      %dma_start3A_543 = arith.constant 0 : i32
      %dma_start3A_544 = tpu.memref_slice %arg7[%dma_start3A_542, %dma_start3A_543] : memref<128x129xf32, #tpu.memory_space<vmem>> -> memref<8x128xf32, #tpu.memory_space<vmem>>
      tpu.enqueue_dma source(%dma_start3A_544 : memref<8x128xf32, #tpu.memory_space<vmem>>) target(%dma_start3A_541 : memref<8x128xf32, #tpu.memory_space<hbm>>) target_semaphore(%arg11 : memref<!tpu.dma_semaphore, #tpu.memory_space<semaphore_mem>>)
      %dma_start3A_545 = arith.constant 5 : i32
      %dma_start3A_546 = arith.constant 104 : i32
      %dma_start3A_547 = arith.constant 0 : i32
      %dma_start3A_548 = tpu.memref_slice %arg7[%dma_start3A_546, %dma_start3A_547] : memref<128x129xf32, #tpu.memory_space<vmem>> -> memref<8x128xf32, #tpu.memory_space<vmem>>
      %dma_start3A_549 = arith.constant 0 : i32
      %dma_start3A_550 = arith.constant 0 : i32
      %dma_start3A_551 = tpu.memref_slice %arg4[%add3A_436, %dma_start3A_545, %add3A, %dma_start3A_549, %dma_start3A_550] : memref<200x8x32x8x128xf32, #tpu.memory_space<hbm>> -> memref<1x1x1x8x128xf32, #tpu.memory_space<hbm>>
      %dma_start3A_552 = tpu.memref_squeeze %dma_start3A_551 : memref<1x1x1x8x128xf32, #tpu.memory_space<hbm>> -> memref<8x128xf32, #tpu.memory_space<hbm>>
      %dma_start3A_553 = arith.constant 0 : i32
      %dma_start3A_554 = arith.constant 0 : i32
      %dma_start3A_555 = tpu.memref_slice %arg4[%add3A_436, %dma_start3A_545, %add3A, %dma_start3A_553, %dma_start3A_554] : memref<200x8x32x8x128xf32, #tpu.memory_space<hbm>> -> memref<1x1x1x8x128xf32, #tpu.memory_space<hbm>>
      %dma_start3A_556 = tpu.memref_squeeze %dma_start3A_555 : memref<1x1x1x8x128xf32, #tpu.memory_space<hbm>> -> memref<8x128xf32, #tpu.memory_space<hbm>>
      %dma_start3A_557 = arith.constant 104 : i32
      %dma_start3A_558 = arith.constant 0 : i32
      %dma_start3A_559 = tpu.memref_slice %arg7[%dma_start3A_557, %dma_start3A_558] : memref<128x129xf32, #tpu.memory_space<vmem>> -> memref<8x128xf32, #tpu.memory_space<vmem>>
      tpu.enqueue_dma source(%dma_start3A_559 : memref<8x128xf32, #tpu.memory_space<vmem>>) target(%dma_start3A_556 : memref<8x128xf32, #tpu.memory_space<hbm>>) target_semaphore(%arg11 : memref<!tpu.dma_semaphore, #tpu.memory_space<semaphore_mem>>)
      %dma_start3A_560 = arith.constant 6 : i32
      %dma_start3A_561 = arith.constant 112 : i32
      %dma_start3A_562 = arith.constant 0 : i32
      %dma_start3A_563 = tpu.memref_slice %arg7[%dma_start3A_561, %dma_start3A_562] : memref<128x129xf32, #tpu.memory_space<vmem>> -> memref<8x128xf32, #tpu.memory_space<vmem>>
      %dma_start3A_564 = arith.constant 0 : i32
      %dma_start3A_565 = arith.constant 0 : i32
      %dma_start3A_566 = tpu.memref_slice %arg4[%add3A_436, %dma_start3A_560, %add3A, %dma_start3A_564, %dma_start3A_565] : memref<200x8x32x8x128xf32, #tpu.memory_space<hbm>> -> memref<1x1x1x8x128xf32, #tpu.memory_space<hbm>>
      %dma_start3A_567 = tpu.memref_squeeze %dma_start3A_566 : memref<1x1x1x8x128xf32, #tpu.memory_space<hbm>> -> memref<8x128xf32, #tpu.memory_space<hbm>>
      %dma_start3A_568 = arith.constant 0 : i32
      %dma_start3A_569 = arith.constant 0 : i32
      %dma_start3A_570 = tpu.memref_slice %arg4[%add3A_436, %dma_start3A_560, %add3A, %dma_start3A_568, %dma_start3A_569] : memref<200x8x32x8x128xf32, #tpu.memory_space<hbm>> -> memref<1x1x1x8x128xf32, #tpu.memory_space<hbm>>
      %dma_start3A_571 = tpu.memref_squeeze %dma_start3A_570 : memref<1x1x1x8x128xf32, #tpu.memory_space<hbm>> -> memref<8x128xf32, #tpu.memory_space<hbm>>
      %dma_start3A_572 = arith.constant 112 : i32
      %dma_start3A_573 = arith.constant 0 : i32
      %dma_start3A_574 = tpu.memref_slice %arg7[%dma_start3A_572, %dma_start3A_573] : memref<128x129xf32, #tpu.memory_space<vmem>> -> memref<8x128xf32, #tpu.memory_space<vmem>>
      tpu.enqueue_dma source(%dma_start3A_574 : memref<8x128xf32, #tpu.memory_space<vmem>>) target(%dma_start3A_571 : memref<8x128xf32, #tpu.memory_space<hbm>>) target_semaphore(%arg11 : memref<!tpu.dma_semaphore, #tpu.memory_space<semaphore_mem>>)
      %dma_start3A_575 = arith.constant 7 : i32
      %dma_start3A_576 = arith.constant 120 : i32
      %dma_start3A_577 = arith.constant 0 : i32
      %dma_start3A_578 = tpu.memref_slice %arg7[%dma_start3A_576, %dma_start3A_577] : memref<128x129xf32, #tpu.memory_space<vmem>> -> memref<8x128xf32, #tpu.memory_space<vmem>>
      %dma_start3A_579 = arith.constant 0 : i32
      %dma_start3A_580 = arith.constant 0 : i32
      %dma_start3A_581 = tpu.memref_slice %arg4[%add3A_436, %dma_start3A_575, %add3A, %dma_start3A_579, %dma_start3A_580] : memref<200x8x32x8x128xf32, #tpu.memory_space<hbm>> -> memref<1x1x1x8x128xf32, #tpu.memory_space<hbm>>
      %dma_start3A_582 = tpu.memref_squeeze %dma_start3A_581 : memref<1x1x1x8x128xf32, #tpu.memory_space<hbm>> -> memref<8x128xf32, #tpu.memory_space<hbm>>
      %dma_start3A_583 = arith.constant 0 : i32
      %dma_start3A_584 = arith.constant 0 : i32
      %dma_start3A_585 = tpu.memref_slice %arg4[%add3A_436, %dma_start3A_575, %add3A, %dma_start3A_583, %dma_start3A_584] : memref<200x8x32x8x128xf32, #tpu.memory_space<hbm>> -> memref<1x1x1x8x128xf32, #tpu.memory_space<hbm>>
      %dma_start3A_586 = tpu.memref_squeeze %dma_start3A_585 : memref<1x1x1x8x128xf32, #tpu.memory_space<hbm>> -> memref<8x128xf32, #tpu.memory_space<hbm>>
      %dma_start3A_587 = arith.constant 120 : i32
      %dma_start3A_588 = arith.constant 0 : i32
      %dma_start3A_589 = tpu.memref_slice %arg7[%dma_start3A_587, %dma_start3A_588] : memref<128x129xf32, #tpu.memory_space<vmem>> -> memref<8x128xf32, #tpu.memory_space<vmem>>
      tpu.enqueue_dma source(%dma_start3A_589 : memref<8x128xf32, #tpu.memory_space<vmem>>) target(%dma_start3A_586 : memref<8x128xf32, #tpu.memory_space<hbm>>) target_semaphore(%arg11 : memref<!tpu.dma_semaphore, #tpu.memory_space<semaphore_mem>>)
    }
    %scan3A_25 = arith.constant 100 : i32
    %dma_wait3A = arith.constant 198 : i32
    %dma_wait3A_26 = arith.constant 0 : i32
    %dma_wait3A_27 = arith.constant 0 : i32
    %dma_wait3A_28 = arith.constant 0 : i32
    %dma_wait3A_29 = tpu.memref_slice %arg7[%dma_wait3A_27, %dma_wait3A_28] : memref<128x129xf32, #tpu.memory_space<vmem>> -> memref<8x128xf32, #tpu.memory_space<vmem>>
    %dma_wait3A_30 = arith.constant 0 : i32
    %dma_wait3A_31 = arith.constant 0 : i32
    %dma_wait3A_32 = tpu.memref_slice %arg4[%dma_wait3A, %dma_wait3A_26, %add3A, %dma_wait3A_30, %dma_wait3A_31] : memref<200x8x32x8x128xf32, #tpu.memory_space<hbm>> -> memref<1x1x1x8x128xf32, #tpu.memory_space<hbm>>
    %dma_wait3A_33 = tpu.memref_squeeze %dma_wait3A_32 : memref<1x1x1x8x128xf32, #tpu.memory_space<hbm>> -> memref<8x128xf32, #tpu.memory_space<hbm>>
    %dma_wait3A_34 = arith.constant 0 : i32
    %dma_wait3A_35 = arith.constant 0 : i32
    %dma_wait3A_36 = tpu.memref_slice %arg4[%dma_wait3A, %dma_wait3A_26, %add3A, %dma_wait3A_34, %dma_wait3A_35] : memref<200x8x32x8x128xf32, #tpu.memory_space<hbm>> -> memref<1x1x1x8x128xf32, #tpu.memory_space<hbm>>
    %dma_wait3A_37 = tpu.memref_squeeze %dma_wait3A_36 : memref<1x1x1x8x128xf32, #tpu.memory_space<hbm>> -> memref<8x128xf32, #tpu.memory_space<hbm>>
    %dma_wait3A_38 = arith.constant 0 : i32
    %dma_wait3A_39 = arith.constant 0 : i32
    %dma_wait3A_40 = tpu.memref_slice %arg7[%dma_wait3A_38, %dma_wait3A_39] : memref<128x129xf32, #tpu.memory_space<vmem>> -> memref<8x128xf32, #tpu.memory_space<vmem>>
    tpu.wait_dma2 semaphore(%arg10 : memref<!tpu.dma_semaphore, #tpu.memory_space<semaphore_mem>>) src(%dma_wait3A_40 : memref<8x128xf32, #tpu.memory_space<vmem>>) dst(%dma_wait3A_37 : memref<8x128xf32, #tpu.memory_space<hbm>>)
    %dma_wait3A_41 = arith.constant 198 : i32
    %dma_wait3A_42 = arith.constant 1 : i32
    %dma_wait3A_43 = arith.constant 8 : i32
    %dma_wait3A_44 = arith.constant 0 : i32
    %dma_wait3A_45 = tpu.memref_slice %arg7[%dma_wait3A_43, %dma_wait3A_44] : memref<128x129xf32, #tpu.memory_space<vmem>> -> memref<8x128xf32, #tpu.memory_space<vmem>>
    %dma_wait3A_46 = arith.constant 0 : i32
    %dma_wait3A_47 = arith.constant 0 : i32
    %dma_wait3A_48 = tpu.memref_slice %arg4[%dma_wait3A_41, %dma_wait3A_42, %add3A, %dma_wait3A_46, %dma_wait3A_47] : memref<200x8x32x8x128xf32, #tpu.memory_space<hbm>> -> memref<1x1x1x8x128xf32, #tpu.memory_space<hbm>>
    %dma_wait3A_49 = tpu.memref_squeeze %dma_wait3A_48 : memref<1x1x1x8x128xf32, #tpu.memory_space<hbm>> -> memref<8x128xf32, #tpu.memory_space<hbm>>
    %dma_wait3A_50 = arith.constant 0 : i32
    %dma_wait3A_51 = arith.constant 0 : i32
    %dma_wait3A_52 = tpu.memref_slice %arg4[%dma_wait3A_41, %dma_wait3A_42, %add3A, %dma_wait3A_50, %dma_wait3A_51] : memref<200x8x32x8x128xf32, #tpu.memory_space<hbm>> -> memref<1x1x1x8x128xf32, #tpu.memory_space<hbm>>
    %dma_wait3A_53 = tpu.memref_squeeze %dma_wait3A_52 : memref<1x1x1x8x128xf32, #tpu.memory_space<hbm>> -> memref<8x128xf32, #tpu.memory_space<hbm>>
    %dma_wait3A_54 = arith.constant 8 : i32
    %dma_wait3A_55 = arith.constant 0 : i32
    %dma_wait3A_56 = tpu.memref_slice %arg7[%dma_wait3A_54, %dma_wait3A_55] : memref<128x129xf32, #tpu.memory_space<vmem>> -> memref<8x128xf32, #tpu.memory_space<vmem>>
    tpu.wait_dma2 semaphore(%arg10 : memref<!tpu.dma_semaphore, #tpu.memory_space<semaphore_mem>>) src(%dma_wait3A_56 : memref<8x128xf32, #tpu.memory_space<vmem>>) dst(%dma_wait3A_53 : memref<8x128xf32, #tpu.memory_space<hbm>>)
    %dma_wait3A_57 = arith.constant 198 : i32
    %dma_wait3A_58 = arith.constant 2 : i32
    %dma_wait3A_59 = arith.constant 16 : i32
    %dma_wait3A_60 = arith.constant 0 : i32
    %dma_wait3A_61 = tpu.memref_slice %arg7[%dma_wait3A_59, %dma_wait3A_60] : memref<128x129xf32, #tpu.memory_space<vmem>> -> memref<8x128xf32, #tpu.memory_space<vmem>>
    %dma_wait3A_62 = arith.constant 0 : i32
    %dma_wait3A_63 = arith.constant 0 : i32
    %dma_wait3A_64 = tpu.memref_slice %arg4[%dma_wait3A_57, %dma_wait3A_58, %add3A, %dma_wait3A_62, %dma_wait3A_63] : memref<200x8x32x8x128xf32, #tpu.memory_space<hbm>> -> memref<1x1x1x8x128xf32, #tpu.memory_space<hbm>>
    %dma_wait3A_65 = tpu.memref_squeeze %dma_wait3A_64 : memref<1x1x1x8x128xf32, #tpu.memory_space<hbm>> -> memref<8x128xf32, #tpu.memory_space<hbm>>
    %dma_wait3A_66 = arith.constant 0 : i32
    %dma_wait3A_67 = arith.constant 0 : i32
    %dma_wait3A_68 = tpu.memref_slice %arg4[%dma_wait3A_57, %dma_wait3A_58, %add3A, %dma_wait3A_66, %dma_wait3A_67] : memref<200x8x32x8x128xf32, #tpu.memory_space<hbm>> -> memref<1x1x1x8x128xf32, #tpu.memory_space<hbm>>
    %dma_wait3A_69 = tpu.memref_squeeze %dma_wait3A_68 : memref<1x1x1x8x128xf32, #tpu.memory_space<hbm>> -> memref<8x128xf32, #tpu.memory_space<hbm>>
    %dma_wait3A_70 = arith.constant 16 : i32
    %dma_wait3A_71 = arith.constant 0 : i32
    %dma_wait3A_72 = tpu.memref_slice %arg7[%dma_wait3A_70, %dma_wait3A_71] : memref<128x129xf32, #tpu.memory_space<vmem>> -> memref<8x128xf32, #tpu.memory_space<vmem>>
    tpu.wait_dma2 semaphore(%arg10 : memref<!tpu.dma_semaphore, #tpu.memory_space<semaphore_mem>>) src(%dma_wait3A_72 : memref<8x128xf32, #tpu.memory_space<vmem>>) dst(%dma_wait3A_69 : memref<8x128xf32, #tpu.memory_space<hbm>>)
    %dma_wait3A_73 = arith.constant 198 : i32
    %dma_wait3A_74 = arith.constant 3 : i32
    %dma_wait3A_75 = arith.constant 24 : i32
    %dma_wait3A_76 = arith.constant 0 : i32
    %dma_wait3A_77 = tpu.memref_slice %arg7[%dma_wait3A_75, %dma_wait3A_76] : memref<128x129xf32, #tpu.memory_space<vmem>> -> memref<8x128xf32, #tpu.memory_space<vmem>>
    %dma_wait3A_78 = arith.constant 0 : i32
    %dma_wait3A_79 = arith.constant 0 : i32
    %dma_wait3A_80 = tpu.memref_slice %arg4[%dma_wait3A_73, %dma_wait3A_74, %add3A, %dma_wait3A_78, %dma_wait3A_79] : memref<200x8x32x8x128xf32, #tpu.memory_space<hbm>> -> memref<1x1x1x8x128xf32, #tpu.memory_space<hbm>>
    %dma_wait3A_81 = tpu.memref_squeeze %dma_wait3A_80 : memref<1x1x1x8x128xf32, #tpu.memory_space<hbm>> -> memref<8x128xf32, #tpu.memory_space<hbm>>
    %dma_wait3A_82 = arith.constant 0 : i32
    %dma_wait3A_83 = arith.constant 0 : i32
    %dma_wait3A_84 = tpu.memref_slice %arg4[%dma_wait3A_73, %dma_wait3A_74, %add3A, %dma_wait3A_82, %dma_wait3A_83] : memref<200x8x32x8x128xf32, #tpu.memory_space<hbm>> -> memref<1x1x1x8x128xf32, #tpu.memory_space<hbm>>
    %dma_wait3A_85 = tpu.memref_squeeze %dma_wait3A_84 : memref<1x1x1x8x128xf32, #tpu.memory_space<hbm>> -> memref<8x128xf32, #tpu.memory_space<hbm>>
    %dma_wait3A_86 = arith.constant 24 : i32
    %dma_wait3A_87 = arith.constant 0 : i32
    %dma_wait3A_88 = tpu.memref_slice %arg7[%dma_wait3A_86, %dma_wait3A_87] : memref<128x129xf32, #tpu.memory_space<vmem>> -> memref<8x128xf32, #tpu.memory_space<vmem>>
    tpu.wait_dma2 semaphore(%arg10 : memref<!tpu.dma_semaphore, #tpu.memory_space<semaphore_mem>>) src(%dma_wait3A_88 : memref<8x128xf32, #tpu.memory_space<vmem>>) dst(%dma_wait3A_85 : memref<8x128xf32, #tpu.memory_space<hbm>>)
    %dma_wait3A_89 = arith.constant 198 : i32
    %dma_wait3A_90 = arith.constant 4 : i32
    %dma_wait3A_91 = arith.constant 32 : i32
    %dma_wait3A_92 = arith.constant 0 : i32
    %dma_wait3A_93 = tpu.memref_slice %arg7[%dma_wait3A_91, %dma_wait3A_92] : memref<128x129xf32, #tpu.memory_space<vmem>> -> memref<8x128xf32, #tpu.memory_space<vmem>>
    %dma_wait3A_94 = arith.constant 0 : i32
    %dma_wait3A_95 = arith.constant 0 : i32
    %dma_wait3A_96 = tpu.memref_slice %arg4[%dma_wait3A_89, %dma_wait3A_90, %add3A, %dma_wait3A_94, %dma_wait3A_95] : memref<200x8x32x8x128xf32, #tpu.memory_space<hbm>> -> memref<1x1x1x8x128xf32, #tpu.memory_space<hbm>>
    %dma_wait3A_97 = tpu.memref_squeeze %dma_wait3A_96 : memref<1x1x1x8x128xf32, #tpu.memory_space<hbm>> -> memref<8x128xf32, #tpu.memory_space<hbm>>
    %dma_wait3A_98 = arith.constant 0 : i32
    %dma_wait3A_99 = arith.constant 0 : i32
    %dma_wait3A_100 = tpu.memref_slice %arg4[%dma_wait3A_89, %dma_wait3A_90, %add3A, %dma_wait3A_98, %dma_wait3A_99] : memref<200x8x32x8x128xf32, #tpu.memory_space<hbm>> -> memref<1x1x1x8x128xf32, #tpu.memory_space<hbm>>
    %dma_wait3A_101 = tpu.memref_squeeze %dma_wait3A_100 : memref<1x1x1x8x128xf32, #tpu.memory_space<hbm>> -> memref<8x128xf32, #tpu.memory_space<hbm>>
    %dma_wait3A_102 = arith.constant 32 : i32
    %dma_wait3A_103 = arith.constant 0 : i32
    %dma_wait3A_104 = tpu.memref_slice %arg7[%dma_wait3A_102, %dma_wait3A_103] : memref<128x129xf32, #tpu.memory_space<vmem>> -> memref<8x128xf32, #tpu.memory_space<vmem>>
    tpu.wait_dma2 semaphore(%arg10 : memref<!tpu.dma_semaphore, #tpu.memory_space<semaphore_mem>>) src(%dma_wait3A_104 : memref<8x128xf32, #tpu.memory_space<vmem>>) dst(%dma_wait3A_101 : memref<8x128xf32, #tpu.memory_space<hbm>>)
    %dma_wait3A_105 = arith.constant 198 : i32
    %dma_wait3A_106 = arith.constant 5 : i32
    %dma_wait3A_107 = arith.constant 40 : i32
    %dma_wait3A_108 = arith.constant 0 : i32
    %dma_wait3A_109 = tpu.memref_slice %arg7[%dma_wait3A_107, %dma_wait3A_108] : memref<128x129xf32, #tpu.memory_space<vmem>> -> memref<8x128xf32, #tpu.memory_space<vmem>>
    %dma_wait3A_110 = arith.constant 0 : i32
    %dma_wait3A_111 = arith.constant 0 : i32
    %dma_wait3A_112 = tpu.memref_slice %arg4[%dma_wait3A_105, %dma_wait3A_106, %add3A, %dma_wait3A_110, %dma_wait3A_111] : memref<200x8x32x8x128xf32, #tpu.memory_space<hbm>> -> memref<1x1x1x8x128xf32, #tpu.memory_space<hbm>>
    %dma_wait3A_113 = tpu.memref_squeeze %dma_wait3A_112 : memref<1x1x1x8x128xf32, #tpu.memory_space<hbm>> -> memref<8x128xf32, #tpu.memory_space<hbm>>
    %dma_wait3A_114 = arith.constant 0 : i32
    %dma_wait3A_115 = arith.constant 0 : i32
    %dma_wait3A_116 = tpu.memref_slice %arg4[%dma_wait3A_105, %dma_wait3A_106, %add3A, %dma_wait3A_114, %dma_wait3A_115] : memref<200x8x32x8x128xf32, #tpu.memory_space<hbm>> -> memref<1x1x1x8x128xf32, #tpu.memory_space<hbm>>
    %dma_wait3A_117 = tpu.memref_squeeze %dma_wait3A_116 : memref<1x1x1x8x128xf32, #tpu.memory_space<hbm>> -> memref<8x128xf32, #tpu.memory_space<hbm>>
    %dma_wait3A_118 = arith.constant 40 : i32
    %dma_wait3A_119 = arith.constant 0 : i32
    %dma_wait3A_120 = tpu.memref_slice %arg7[%dma_wait3A_118, %dma_wait3A_119] : memref<128x129xf32, #tpu.memory_space<vmem>> -> memref<8x128xf32, #tpu.memory_space<vmem>>
    tpu.wait_dma2 semaphore(%arg10 : memref<!tpu.dma_semaphore, #tpu.memory_space<semaphore_mem>>) src(%dma_wait3A_120 : memref<8x128xf32, #tpu.memory_space<vmem>>) dst(%dma_wait3A_117 : memref<8x128xf32, #tpu.memory_space<hbm>>)
    %dma_wait3A_121 = arith.constant 198 : i32
    %dma_wait3A_122 = arith.constant 6 : i32
    %dma_wait3A_123 = arith.constant 48 : i32
    %dma_wait3A_124 = arith.constant 0 : i32
    %dma_wait3A_125 = tpu.memref_slice %arg7[%dma_wait3A_123, %dma_wait3A_124] : memref<128x129xf32, #tpu.memory_space<vmem>> -> memref<8x128xf32, #tpu.memory_space<vmem>>
    %dma_wait3A_126 = arith.constant 0 : i32
    %dma_wait3A_127 = arith.constant 0 : i32
    %dma_wait3A_128 = tpu.memref_slice %arg4[%dma_wait3A_121, %dma_wait3A_122, %add3A, %dma_wait3A_126, %dma_wait3A_127] : memref<200x8x32x8x128xf32, #tpu.memory_space<hbm>> -> memref<1x1x1x8x128xf32, #tpu.memory_space<hbm>>
    %dma_wait3A_129 = tpu.memref_squeeze %dma_wait3A_128 : memref<1x1x1x8x128xf32, #tpu.memory_space<hbm>> -> memref<8x128xf32, #tpu.memory_space<hbm>>
    %dma_wait3A_130 = arith.constant 0 : i32
    %dma_wait3A_131 = arith.constant 0 : i32
    %dma_wait3A_132 = tpu.memref_slice %arg4[%dma_wait3A_121, %dma_wait3A_122, %add3A, %dma_wait3A_130, %dma_wait3A_131] : memref<200x8x32x8x128xf32, #tpu.memory_space<hbm>> -> memref<1x1x1x8x128xf32, #tpu.memory_space<hbm>>
    %dma_wait3A_133 = tpu.memref_squeeze %dma_wait3A_132 : memref<1x1x1x8x128xf32, #tpu.memory_space<hbm>> -> memref<8x128xf32, #tpu.memory_space<hbm>>
    %dma_wait3A_134 = arith.constant 48 : i32
    %dma_wait3A_135 = arith.constant 0 : i32
    %dma_wait3A_136 = tpu.memref_slice %arg7[%dma_wait3A_134, %dma_wait3A_135] : memref<128x129xf32, #tpu.memory_space<vmem>> -> memref<8x128xf32, #tpu.memory_space<vmem>>
    tpu.wait_dma2 semaphore(%arg10 : memref<!tpu.dma_semaphore, #tpu.memory_space<semaphore_mem>>) src(%dma_wait3A_136 : memref<8x128xf32, #tpu.memory_space<vmem>>) dst(%dma_wait3A_133 : memref<8x128xf32, #tpu.memory_space<hbm>>)
    %dma_wait3A_137 = arith.constant 198 : i32
    %dma_wait3A_138 = arith.constant 7 : i32
    %dma_wait3A_139 = arith.constant 56 : i32
    %dma_wait3A_140 = arith.constant 0 : i32
    %dma_wait3A_141 = tpu.memref_slice %arg7[%dma_wait3A_139, %dma_wait3A_140] : memref<128x129xf32, #tpu.memory_space<vmem>> -> memref<8x128xf32, #tpu.memory_space<vmem>>
    %dma_wait3A_142 = arith.constant 0 : i32
    %dma_wait3A_143 = arith.constant 0 : i32
    %dma_wait3A_144 = tpu.memref_slice %arg4[%dma_wait3A_137, %dma_wait3A_138, %add3A, %dma_wait3A_142, %dma_wait3A_143] : memref<200x8x32x8x128xf32, #tpu.memory_space<hbm>> -> memref<1x1x1x8x128xf32, #tpu.memory_space<hbm>>
    %dma_wait3A_145 = tpu.memref_squeeze %dma_wait3A_144 : memref<1x1x1x8x128xf32, #tpu.memory_space<hbm>> -> memref<8x128xf32, #tpu.memory_space<hbm>>
    %dma_wait3A_146 = arith.constant 0 : i32
    %dma_wait3A_147 = arith.constant 0 : i32
    %dma_wait3A_148 = tpu.memref_slice %arg4[%dma_wait3A_137, %dma_wait3A_138, %add3A, %dma_wait3A_146, %dma_wait3A_147] : memref<200x8x32x8x128xf32, #tpu.memory_space<hbm>> -> memref<1x1x1x8x128xf32, #tpu.memory_space<hbm>>
    %dma_wait3A_149 = tpu.memref_squeeze %dma_wait3A_148 : memref<1x1x1x8x128xf32, #tpu.memory_space<hbm>> -> memref<8x128xf32, #tpu.memory_space<hbm>>
    %dma_wait3A_150 = arith.constant 56 : i32
    %dma_wait3A_151 = arith.constant 0 : i32
    %dma_wait3A_152 = tpu.memref_slice %arg7[%dma_wait3A_150, %dma_wait3A_151] : memref<128x129xf32, #tpu.memory_space<vmem>> -> memref<8x128xf32, #tpu.memory_space<vmem>>
    tpu.wait_dma2 semaphore(%arg10 : memref<!tpu.dma_semaphore, #tpu.memory_space<semaphore_mem>>) src(%dma_wait3A_152 : memref<8x128xf32, #tpu.memory_space<vmem>>) dst(%dma_wait3A_149 : memref<8x128xf32, #tpu.memory_space<hbm>>)
    %dma_wait3A_153 = arith.constant 199 : i32
    %dma_wait3A_154 = arith.constant 0 : i32
    %dma_wait3A_155 = arith.constant 64 : i32
    %dma_wait3A_156 = arith.constant 0 : i32
    %dma_wait3A_157 = tpu.memref_slice %arg7[%dma_wait3A_155, %dma_wait3A_156] : memref<128x129xf32, #tpu.memory_space<vmem>> -> memref<8x128xf32, #tpu.memory_space<vmem>>
    %dma_wait3A_158 = arith.constant 0 : i32
    %dma_wait3A_159 = arith.constant 0 : i32
    %dma_wait3A_160 = tpu.memref_slice %arg4[%dma_wait3A_153, %dma_wait3A_154, %add3A, %dma_wait3A_158, %dma_wait3A_159] : memref<200x8x32x8x128xf32, #tpu.memory_space<hbm>> -> memref<1x1x1x8x128xf32, #tpu.memory_space<hbm>>
    %dma_wait3A_161 = tpu.memref_squeeze %dma_wait3A_160 : memref<1x1x1x8x128xf32, #tpu.memory_space<hbm>> -> memref<8x128xf32, #tpu.memory_space<hbm>>
    %dma_wait3A_162 = arith.constant 0 : i32
    %dma_wait3A_163 = arith.constant 0 : i32
    %dma_wait3A_164 = tpu.memref_slice %arg4[%dma_wait3A_153, %dma_wait3A_154, %add3A, %dma_wait3A_162, %dma_wait3A_163] : memref<200x8x32x8x128xf32, #tpu.memory_space<hbm>> -> memref<1x1x1x8x128xf32, #tpu.memory_space<hbm>>
    %dma_wait3A_165 = tpu.memref_squeeze %dma_wait3A_164 : memref<1x1x1x8x128xf32, #tpu.memory_space<hbm>> -> memref<8x128xf32, #tpu.memory_space<hbm>>
    %dma_wait3A_166 = arith.constant 64 : i32
    %dma_wait3A_167 = arith.constant 0 : i32
    %dma_wait3A_168 = tpu.memref_slice %arg7[%dma_wait3A_166, %dma_wait3A_167] : memref<128x129xf32, #tpu.memory_space<vmem>> -> memref<8x128xf32, #tpu.memory_space<vmem>>
    tpu.wait_dma2 semaphore(%arg11 : memref<!tpu.dma_semaphore, #tpu.memory_space<semaphore_mem>>) src(%dma_wait3A_168 : memref<8x128xf32, #tpu.memory_space<vmem>>) dst(%dma_wait3A_165 : memref<8x128xf32, #tpu.memory_space<hbm>>)
    %dma_wait3A_169 = arith.constant 199 : i32
    %dma_wait3A_170 = arith.constant 1 : i32
    %dma_wait3A_171 = arith.constant 72 : i32
    %dma_wait3A_172 = arith.constant 0 : i32
    %dma_wait3A_173 = tpu.memref_slice %arg7[%dma_wait3A_171, %dma_wait3A_172] : memref<128x129xf32, #tpu.memory_space<vmem>> -> memref<8x128xf32, #tpu.memory_space<vmem>>
    %dma_wait3A_174 = arith.constant 0 : i32
    %dma_wait3A_175 = arith.constant 0 : i32
    %dma_wait3A_176 = tpu.memref_slice %arg4[%dma_wait3A_169, %dma_wait3A_170, %add3A, %dma_wait3A_174, %dma_wait3A_175] : memref<200x8x32x8x128xf32, #tpu.memory_space<hbm>> -> memref<1x1x1x8x128xf32, #tpu.memory_space<hbm>>
    %dma_wait3A_177 = tpu.memref_squeeze %dma_wait3A_176 : memref<1x1x1x8x128xf32, #tpu.memory_space<hbm>> -> memref<8x128xf32, #tpu.memory_space<hbm>>
    %dma_wait3A_178 = arith.constant 0 : i32
    %dma_wait3A_179 = arith.constant 0 : i32
    %dma_wait3A_180 = tpu.memref_slice %arg4[%dma_wait3A_169, %dma_wait3A_170, %add3A, %dma_wait3A_178, %dma_wait3A_179] : memref<200x8x32x8x128xf32, #tpu.memory_space<hbm>> -> memref<1x1x1x8x128xf32, #tpu.memory_space<hbm>>
    %dma_wait3A_181 = tpu.memref_squeeze %dma_wait3A_180 : memref<1x1x1x8x128xf32, #tpu.memory_space<hbm>> -> memref<8x128xf32, #tpu.memory_space<hbm>>
    %dma_wait3A_182 = arith.constant 72 : i32
    %dma_wait3A_183 = arith.constant 0 : i32
    %dma_wait3A_184 = tpu.memref_slice %arg7[%dma_wait3A_182, %dma_wait3A_183] : memref<128x129xf32, #tpu.memory_space<vmem>> -> memref<8x128xf32, #tpu.memory_space<vmem>>
    tpu.wait_dma2 semaphore(%arg11 : memref<!tpu.dma_semaphore, #tpu.memory_space<semaphore_mem>>) src(%dma_wait3A_184 : memref<8x128xf32, #tpu.memory_space<vmem>>) dst(%dma_wait3A_181 : memref<8x128xf32, #tpu.memory_space<hbm>>)
    %dma_wait3A_185 = arith.constant 199 : i32
    %dma_wait3A_186 = arith.constant 2 : i32
    %dma_wait3A_187 = arith.constant 80 : i32
    %dma_wait3A_188 = arith.constant 0 : i32
    %dma_wait3A_189 = tpu.memref_slice %arg7[%dma_wait3A_187, %dma_wait3A_188] : memref<128x129xf32, #tpu.memory_space<vmem>> -> memref<8x128xf32, #tpu.memory_space<vmem>>
    %dma_wait3A_190 = arith.constant 0 : i32
    %dma_wait3A_191 = arith.constant 0 : i32
    %dma_wait3A_192 = tpu.memref_slice %arg4[%dma_wait3A_185, %dma_wait3A_186, %add3A, %dma_wait3A_190, %dma_wait3A_191] : memref<200x8x32x8x128xf32, #tpu.memory_space<hbm>> -> memref<1x1x1x8x128xf32, #tpu.memory_space<hbm>>
    %dma_wait3A_193 = tpu.memref_squeeze %dma_wait3A_192 : memref<1x1x1x8x128xf32, #tpu.memory_space<hbm>> -> memref<8x128xf32, #tpu.memory_space<hbm>>
    %dma_wait3A_194 = arith.constant 0 : i32
    %dma_wait3A_195 = arith.constant 0 : i32
    %dma_wait3A_196 = tpu.memref_slice %arg4[%dma_wait3A_185, %dma_wait3A_186, %add3A, %dma_wait3A_194, %dma_wait3A_195] : memref<200x8x32x8x128xf32, #tpu.memory_space<hbm>> -> memref<1x1x1x8x128xf32, #tpu.memory_space<hbm>>
    %dma_wait3A_197 = tpu.memref_squeeze %dma_wait3A_196 : memref<1x1x1x8x128xf32, #tpu.memory_space<hbm>> -> memref<8x128xf32, #tpu.memory_space<hbm>>
    %dma_wait3A_198 = arith.constant 80 : i32
    %dma_wait3A_199 = arith.constant 0 : i32
    %dma_wait3A_200 = tpu.memref_slice %arg7[%dma_wait3A_198, %dma_wait3A_199] : memref<128x129xf32, #tpu.memory_space<vmem>> -> memref<8x128xf32, #tpu.memory_space<vmem>>
    tpu.wait_dma2 semaphore(%arg11 : memref<!tpu.dma_semaphore, #tpu.memory_space<semaphore_mem>>) src(%dma_wait3A_200 : memref<8x128xf32, #tpu.memory_space<vmem>>) dst(%dma_wait3A_197 : memref<8x128xf32, #tpu.memory_space<hbm>>)
    %dma_wait3A_201 = arith.constant 199 : i32
    %dma_wait3A_202 = arith.constant 3 : i32
    %dma_wait3A_203 = arith.constant 88 : i32
    %dma_wait3A_204 = arith.constant 0 : i32
    %dma_wait3A_205 = tpu.memref_slice %arg7[%dma_wait3A_203, %dma_wait3A_204] : memref<128x129xf32, #tpu.memory_space<vmem>> -> memref<8x128xf32, #tpu.memory_space<vmem>>
    %dma_wait3A_206 = arith.constant 0 : i32
    %dma_wait3A_207 = arith.constant 0 : i32
    %dma_wait3A_208 = tpu.memref_slice %arg4[%dma_wait3A_201, %dma_wait3A_202, %add3A, %dma_wait3A_206, %dma_wait3A_207] : memref<200x8x32x8x128xf32, #tpu.memory_space<hbm>> -> memref<1x1x1x8x128xf32, #tpu.memory_space<hbm>>
    %dma_wait3A_209 = tpu.memref_squeeze %dma_wait3A_208 : memref<1x1x1x8x128xf32, #tpu.memory_space<hbm>> -> memref<8x128xf32, #tpu.memory_space<hbm>>
    %dma_wait3A_210 = arith.constant 0 : i32
    %dma_wait3A_211 = arith.constant 0 : i32
    %dma_wait3A_212 = tpu.memref_slice %arg4[%dma_wait3A_201, %dma_wait3A_202, %add3A, %dma_wait3A_210, %dma_wait3A_211] : memref<200x8x32x8x128xf32, #tpu.memory_space<hbm>> -> memref<1x1x1x8x128xf32, #tpu.memory_space<hbm>>
    %dma_wait3A_213 = tpu.memref_squeeze %dma_wait3A_212 : memref<1x1x1x8x128xf32, #tpu.memory_space<hbm>> -> memref<8x128xf32, #tpu.memory_space<hbm>>
    %dma_wait3A_214 = arith.constant 88 : i32
    %dma_wait3A_215 = arith.constant 0 : i32
    %dma_wait3A_216 = tpu.memref_slice %arg7[%dma_wait3A_214, %dma_wait3A_215] : memref<128x129xf32, #tpu.memory_space<vmem>> -> memref<8x128xf32, #tpu.memory_space<vmem>>
    tpu.wait_dma2 semaphore(%arg11 : memref<!tpu.dma_semaphore, #tpu.memory_space<semaphore_mem>>) src(%dma_wait3A_216 : memref<8x128xf32, #tpu.memory_space<vmem>>) dst(%dma_wait3A_213 : memref<8x128xf32, #tpu.memory_space<hbm>>)
    %dma_wait3A_217 = arith.constant 199 : i32
    %dma_wait3A_218 = arith.constant 4 : i32
    %dma_wait3A_219 = arith.constant 96 : i32
    %dma_wait3A_220 = arith.constant 0 : i32
    %dma_wait3A_221 = tpu.memref_slice %arg7[%dma_wait3A_219, %dma_wait3A_220] : memref<128x129xf32, #tpu.memory_space<vmem>> -> memref<8x128xf32, #tpu.memory_space<vmem>>
    %dma_wait3A_222 = arith.constant 0 : i32
    %dma_wait3A_223 = arith.constant 0 : i32
    %dma_wait3A_224 = tpu.memref_slice %arg4[%dma_wait3A_217, %dma_wait3A_218, %add3A, %dma_wait3A_222, %dma_wait3A_223] : memref<200x8x32x8x128xf32, #tpu.memory_space<hbm>> -> memref<1x1x1x8x128xf32, #tpu.memory_space<hbm>>
    %dma_wait3A_225 = tpu.memref_squeeze %dma_wait3A_224 : memref<1x1x1x8x128xf32, #tpu.memory_space<hbm>> -> memref<8x128xf32, #tpu.memory_space<hbm>>
    %dma_wait3A_226 = arith.constant 0 : i32
    %dma_wait3A_227 = arith.constant 0 : i32
    %dma_wait3A_228 = tpu.memref_slice %arg4[%dma_wait3A_217, %dma_wait3A_218, %add3A, %dma_wait3A_226, %dma_wait3A_227] : memref<200x8x32x8x128xf32, #tpu.memory_space<hbm>> -> memref<1x1x1x8x128xf32, #tpu.memory_space<hbm>>
    %dma_wait3A_229 = tpu.memref_squeeze %dma_wait3A_228 : memref<1x1x1x8x128xf32, #tpu.memory_space<hbm>> -> memref<8x128xf32, #tpu.memory_space<hbm>>
    %dma_wait3A_230 = arith.constant 96 : i32
    %dma_wait3A_231 = arith.constant 0 : i32
    %dma_wait3A_232 = tpu.memref_slice %arg7[%dma_wait3A_230, %dma_wait3A_231] : memref<128x129xf32, #tpu.memory_space<vmem>> -> memref<8x128xf32, #tpu.memory_space<vmem>>
    tpu.wait_dma2 semaphore(%arg11 : memref<!tpu.dma_semaphore, #tpu.memory_space<semaphore_mem>>) src(%dma_wait3A_232 : memref<8x128xf32, #tpu.memory_space<vmem>>) dst(%dma_wait3A_229 : memref<8x128xf32, #tpu.memory_space<hbm>>)
    %dma_wait3A_233 = arith.constant 199 : i32
    %dma_wait3A_234 = arith.constant 5 : i32
    %dma_wait3A_235 = arith.constant 104 : i32
    %dma_wait3A_236 = arith.constant 0 : i32
    %dma_wait3A_237 = tpu.memref_slice %arg7[%dma_wait3A_235, %dma_wait3A_236] : memref<128x129xf32, #tpu.memory_space<vmem>> -> memref<8x128xf32, #tpu.memory_space<vmem>>
    %dma_wait3A_238 = arith.constant 0 : i32
    %dma_wait3A_239 = arith.constant 0 : i32
    %dma_wait3A_240 = tpu.memref_slice %arg4[%dma_wait3A_233, %dma_wait3A_234, %add3A, %dma_wait3A_238, %dma_wait3A_239] : memref<200x8x32x8x128xf32, #tpu.memory_space<hbm>> -> memref<1x1x1x8x128xf32, #tpu.memory_space<hbm>>
    %dma_wait3A_241 = tpu.memref_squeeze %dma_wait3A_240 : memref<1x1x1x8x128xf32, #tpu.memory_space<hbm>> -> memref<8x128xf32, #tpu.memory_space<hbm>>
    %dma_wait3A_242 = arith.constant 0 : i32
    %dma_wait3A_243 = arith.constant 0 : i32
    %dma_wait3A_244 = tpu.memref_slice %arg4[%dma_wait3A_233, %dma_wait3A_234, %add3A, %dma_wait3A_242, %dma_wait3A_243] : memref<200x8x32x8x128xf32, #tpu.memory_space<hbm>> -> memref<1x1x1x8x128xf32, #tpu.memory_space<hbm>>
    %dma_wait3A_245 = tpu.memref_squeeze %dma_wait3A_244 : memref<1x1x1x8x128xf32, #tpu.memory_space<hbm>> -> memref<8x128xf32, #tpu.memory_space<hbm>>
    %dma_wait3A_246 = arith.constant 104 : i32
    %dma_wait3A_247 = arith.constant 0 : i32
    %dma_wait3A_248 = tpu.memref_slice %arg7[%dma_wait3A_246, %dma_wait3A_247] : memref<128x129xf32, #tpu.memory_space<vmem>> -> memref<8x128xf32, #tpu.memory_space<vmem>>
    tpu.wait_dma2 semaphore(%arg11 : memref<!tpu.dma_semaphore, #tpu.memory_space<semaphore_mem>>) src(%dma_wait3A_248 : memref<8x128xf32, #tpu.memory_space<vmem>>) dst(%dma_wait3A_245 : memref<8x128xf32, #tpu.memory_space<hbm>>)
    %dma_wait3A_249 = arith.constant 199 : i32
    %dma_wait3A_250 = arith.constant 6 : i32
    %dma_wait3A_251 = arith.constant 112 : i32
    %dma_wait3A_252 = arith.constant 0 : i32
    %dma_wait3A_253 = tpu.memref_slice %arg7[%dma_wait3A_251, %dma_wait3A_252] : memref<128x129xf32, #tpu.memory_space<vmem>> -> memref<8x128xf32, #tpu.memory_space<vmem>>
    %dma_wait3A_254 = arith.constant 0 : i32
    %dma_wait3A_255 = arith.constant 0 : i32
    %dma_wait3A_256 = tpu.memref_slice %arg4[%dma_wait3A_249, %dma_wait3A_250, %add3A, %dma_wait3A_254, %dma_wait3A_255] : memref<200x8x32x8x128xf32, #tpu.memory_space<hbm>> -> memref<1x1x1x8x128xf32, #tpu.memory_space<hbm>>
    %dma_wait3A_257 = tpu.memref_squeeze %dma_wait3A_256 : memref<1x1x1x8x128xf32, #tpu.memory_space<hbm>> -> memref<8x128xf32, #tpu.memory_space<hbm>>
    %dma_wait3A_258 = arith.constant 0 : i32
    %dma_wait3A_259 = arith.constant 0 : i32
    %dma_wait3A_260 = tpu.memref_slice %arg4[%dma_wait3A_249, %dma_wait3A_250, %add3A, %dma_wait3A_258, %dma_wait3A_259] : memref<200x8x32x8x128xf32, #tpu.memory_space<hbm>> -> memref<1x1x1x8x128xf32, #tpu.memory_space<hbm>>
    %dma_wait3A_261 = tpu.memref_squeeze %dma_wait3A_260 : memref<1x1x1x8x128xf32, #tpu.memory_space<hbm>> -> memref<8x128xf32, #tpu.memory_space<hbm>>
    %dma_wait3A_262 = arith.constant 112 : i32
    %dma_wait3A_263 = arith.constant 0 : i32
    %dma_wait3A_264 = tpu.memref_slice %arg7[%dma_wait3A_262, %dma_wait3A_263] : memref<128x129xf32, #tpu.memory_space<vmem>> -> memref<8x128xf32, #tpu.memory_space<vmem>>
    tpu.wait_dma2 semaphore(%arg11 : memref<!tpu.dma_semaphore, #tpu.memory_space<semaphore_mem>>) src(%dma_wait3A_264 : memref<8x128xf32, #tpu.memory_space<vmem>>) dst(%dma_wait3A_261 : memref<8x128xf32, #tpu.memory_space<hbm>>)
    %dma_wait3A_265 = arith.constant 199 : i32
    %dma_wait3A_266 = arith.constant 7 : i32
    %dma_wait3A_267 = arith.constant 120 : i32
    %dma_wait3A_268 = arith.constant 0 : i32
    %dma_wait3A_269 = tpu.memref_slice %arg7[%dma_wait3A_267, %dma_wait3A_268] : memref<128x129xf32, #tpu.memory_space<vmem>> -> memref<8x128xf32, #tpu.memory_space<vmem>>
    %dma_wait3A_270 = arith.constant 0 : i32
    %dma_wait3A_271 = arith.constant 0 : i32
    %dma_wait3A_272 = tpu.memref_slice %arg4[%dma_wait3A_265, %dma_wait3A_266, %add3A, %dma_wait3A_270, %dma_wait3A_271] : memref<200x8x32x8x128xf32, #tpu.memory_space<hbm>> -> memref<1x1x1x8x128xf32, #tpu.memory_space<hbm>>
    %dma_wait3A_273 = tpu.memref_squeeze %dma_wait3A_272 : memref<1x1x1x8x128xf32, #tpu.memory_space<hbm>> -> memref<8x128xf32, #tpu.memory_space<hbm>>
    %dma_wait3A_274 = arith.constant 0 : i32
    %dma_wait3A_275 = arith.constant 0 : i32
    %dma_wait3A_276 = tpu.memref_slice %arg4[%dma_wait3A_265, %dma_wait3A_266, %add3A, %dma_wait3A_274, %dma_wait3A_275] : memref<200x8x32x8x128xf32, #tpu.memory_space<hbm>> -> memref<1x1x1x8x128xf32, #tpu.memory_space<hbm>>
    %dma_wait3A_277 = tpu.memref_squeeze %dma_wait3A_276 : memref<1x1x1x8x128xf32, #tpu.memory_space<hbm>> -> memref<8x128xf32, #tpu.memory_space<hbm>>
    %dma_wait3A_278 = arith.constant 120 : i32
    %dma_wait3A_279 = arith.constant 0 : i32
    %dma_wait3A_280 = tpu.memref_slice %arg7[%dma_wait3A_278, %dma_wait3A_279] : memref<128x129xf32, #tpu.memory_space<vmem>> -> memref<8x128xf32, #tpu.memory_space<vmem>>
    tpu.wait_dma2 semaphore(%arg11 : memref<!tpu.dma_semaphore, #tpu.memory_space<semaphore_mem>>) src(%dma_wait3A_280 : memref<8x128xf32, #tpu.memory_space<vmem>>) dst(%dma_wait3A_277 : memref<8x128xf32, #tpu.memory_space<hbm>>)
    return
  }
}

</mosaic_0001>

<sc_bundles>
// kernel: kernel.3.cloned.1.call-start
scs
__scs_entry_jumppad:
0x0: {  	(pc) =	sbr.rel $0x88, $3  }
0x1: {  	(tag) =	ssettag $0x0;
	lr =	simm.s32 $0x1  }
0x2: {  	[smem:$0x3F9F] =	sst lr;
	_ =	strace $0xD0000000  }
0x3: {  	_ = 	snop  }
0x4: {  	_ = 	snop  }
0x5: {  	_ = 	snop  }
0x6: {  	_ = 	snop  }
0x7: {  	_ = 	snop  }
__scs_overlays_trampoline_lowered:
0x8: {  	[smem:$0x3FAE] =	sst s0  }
0x9: {  	[smem:$0x3FAF] =	sst s1  }
0xa: {  	[smem:$0x3FB0] =	sst s2  }
0xb: {  	[smem:$0x3FB1] =	sst s3  }
0xc: {  	[smem:$0x3FB2] =	sst s4  }
0xd: {  	[smem:$0x3FB3] =	sst s5  }
0xe: {  	[smem:$0x3FB4] =	sst s6  }
0xf: {  	[smem:$0x3FB5] =	sst s7  }
0x10: {  	[smem:$0x3FB6] =	sst s8  }
0x11: {  	[smem:$0x3FB7] =	sst s9;
	s0 =	simm.s32 @!p0 $0x0  }
0x12: {  	s1 =	sld [smem:$0x3F9D];
	s0 =	simm.s32 @p0 $0x1  }
0x13: {  	[smem:$0x3FB8] =	sst s0;
	s0 =	simm.s32 @!p1 $0x0  }
0x14: {  	s2 =	sld [smem:$0x3F9C];
	s0 =	simm.s32 @p1 $0x1  }
0x15: {  	[smem:$0x3FB9] =	sst s0;
	s0 =	simm.s32 @!p2 $0x0  }
0x16: {  	s3 =	sld [smem:$0x3FDB];
	s0 =	simm.s32 @p2 $0x1  }
0x17: {  	s4 =	simm.s32 $0x1BF5;
	[smem:$0x3FBB] =	sst s0  }
0x18: {  	s0 =	sld [smem:$0x3F9E];
	_ =	swait.ge [sflag:s4], $0x0  }
0x19: {  	s7 =	sld [smem:$0x3F9F]  }
0x1a: {  	s8 =	sadd.s32 $0xFFFFE003, lr  }
0x1b: {  	s9 =	sadd.s32 $0xFFFFFEF7, lr;
	s5 =	simm.s32 $0xFFFFFFFF;
	p2 =	slt.u32 s8, $0xFFFFF086  }
0x1c: {  	p1 =	slt.u32 s9, $0xF7A;
	s5 =	simm.s32 @!p2 $0x0  }
0x1d: {  	s5 =	simm.s32 @p1 $0x1;
	p0 =	seq.s32 s7, s2  }
0x1e: {  	s7 =	smul.u32 @!p0 $0xF7A, s2;
	p2 =	seq.s32 @!p0 s5, $0x0  }
0x1f: {  	s9 =	smul.u32 $0xF7A, s1;
	s8 =	simm.s32 @!p0 $0x1BF5;
	p2 =	por !p2, p0  }
0x20: {  	[sflag:s8] =	ssyncset.s32 @!p0 $0xFFFFF086;
	s6 =	sadd.s32 @!p0 s3, s7;
	s7 =	simm.s32 @!p0 $0x108  }
0x21: {  	s3 =	sadd.s32 s3, s9;
	s6 =	sadd.s32 @!p0 $0x88, s6;
	s7 =	simm.s32 @p2 $0x1082  }
0x22: {  	[simem:s7], [sflag:s8] =	dma.local @!p0 [hbm:s6], $0xF7A  }
0x23: {  	s9 =	sor.u32 $0xD0000000, s2;
	s6 =	simm.s32 $0x108;
	_ =	swait.ge @!p0 [sflag:s8], $0x0  }
0x24: {  	s3 =	sadd.s32 $0x88, s3;
	s6 =	simm.s32 @!p1 $0x1082;
	[sflag:s4] =	ssyncset.s32 $0xFFFFF086  }
0x25: {  	[simem:s6], [sflag:s4] =	dma.local [hbm:s3], $0xF7A  }
0x26: {  	[smem:$0x3F9F] =	sst s1;
	(tag) =	ssettag s2;
	_ =	strace s9  }
0x27: {  	s1 =	sld [smem:$0x3FAF]  }
0x28: {  	s2 =	sld [smem:$0x3FB0]  }
0x29: {  	s4 =	sld [smem:$0x3FB2]  }
0x2a: {  	p0 =	seq.s32 s5, $0x0;
	s5 =	sld [smem:$0x3FB3]  }
0x2b: {  	s6 =	sld [smem:$0x3FB4]  }
0x2c: {  	s7 =	sld [smem:$0x3FB5]  }
0x2d: {  	s3 =	simm.s32 $0x108;
	s8 =	sld [smem:$0x3FB6]  }
0x2e: {  	s3 =	simm.s32 @!p0 $0x1082;
	s9 =	sld [smem:$0x3FB7]  }
0x2f: {  	lr =	sadd.s32 s0, s3;
	s0 =	sld [smem:$0x3FAE]  }
0x30: {  	s3 =	sld [smem:$0x3FB1]  }
0x31: {  	[smem:$0x3FBA] =	sst s10  }
0x32: {  	s10 =	sld [smem:$0x3FB8];
	_ =	sdelay $0x3  }
0x33: {  	p0 =	seq.s32 s10, $0x1;
	s10 =	sld [smem:$0x3FBA];
	_ =	sdelay $0x3  }
0x34: {  	[smem:$0x3FBA] =	sst s10  }
0x35: {  	s10 =	sld [smem:$0x3FB9];
	_ =	sdelay $0x3  }
0x36: {  	p1 =	seq.s32 s10, $0x1;
	s10 =	sld [smem:$0x3FBA];
	_ =	sdelay $0x3  }
0x37: {  	[smem:$0x3FBA] =	sst s10  }
0x38: {  	s10 =	sld [smem:$0x3FBB]  }
0x39: {  	_ = 	snop;
	(pc) =	sbr.ind lr, $3  }
0x3a: {  	_ = 	snop  }
0x3b: {  	_ = 	snop  }
0x3c: {  	p2 =	seq.s32 s10, $0x1;
	s10 =	sld [smem:$0x3FBA]  }
0x3d: {  	_ =	shalt  }
0x3e: {  	_ =	shalt  }
0x3f: {  	_ =	shalt  }
0x40: {  	_ =	shalt  }
0x41: {  	_ =	shalt  }
0x42: {  	_ =	shalt  }
0x43: {  	_ =	shalt  }
0x44: {  	_ =	shalt  }
0x45: {  	_ =	shalt  }
0x46: {  	_ =	shalt  }
0x47: {  	_ =	shalt  }
0x48: {  	_ =	shalt  }
0x49: {  	_ =	shalt  }
0x4a: {  	_ =	shalt  }
0x4b: {  	_ =	shalt  }
0x4c: {  	_ =	shalt  }
0x4d: {  	_ =	shalt  }
0x4e: {  	_ =	shalt  }
0x4f: {  	_ =	shalt  }
0x50: {  	_ =	shalt  }
0x51: {  	_ =	shalt  }
0x52: {  	_ =	shalt  }
0x53: {  	_ =	shalt  }
0x54: {  	_ =	shalt  }
0x55: {  	_ =	shalt  }
0x56: {  	_ =	shalt  }
0x57: {  	_ =	shalt  }
0x58: {  	_ =	shalt  }
0x59: {  	_ =	shalt  }
0x5a: {  	_ =	shalt  }
0x5b: {  	_ =	shalt  }
0x5c: {  	_ =	shalt  }
0x5d: {  	_ =	shalt  }
0x5e: {  	_ =	shalt  }
0x5f: {  	_ =	shalt  }
0x60: {  	_ =	shalt  }
0x61: {  	_ =	shalt  }
0x62: {  	_ =	shalt  }
0x63: {  	_ =	shalt  }
0x64: {  	_ =	shalt  }
0x65: {  	_ =	shalt  }
0x66: {  	_ =	shalt  }
0x67: {  	_ =	shalt  }
0x68: {  	_ =	shalt  }
0x69: {  	_ =	shalt  }
0x6a: {  	_ =	shalt  }
0x6b: {  	_ =	shalt  }
0x6c: {  	_ =	shalt  }
0x6d: {  	_ =	shalt  }
0x6e: {  	_ =	shalt  }
0x6f: {  	_ =	shalt  }
0x70: {  	_ =	shalt  }
0x71: {  	_ =	shalt  }
0x72: {  	_ =	shalt  }
0x73: {  	_ =	shalt  }
0x74: {  	_ =	shalt  }
0x75: {  	_ =	shalt  }
0x76: {  	_ =	shalt  }
0x77: {  	_ =	shalt  }
0x78: {  	_ =	shalt  }
0x79: {  	_ =	shalt  }
0x7a: {  	_ =	shalt  }
0x7b: {  	_ =	shalt  }
0x7c: {  	_ =	shalt  }
0x7d: {  	_ =	shalt  }
0x7e: {  	_ =	shalt  }
0x7f: {  	_ =	shalt  }
0x80: {  	_ =	shalt  }
0x81: {  	_ =	shalt  }
0x82: {  	_ =	shalt  }
0x83: {  	_ =	shalt  }
0x84: {  	_ =	shalt  }
0x85: {  	_ =	shalt  }
0x86: {  	_ =	shalt  }
0x87: {  	_ =	shalt  }
.Lfunc_end0:
.L_simem_size_0:
called_computation_lowered:
.L_overlay_start_0:
0x88: {  	s2 =	sld [smem:$0x3FD9]  }
0x89: {  	s3 =	sld [smem:$0x3FFE];
	_ =	sdelay $0x1  }
0x8a: {  	s1 =	srdreg.scid  }
0x8b: {  	s0 =	sand.u32 $0x1, s1  }
0x8c: {  	s17 =	sshll.u32 s0, $0xA;
	s2 =	sadd.s32 s3, s2  }
0x8d: {  	s2 =	sadd.s32 s2, s17  }
0x8e: {  	[smem:$0x3FC6] =	sst s2  }
0x8f: {  	_ = 	snop  }
0x90: {  	s2 =	sld [smem:$0x3FD0];
	(tm) =	ssettm $0x1  }
0x91: {  	s18 =	sld [smem:$0x3FFB];
	_ =	sdelay $0x3  }
0x92: {  	_ =	strace s18  }
0x93: {  	s3 =	sld [smem:$0x3FFC];
	_ =	sdelay $0x3  }
0x94: {  	_ =	strace s3  }
0x95: {  	s3 =	sld [smem:$0x3FFD];
	_ =	sdelay $0x3  }
0x96: {  	_ =	strace s3  }
0x97: {  	_ =	strace $0x8FFFFFFF  }
0x98: {  	s19 =	sld [smem:$0x3FDB];
	_ =	sdelay $0x1  }
0x99: {  	s4 =	simm.s32 $_scs_section_size  }
0x9a: {  	s5 =	simm.s32 $_size__tile_overlayer_lowered;
	s6 =	simm.s32 $_tile_overlayer_lowered  }
0x9b: {  	s22 =	simm.s32 $0x1BFF;
	s21 =	sshll.u32 s6, $0x1;
	s3 =	sadd.s32 s4, s19  }
0x9c: {  	s7 =	simm.s32 $0x0;
	s20 =	sshll.u32 s5, $0x1;
	s5 =	sadd.s32 s21, s3  }
0x9d: {  	[timem:s7], [sflag:s22] =	dma.local [hbm:s5], s20  }
0x9e: {  	_ =	swait.ge [sflag:s22], s20  }
0x9f: {  	s4 =	ssub.s32 $0x0, s20;
	[sflag:s22] =	ssyncset.done $0x0  }
0xa0: {  	[sflag:s22] =	ssyncadd.s32 s4;
	_ =	sdelay $0x1  }
0xa1: {  	s23 =	simm.s32 $0x1B8B  }
0xa2: {  	_ =	swait.ge [sflag:s23], $0x1  }
0xa3: {  	[sflag:s23] =	ssyncset.done $0x0  }
0xa4: {  	s25 =	simm.s32 $0x1B8E;
	s24 =	sld [smem:$0x3FFE];
	[sflag:s23] =	ssyncadd.s32 $0xFFFFFFFF  }
0xa5: {  	s26 =	simm.s32 $execute0_lowered;
	[smem:$0x3FD2] =	sst s25  }
0xa6: {  	s5 =	sshll.u32 s26, $0x1;
	_ =	strace $0x80000046;
	[dreg:$0x1] =	wrdreg $0xFFFFFFFF  }
0xa7: {  	s28 =	simm.s32 $_size_execute0_lowered;
	s3 =	sadd.s32 s3, s5;
	[dreg:$0x0] =	wrdreg $0x0  }
0xa8: {  	s5 =	sshll.u32 s28, $0x1;
	[dreg:$0x2] =	wrdreg s3  }
0xa9: {  	[dreg:$0x3] =	wrdreg s5  }
0xaa: {  	[dreg:$0x4] =	wrdreg $0xC0  }
0xab: {  	_ =	task [dreg:s7], $0x5FFFF  }
0xac: {  	[dreg:$0x1] =	wrdreg $0xFFFFFFFF  }
0xad: {  	[dreg:$0x0] =	wrdreg $0x60  }
0xae: {  	[dreg:$0x2] =	wrdreg s24  }
0xaf: {  	[dreg:$0x3] =	wrdreg s2  }
0xb0: {  	[dreg:$0x4] =	wrdreg $0x9  }
0xb1: {  	_ =	task.clear_ibuf [dreg:s7], $0x5FFFF;
	_ =	strace $0x90000046  }
0xb2: {  	s29 =	simm.s32 $0x9;
	_ =	strace $0x80000048  }
0xb3: {  	_ =	swait.ge [sflag:s29], $0x1  }
0xb4: {  	[sflag:s29] =	ssyncadd.s32 $0xFFFFFFFF  }
0xb5: {  	_ =	strace $0x90000048  }
0xb6: {  	_ =	sfence  }
0xb7: {  	s30 =	sld [smem:$0x0];
	_ =	sdelay $0x2  }
0xb8: {  	s31 =	sshll.u32 s1, $0xD;
	s1 =	sshrl.u32 s1, $0x2  }
0xb9: {  	s3 =	sand.u32 $0x4000, s31;
	s1 =	sadd.s32 s1, s30  }
0xba: {  	s0 =	sor.u32 s3, s0;
	s1 =	sshll.u32 s1, $0x11  }
0xbb: {  	s0 =	sor.u32 s1, s0  }
0xbc: {  	s0 =	sadd.s32 $0x8F2B, s0  }
0xbd: {  	[sflag:s0] =	ssyncadd.remote.s32 $0x1  }
0xbe: {  	_ =	sfence.sel $0xFFFF  }
0xbf: {  	[dreg:$0x0] =	wrdreg $0xFFFFFFFF;
	(pc) =	sbr.abs _section_cstart, $3  }
0xc0: {  	[dreg:$0x1] =	wrdreg $0xFFFFFFFF  }
0xc1: {  	_ =	task.clear_ibuf [dreg:s7], $0x2FFFF;
	_ =	strace $0x9FFFFFFF  }
0xc2: {  	(tm) =	ssettm $0x7FFFFFFF  }
0xc3: {  	_ =	shalt  }
tec
execute0_lowered:
.L_overlay_start_1:
0x0: {  	(tag) =	ssettag $0x1  }
0x1: {  	v0 =	vlaneseq.u32  }
0x2: {  	s0 =	rddreg [dreg:$0x0];
	s3 =	simm.s32 $0x0;
	v4 =	vmul.u32 $0x88, v0  }
0x3: {  	vm0 =	vcmask $0x300;
	[smem:$0x7FF] =	sst s3;
	v0 =	vimm.s32 $0x0  }
0x4: {  	s7 =	rddreg [dreg:$0x1];
	_ =	strace $0x80000047;
	v1 =	vsel vm0, $0x3, v0;
	v0 =	vadd.s32 $0x880, v4;
	[tilespmem:$0x1FFF0] =	vst v4  }
0x5: {  	[tilespmem:$0x1FDD0] =	vst v0;
	v0 =	vadd.s32 $0x1100, v4  }
0x6: {  	[tilespmem:$0x1FDE0] =	vst v0;
	v0 =	vadd.s32 $0x1980, v4  }
0x7: {  	[tilespmem:$0x1FDF0] =	vst v0;
	v0 =	vor.u32 $0x1, v4  }
0x8: {  	[tilespmem:$0x1FE00] =	vst v0;
	v0 =	vadd.s32 $0x881, v4  }
0x9: {  	[tilespmem:$0x1FE10] =	vst v0;
	v0 =	vadd.s32 $0x1101, v4  }
0xa: {  	[tilespmem:$0x1FE20] =	vst v0;
	v0 =	vadd.s32 $0x1981, v4  }
0xb: {  	[tilespmem:$0x1FE30] =	vst v0;
	v0 =	vor.u32 $0x2, v4  }
0xc: {  	[tilespmem:$0x1FE40] =	vst v0;
	v0 =	vadd.s32 $0x882, v4  }
0xd: {  	[tilespmem:$0x1FE50] =	vst v0;
	v0 =	vadd.s32 $0x1102, v4  }
0xe: {  	[tilespmem:$0x1FE60] =	vst v0;
	v0 =	vadd.s32 $0x1982, v4  }
0xf: {  	[tilespmem:$0x1FE70] =	vst v0;
	v0 =	vor.u32 $0x3, v4  }
0x10: {  	[tilespmem:$0x1FE80] =	vst v0;
	v0 =	vadd.s32 $0x883, v4  }
0x11: {  	[tilespmem:$0x1FE90] =	vst v0;
	v0 =	vadd.s32 $0x1103, v4  }
0x12: {  	[tilespmem:$0x1FEA0] =	vst v0;
	v0 =	vadd.s32 $0x1983, v4  }
0x13: {  	[tilespmem:$0x1FEB0] =	vst v0;
	v0 =	vor.u32 $0x4, v4  }
0x14: {  	[tilespmem:$0x1FEC0] =	vst v0;
	v0 =	vadd.s32 $0x884, v4  }
0x15: {  	[tilespmem:$0x1FED0] =	vst v0;
	v0 =	vadd.s32 $0x1104, v4  }
0x16: {  	[tilespmem:$0x1FEE0] =	vst v0;
	v0 =	vadd.s32 $0x1984, v4  }
0x17: {  	s1 =	srdreg.scid;
	s2 =	stileid.u32;
	[tilespmem:$0x1FEF0] =	vst v0;
	v0 =	vor.u32 $0x5, v4  }
0x18: {  	s29 =	simm.s32 $0x80;
	s4 =	sadd.s32 $0xF42A00, s0;
	s5 =	sadd.s32 $0xF5BA00, s0;
	[tilespmem:$0x1FF00] =	vst v0;
	v0 =	vadd.s32 $0x885, v4  }
0x19: {  	s8 =	simm.s32 $0x8100;
	s30 =	sadd.s32 $0x1000, s7;
	s12 =	sadd.s32 $0x2000, s7;
	v36 =	vadd.s32 $0x3B80, v4;
	[tilespmem:$0x1FF10] =	vst v0;
	v0 =	vadd.s32 $0x1105, v4  }
0x1a: {  	s31 =	simm.s32 $0x6;
	s13 =	sadd.s32 $0x3000, s7;
	s14 =	sadd.s32 $0x4000, s7;
	v37 =	vadd.s32 $0x2201, v4;
	v38 =	vadd.s32 $0x2A81, v4;
	[tilespmem:$0x1FF20] =	vst v0;
	v0 =	vadd.s32 $0x1985, v4  }
0x1b: {  	s15 =	sadd.s32 $0x5000, s7;
	s16 =	sadd.s32 $0x6000, s7;
	s17 =	sadd.s32 $0x7000, s7;
	v39 =	vadd.s32 $0x3301, v4;
	v40 =	vadd.s32 $0x3B81, v4;
	[tilespmem:$0x1FF30] =	vst v0;
	v0 =	vor.u32 $0x6, v4  }
0x1c: {  	s1 =	sand.u32 $0x1, s1;
	s18 =	sadd.s32 $0x8000, s7;
	s19 =	sadd.s32 $0x9000, s7;
	v41 =	vadd.s32 $0x2202, v4;
	v42 =	vadd.s32 $0x2A82, v4;
	[tilespmem:$0x1FF40] =	vst v0;
	v0 =	vadd.s32 $0x886, v4  }
0x1d: {  	s2 =	sshll.u32 s2, $0x1;
	s20 =	sadd.s32 $0xA000, s7;
	s21 =	sadd.s32 $0xB000, s7;
	v43 =	vadd.s32 $0x3302, v4;
	v44 =	vadd.s32 $0x3B82, v4;
	[tilespmem:$0x1FF50] =	vst v0;
	v0 =	vadd.s32 $0x1106, v4  }
0x1e: {  	s22 =	sadd.s32 $0xC000, s7;
	s23 =	sadd.s32 $0xD000, s7;
	s2 =	sor.u32 s1, s2;
	v45 =	vadd.s32 $0x2203, v4;
	v46 =	vadd.s32 $0x2A83, v4;
	[tilespmem:$0x1FF60] =	vst v0;
	v0 =	vadd.s32 $0x1986, v4  }
0x1f: {  	s24 =	ssub.s32 $0x2, s1;
	[dreg:$0x7] =	wrdreg s30;
	s25 =	sshll.u32 s2, $0x4;
	v47 =	vadd.s32 $0x3303, v4;
	v48 =	vadd.s32 $0x3B83, v4;
	[tilespmem:$0x1FF70] =	vst v0;
	v0 =	vor.u32 $0x7, v4  }
0x20: {  	s6 =	sshrl.u32 s24, $0x1;
	s2 =	sshll.u32 s2, $0x7;
	v49 =	vadd.s32 $0x2204, v4;
	v50 =	vadd.s32 $0x2A84, v4;
	s1 =	sadd.s32 s4, s25;
	[tilespmem:$0x1FF80] =	vst v0;
	v0 =	vadd.s32 $0x887, v4  }
0x21: {  	v51 =	vadd.s32 $0x3304, v4;
	v52 =	vadd.s32 $0x3B84, v4;
	s0 =	ssub.s32 s24, s6;
	s26 =	sor.u32 $0x2000, s2;
	s11 =	smov.u32 s2;
	[tilespmem:$0x1FF90] =	vst v0;
	v0 =	vadd.s32 $0x1107, v4  }
0x22: {  	v53 =	vadd.s32 $0x2205, v4;
	v54 =	vadd.s32 $0x2A85, v4;
	s28 =	sor.u32 $0x3000, s2;
	s24 =	sadd.s32 $0xE000, s7;
	[dreg:$0x3] =	wrdreg s1;
	[tilespmem:$0x1FFA0] =	vst v0;
	v0 =	vadd.s32 $0x1987, v4  }
0x23: {  	v55 =	vadd.s32 $0x3305, v4;
	v56 =	vadd.s32 $0x3B85, v4;
	s25 =	simm.s32 $0x2;
	s6 =	simm.s32 $0x0;
	[dreg:$0x5] =	wrdreg s26;
	[tilespmem:$0x1FFB0] =	vst v0;
	v0 =	vadd.s32 $0x2200, v4  }
0x24: {  	v57 =	vadd.s32 $0x2206, v4;
	v58 =	vadd.s32 $0x2A86, v4;
	s1 =	sadd.s32 $0x200, s1;
	[dreg:$0x6] =	wrdreg s28;
	s0 =	smax.u32 s0, $0x1;
	[tilespmem:$0x1FFC0] =	vst v0;
	v0 =	vadd.s32 $0x2A80, v4  }
0x25: {  	v59 =	vadd.s32 $0x3306, v4;
	v60 =	vadd.s32 $0x3B86, v4;
	s26 =	sadd.s32 $0xF000, s7;
	s7 =	simm.s32 $0x4;
	[dreg:$0x4] =	wrdreg s1;
	[tilespmem:$0x1FFD0] =	vst v0;
	v0 =	vadd.s32 $0x3300, v4  }
0x26: {  	v61 =	vadd.s32 $0x2207, v4;
	v62 =	vadd.s32 $0x2A87, v4;
	v63 =	vadd.s32 $0x3307, v4;
	[dreg:$0x8] =	wrdreg s0;
	s1 =	simm.s32 $0x1;
	s0 =	simm.s32 $0x3;
	[tilespmem:$0x1FFE0] =	vst v0  }
.LBB2_1:
0x27: {  	[dreg:$0x9] =	wrdreg s6  }
0x28: {  	s2 =	rddreg [dreg:$0x3];
	s9 =	simm.s32 $0x7  }
0x29: {  	[tilespmem:s3], [sflag:$0x7] =	stream.linear.gather [hbm4b:s2+s3], $0x80, $0x38;
	[tilespmem:$0xC500] =	vst v63  }
0x2a: {  	_ =	swait.ge [sflag:s9], $0x80  }
0x2b: {  	[sflag:s9] =	ssyncset.done $0x0  }
0x2c: {  	s10 =	simm.s32 $0x100;
	[sflag:s9] =	ssyncadd.s32 $0xFFFFFF80  }
0x2d: {  	[tilespmem:s10], [sflag:$0x1] =	stream.indirect.gather [hbm4b:s5+s29], $0x80, s3, s29, $0xb8;
	[tilespmem:$0xC500] =	vst v63  }
0x2e: {  	s30 =	simm.s32 $0x0;
	s28 =	rddreg [dreg:$0x4]  }
0x2f: {  	[tilespmem:s29], [sflag:$0x6] =	stream.linear.gather [hbm4b:s28+s3], $0x80, $0x38;
	[tilespmem:$0xC500] =	vst v63  }
.LBB2_2:
0x30: {  	_ =	swait.ge [sflag:s31], $0x80  }
0x31: {  	p0 =	seq.s32 s30, $0x63;
	[sflag:s31] =	ssyncset.done $0x0  }
0x32: {  	s2 =	simm.s32 $0x4100;
	p1 =	seq.s32 @!p0 s30, $0x0;
	[sflag:s31] =	ssyncadd.s32 $0xFFFFFF80  }
0x33: {  	[tilespmem:s2], [sflag:$0x2] =	stream.indirect.gather [hbm4b:s5+s29], $0x80, s29, s29, $0xb8;
	[tilespmem:$0xC500] =	vst v63  }
0x34: {  	p1 =	por p0, !p1;
	_ =	swait.ge [sflag:s1], $0x4000  }
.Ltmp0:
0x35: {  	s2 =	sshll.u32 @!p0 s30, $0xD;
	s6 =	rddreg [dreg:$0x5];
	(pc) =	sbr.rel @!p1 .LBB2_3-.Ltmp0, $4  }
0x36: {  	s2 =	sadd.s32 @!p0 s6, s2  }
0x37: {  	[sflag:s1] =	ssyncset.done $0x0;
	s2 =	sshrl.u32 @!p0 s2, $0x3  }
0x38: {  	[sflag:s1] =	ssyncadd.s32 $0xFFFFC000;
	s6 =	simm.s32 @!p0 $0x0;
	s2 =	sadd.s32 @!p0 s4, s2  }
0x39: {  	[tilespmem:s6], [sflag:$0x5] =	stream.linear.gather @!p0 [hbm4b:s2+s6], $0x80, $0x38;
	[tilespmem:$0xC500] =	vst v63  }
0x3a: {  	_ =	swait.ge [sflag:s0], $0x400  }
0x3b: {  	[sflag:s0] =	ssyncset.done $0x0  }
0x3c: {  	[sflag:s0] =	ssyncadd.s32 $0xFFFFFC00  }
0x3d: {  	_ =	swait.ge [sflag:s0], $0x400  }
0x3e: {  	[sflag:s0] =	ssyncset.done $0x0  }
0x3f: {  	[sflag:s0] =	ssyncadd.s32 $0xFFFFFC00  }
0x40: {  	_ =	swait.ge [sflag:s0], $0x400  }
0x41: {  	[sflag:s0] =	ssyncset.done $0x0  }
0x42: {  	[sflag:s0] =	ssyncadd.s32 $0xFFFFFC00  }
0x43: {  	_ =	swait.ge [sflag:s0], $0x400  }
0x44: {  	[sflag:s0] =	ssyncset.done $0x0  }
0x45: {  	[sflag:s0] =	ssyncadd.s32 $0xFFFFFC00  }
0x46: {  	_ =	swait.ge [sflag:s0], $0x400  }
0x47: {  	[sflag:s0] =	ssyncset.done $0x0  }
0x48: {  	[sflag:s0] =	ssyncadd.s32 $0xFFFFFC00  }
0x49: {  	_ =	swait.ge [sflag:s0], $0x400  }
0x4a: {  	[sflag:s0] =	ssyncset.done $0x0  }
0x4b: {  	[sflag:s0] =	ssyncadd.s32 $0xFFFFFC00  }
0x4c: {  	_ =	swait.ge [sflag:s0], $0x400  }
.Ltmp1:
0x4d: {  	[sflag:s0] =	ssyncset.done $0x0;
	(pc) =	sbr.rel .LBB2_5-.Ltmp1, $4  }
0x4e: {  	[sflag:s0] =	ssyncadd.s32 $0xFFFFFC00  }
0x4f: {  	_ =	swait.ge [sflag:s0], $0x400  }
0x50: {  	[sflag:s0] =	ssyncset.done $0x0  }
0x51: {  	p0 =	por $0x0, $0x0;
	[sflag:s0] =	ssyncadd.s32 $0xFFFFFC00  }
.LBB2_3:
0x52: {  	p0 =	por @!p0 $0x1, $0x1  }
.LBB2_5:
0x53: {  	s2 =	simm.s32 $0x0  }
0x54: {  	v0 =	vmov s2  }
0x55: {  	v0 =	vshrl.u32 v0, $0x3  }
0x56: {  	v0 =	vshll.u32 v0, v1  }
0x57: {  	v0 =	vbroadcast v0, $0x0  }
0x58: {  	s2 =	simm.s32 $0x300  }
0x59: {  	v2 =	vld [tilespmem:s2+$0xFFFFFE00];
	v3 =	vadd.s32 v4, v0  }
0x5a: {  	v5 =	vld [tilespmem:$0x1FDD0];
	_ =	sdelay $0x3  }
0x5b: {  	[tilespmem:v3+s8+$0x0] =	vst.idx.msk $0xffff, v2  }
0x5c: {  	v3 =	vadd.s32 v5, v0;
	v2 =	vld [tilespmem:s2+$0xFFFFFE10]  }
0x5d: {  	v6 =	vld [tilespmem:$0x1FDE0];
	_ =	sdelay $0x3  }
0x5e: {  	[tilespmem:v3+s8+$0x0] =	vst.idx.msk $0xffff, v2  }
0x5f: {  	v3 =	vadd.s32 v6, v0;
	v2 =	vld [tilespmem:s2+$0xFFFFFE20]  }
0x60: {  	v7 =	vld [tilespmem:$0x1FDF0];
	_ =	sdelay $0x3  }
0x61: {  	[tilespmem:v3+s8+$0x0] =	vst.idx.msk $0xffff, v2  }
0x62: {  	s6 =	simm.s32 $0x1;
	v0 =	vadd.s32 v7, v0;
	v2 =	vld [tilespmem:s2+$0xFFFFFE30]  }
0x63: {  	v8 =	vld [tilespmem:$0x1FE00];
	v3 =	vmov s6  }
0x64: {  	v3 =	vshrl.u32 v3, $0x3  }
0x65: {  	v3 =	vshll.u32 v3, v1  }
0x66: {  	v3 =	vbroadcast v3, $0x0  }
0x67: {  	[tilespmem:v0+s8+$0x0] =	vst.idx.msk $0xffff, v2  }
0x68: {  	v2 =	vadd.s32 v8, v3;
	v0 =	vld [tilespmem:s2+$0xFFFFFE80]  }
0x69: {  	v9 =	vld [tilespmem:$0x1FE10];
	_ =	sdelay $0x3  }
0x6a: {  	[tilespmem:v2+s8+$0x0] =	vst.idx.msk $0xffff, v0  }
0x6b: {  	v2 =	vadd.s32 v9, v3;
	v0 =	vld [tilespmem:s2+$0xFFFFFE90]  }
0x6c: {  	v10 =	vld [tilespmem:$0x1FE20];
	_ =	sdelay $0x3  }
0x6d: {  	[tilespmem:v2+s8+$0x0] =	vst.idx.msk $0xffff, v0  }
0x6e: {  	v2 =	vadd.s32 v10, v3;
	v0 =	vld [tilespmem:s2+$0xFFFFFEA0]  }
0x6f: {  	v11 =	vld [tilespmem:$0x1FE30];
	_ =	sdelay $0x3  }
0x70: {  	[tilespmem:v2+s8+$0x0] =	vst.idx.msk $0xffff, v0  }
0x71: {  	s9 =	simm.s32 $0x2;
	v2 =	vadd.s32 v11, v3;
	v0 =	vld [tilespmem:s2+$0xFFFFFEB0]  }
0x72: {  	v12 =	vld [tilespmem:$0x1FE40];
	v3 =	vmov s9  }
0x73: {  	v3 =	vshrl.u32 v3, $0x3  }
0x74: {  	v3 =	vshll.u32 v3, v1  }
0x75: {  	v3 =	vbroadcast v3, $0x0  }
0x76: {  	[tilespmem:v2+s8+$0x0] =	vst.idx.msk $0xffff, v0  }
0x77: {  	v2 =	vadd.s32 v12, v3;
	v0 =	vld [tilespmem:s2+$0xFFFFFF00]  }
0x78: {  	v13 =	vld [tilespmem:$0x1FE50];
	_ =	sdelay $0x3  }
0x79: {  	[tilespmem:v2+s8+$0x0] =	vst.idx.msk $0xffff, v0  }
0x7a: {  	v2 =	vadd.s32 v13, v3;
	v0 =	vld [tilespmem:s2+$0xFFFFFF10]  }
0x7b: {  	v14 =	vld [tilespmem:$0x1FE60];
	_ =	sdelay $0x3  }
0x7c: {  	[tilespmem:v2+s8+$0x0] =	vst.idx.msk $0xffff, v0  }
0x7d: {  	v2 =	vadd.s32 v14, v3;
	v0 =	vld [tilespmem:s2+$0xFFFFFF20]  }
0x7e: {  	v15 =	vld [tilespmem:$0x1FE70];
	_ =	sdelay $0x3  }
0x7f: {  	[tilespmem:v2+s8+$0x0] =	vst.idx.msk $0xffff, v0  }
0x80: {  	s10 =	simm.s32 $0x3;
	v2 =	vadd.s32 v15, v3;
	v0 =	vld [tilespmem:s2+$0xFFFFFF30]  }
0x81: {  	v16 =	vld [tilespmem:$0x1FE80];
	v3 =	vmov s10  }
0x82: {  	v3 =	vshrl.u32 v3, $0x3  }
0x83: {  	v3 =	vshll.u32 v3, v1  }
0x84: {  	v3 =	vbroadcast v3, $0x0  }
0x85: {  	[tilespmem:v2+s8+$0x0] =	vst.idx.msk $0xffff, v0  }
0x86: {  	v2 =	vadd.s32 v16, v3;
	v0 =	vld [tilespmem:s2+$0xFFFFFF80]  }
0x87: {  	v17 =	vld [tilespmem:$0x1FE90];
	_ =	sdelay $0x3  }
0x88: {  	[tilespmem:v2+s8+$0x0] =	vst.idx.msk $0xffff, v0  }
0x89: {  	v2 =	vadd.s32 v17, v3;
	v0 =	vld [tilespmem:s2+$0xFFFFFF90]  }
0x8a: {  	v18 =	vld [tilespmem:$0x1FEA0];
	_ =	sdelay $0x3  }
0x8b: {  	[tilespmem:v2+s8+$0x0] =	vst.idx.msk $0xffff, v0  }
0x8c: {  	v2 =	vadd.s32 v18, v3;
	v0 =	vld [tilespmem:s2+$0xFFFFFFA0]  }
0x8d: {  	v19 =	vld [tilespmem:$0x1FEB0];
	_ =	sdelay $0x3  }
0x8e: {  	[tilespmem:v2+s8+$0x0] =	vst.idx.msk $0xffff, v0  }
0x8f: {  	s9 =	simm.s32 $0x4;
	v2 =	vadd.s32 v19, v3;
	v0 =	vld [tilespmem:s2+$0xFFFFFFB0]  }
0x90: {  	v20 =	vld [tilespmem:$0x1FEC0];
	v3 =	vmov s9  }
0x91: {  	v3 =	vshrl.u32 v3, $0x3  }
0x92: {  	v3 =	vshll.u32 v3, v1  }
0x93: {  	v3 =	vbroadcast v3, $0x0  }
0x94: {  	[tilespmem:v2+s8+$0x0] =	vst.idx.msk $0xffff, v0  }
0x95: {  	v2 =	vadd.s32 v20, v3;
	v0 =	vld [tilespmem:s2+$0x0]  }
0x96: {  	v21 =	vld [tilespmem:$0x1FED0];
	_ =	sdelay $0x3  }
0x97: {  	[tilespmem:v2+s8+$0x0] =	vst.idx.msk $0xffff, v0  }
0x98: {  	v2 =	vadd.s32 v21, v3;
	v0 =	vld [tilespmem:s2+$0x10]  }
0x99: {  	v22 =	vld [tilespmem:$0x1FEE0];
	_ =	sdelay $0x3  }
0x9a: {  	[tilespmem:v2+s8+$0x0] =	vst.idx.msk $0xffff, v0  }
0x9b: {  	v2 =	vadd.s32 v22, v3;
	v0 =	vld [tilespmem:s2+$0x20]  }
0x9c: {  	v23 =	vld [tilespmem:$0x1FEF0];
	_ =	sdelay $0x3  }
0x9d: {  	[tilespmem:v2+s8+$0x0] =	vst.idx.msk $0xffff, v0  }
0x9e: {  	s10 =	simm.s32 $0x5;
	v2 =	vadd.s32 v23, v3;
	v0 =	vld [tilespmem:s2+$0x30]  }
0x9f: {  	v24 =	vld [tilespmem:$0x1FF00];
	v3 =	vmov s10  }
0xa0: {  	v3 =	vshrl.u32 v3, $0x3  }
0xa1: {  	v3 =	vshll.u32 v3, v1  }
0xa2: {  	v3 =	vbroadcast v3, $0x0  }
0xa3: {  	[tilespmem:v2+s8+$0x0] =	vst.idx.msk $0xffff, v0  }
0xa4: {  	v2 =	vadd.s32 v24, v3;
	v0 =	vld [tilespmem:s2+$0x80]  }
0xa5: {  	v25 =	vld [tilespmem:$0x1FF10];
	_ =	sdelay $0x3  }
0xa6: {  	[tilespmem:v2+s8+$0x0] =	vst.idx.msk $0xffff, v0  }
0xa7: {  	v2 =	vadd.s32 v25, v3;
	v0 =	vld [tilespmem:s2+$0x90]  }
0xa8: {  	v26 =	vld [tilespmem:$0x1FF20];
	_ =	sdelay $0x3  }
0xa9: {  	[tilespmem:v2+s8+$0x0] =	vst.idx.msk $0xffff, v0  }
0xaa: {  	v2 =	vadd.s32 v26, v3;
	v0 =	vld [tilespmem:s2+$0xA0]  }
0xab: {  	v27 =	vld [tilespmem:$0x1FF30];
	_ =	sdelay $0x3  }
0xac: {  	[tilespmem:v2+s8+$0x0] =	vst.idx.msk $0xffff, v0  }
0xad: {  	s9 =	simm.s32 $0x6;
	v2 =	vadd.s32 v27, v3;
	v0 =	vld [tilespmem:s2+$0xB0]  }
0xae: {  	v28 =	vld [tilespmem:$0x1FF40];
	v3 =	vmov s9  }
0xaf: {  	v3 =	vshrl.u32 v3, $0x3  }
0xb0: {  	v3 =	vshll.u32 v3, v1  }
0xb1: {  	v3 =	vbroadcast v3, $0x0  }
0xb2: {  	[tilespmem:v2+s8+$0x0] =	vst.idx.msk $0xffff, v0  }
0xb3: {  	v2 =	vadd.s32 v28, v3;
	v0 =	vld [tilespmem:s2+$0x100]  }
0xb4: {  	v29 =	vld [tilespmem:$0x1FF50];
	_ =	sdelay $0x3  }
0xb5: {  	[tilespmem:v2+s8+$0x0] =	vst.idx.msk $0xffff, v0  }
0xb6: {  	v2 =	vadd.s32 v29, v3;
	v0 =	vld [tilespmem:s2+$0x110]  }
0xb7: {  	v30 =	vld [tilespmem:$0x1FF60];
	_ =	sdelay $0x3  }
0xb8: {  	[tilespmem:v2+s8+$0x0] =	vst.idx.msk $0xffff, v0  }
0xb9: {  	v2 =	vadd.s32 v30, v3;
	v0 =	vld [tilespmem:s2+$0x120]  }
0xba: {  	v31 =	vld [tilespmem:$0x1FF70];
	_ =	sdelay $0x3  }
0xbb: {  	[tilespmem:v2+s8+$0x0] =	vst.idx.msk $0xffff, v0  }
0xbc: {  	s10 =	simm.s32 $0x7;
	v2 =	vadd.s32 v31, v3;
	v0 =	vld [tilespmem:s2+$0x130]  }
0xbd: {  	v32 =	vld [tilespmem:$0x1FF80];
	v3 =	vmov s10  }
0xbe: {  	v3 =	vshrl.u32 v3, $0x3  }
0xbf: {  	v3 =	vshll.u32 v3, v1  }
0xc0: {  	v3 =	vbroadcast v3, $0x0  }
0xc1: {  	[tilespmem:v2+s8+$0x0] =	vst.idx.msk $0xffff, v0  }
0xc2: {  	v2 =	vadd.s32 v32, v3;
	v0 =	vld [tilespmem:s2+$0x180]  }
0xc3: {  	v33 =	vld [tilespmem:$0x1FF90];
	_ =	sdelay $0x3  }
0xc4: {  	[tilespmem:v2+s8+$0x0] =	vst.idx.msk $0xffff, v0  }
0xc5: {  	v2 =	vadd.s32 v33, v3;
	v0 =	vld [tilespmem:s2+$0x190]  }
0xc6: {  	v34 =	vld [tilespmem:$0x1FFA0];
	_ =	sdelay $0x3  }
0xc7: {  	[tilespmem:v2+s8+$0x0] =	vst.idx.msk $0xffff, v0  }
0xc8: {  	v2 =	vadd.s32 v34, v3;
	v0 =	vld [tilespmem:s2+$0x1A0]  }
0xc9: {  	v35 =	vld [tilespmem:$0x1FFB0];
	_ =	sdelay $0x3  }
0xca: {  	s28 =	simm.s32 $0xF;
	[tilespmem:v2+s8+$0x0] =	vst.idx.msk $0xffff, v0  }
0xcb: {  	s6 =	simm.s32 $0x17;
	s9 =	simm.s32 $0x8;
	s10 =	sshll.u32 s30, $0x10;
	v2 =	vadd.s32 v35, v3;
	v0 =	vld [tilespmem:s2+$0x1B0]  }
.LBB2_6:
0xcc: {  	p1 =	sne.s32 s6, $0x7F;
	v3 =	vmov s9  }
0xcd: {  	v3 =	vshrl.u32 v3, $0x3  }
0xce: {  	v3 =	vshll.u32 v3, v1  }
0xcf: {  	v3 =	vbroadcast v3, $0x0  }
0xd0: {  	s2 =	sadd.s32 $0x400, s2;
	[tilespmem:v2+s8+$0x0] =	vst.idx.msk $0xffff, v0  }
0xd1: {  	v0 =	vld [tilespmem:s2+$0xFFFFFE00];
	v2 =	vadd.s32 v4, v3;
	_ =	sdelay $0x4  }
0xd2: {  	[tilespmem:v2+s8+$0x0] =	vst.idx.msk $0xffff, v0  }
0xd3: {  	v2 =	vadd.s32 v5, v3;
	v0 =	vld [tilespmem:s2+$0xFFFFFE10];
	_ =	sdelay $0x4  }
0xd4: {  	[tilespmem:v2+s8+$0x0] =	vst.idx.msk $0xffff, v0  }
0xd5: {  	v2 =	vadd.s32 v6, v3;
	v0 =	vld [tilespmem:s2+$0xFFFFFE20];
	_ =	sdelay $0x4  }
0xd6: {  	[tilespmem:v2+s8+$0x0] =	vst.idx.msk $0xffff, v0  }
0xd7: {  	s9 =	sadd.s32 $0xFFFFFFFA, s28;
	v2 =	vadd.s32 v7, v3;
	v0 =	vld [tilespmem:s2+$0xFFFFFE30]  }
0xd8: {  	v3 =	vmov s9  }
0xd9: {  	v3 =	vshrl.u32 v3, $0x3  }
0xda: {  	v3 =	vshll.u32 v3, v1  }
0xdb: {  	v3 =	vbroadcast v3, $0x0  }
0xdc: {  	[tilespmem:v2+s8+$0x0] =	vst.idx.msk $0xffff, v0  }
0xdd: {  	v2 =	vadd.s32 v8, v3;
	v0 =	vld [tilespmem:s2+$0xFFFFFE80];
	_ =	sdelay $0x4  }
0xde: {  	[tilespmem:v2+s8+$0x0] =	vst.idx.msk $0xffff, v0  }
0xdf: {  	v2 =	vadd.s32 v9, v3;
	v0 =	vld [tilespmem:s2+$0xFFFFFE90];
	_ =	sdelay $0x4  }
0xe0: {  	[tilespmem:v2+s8+$0x0] =	vst.idx.msk $0xffff, v0  }
0xe1: {  	v2 =	vadd.s32 v10, v3;
	v0 =	vld [tilespmem:s2+$0xFFFFFEA0];
	_ =	sdelay $0x4  }
0xe2: {  	[tilespmem:v2+s8+$0x0] =	vst.idx.msk $0xffff, v0  }
0xe3: {  	s9 =	sadd.s32 $0xFFFFFFFB, s28;
	v2 =	vadd.s32 v11, v3;
	v0 =	vld [tilespmem:s2+$0xFFFFFEB0]  }
0xe4: {  	v3 =	vmov s9  }
0xe5: {  	v3 =	vshrl.u32 v3, $0x3  }
0xe6: {  	v3 =	vshll.u32 v3, v1  }
0xe7: {  	v3 =	vbroadcast v3, $0x0  }
0xe8: {  	[tilespmem:v2+s8+$0x0] =	vst.idx.msk $0xffff, v0  }
0xe9: {  	v2 =	vadd.s32 v12, v3;
	v0 =	vld [tilespmem:s2+$0xFFFFFF00];
	_ =	sdelay $0x4  }
0xea: {  	[tilespmem:v2+s8+$0x0] =	vst.idx.msk $0xffff, v0  }
0xeb: {  	v2 =	vadd.s32 v13, v3;
	v0 =	vld [tilespmem:s2+$0xFFFFFF10];
	_ =	sdelay $0x4  }
0xec: {  	[tilespmem:v2+s8+$0x0] =	vst.idx.msk $0xffff, v0  }
0xed: {  	v2 =	vadd.s32 v14, v3;
	v0 =	vld [tilespmem:s2+$0xFFFFFF20];
	_ =	sdelay $0x4  }
0xee: {  	[tilespmem:v2+s8+$0x0] =	vst.idx.msk $0xffff, v0  }
0xef: {  	s9 =	sadd.s32 $0xFFFFFFFC, s28;
	v2 =	vadd.s32 v15, v3;
	v0 =	vld [tilespmem:s2+$0xFFFFFF30]  }
0xf0: {  	v3 =	vmov s9  }
0xf1: {  	v3 =	vshrl.u32 v3, $0x3  }
0xf2: {  	v3 =	vshll.u32 v3, v1  }
0xf3: {  	v3 =	vbroadcast v3, $0x0  }
0xf4: {  	[tilespmem:v2+s8+$0x0] =	vst.idx.msk $0xffff, v0  }
0xf5: {  	v2 =	vadd.s32 v16, v3;
	v0 =	vld [tilespmem:s2+$0xFFFFFF80];
	_ =	sdelay $0x4  }
0xf6: {  	[tilespmem:v2+s8+$0x0] =	vst.idx.msk $0xffff, v0  }
0xf7: {  	v2 =	vadd.s32 v17, v3;
	v0 =	vld [tilespmem:s2+$0xFFFFFF90];
	_ =	sdelay $0x4  }
0xf8: {  	[tilespmem:v2+s8+$0x0] =	vst.idx.msk $0xffff, v0  }
0xf9: {  	v2 =	vadd.s32 v18, v3;
	v0 =	vld [tilespmem:s2+$0xFFFFFFA0];
	_ =	sdelay $0x4  }
0xfa: {  	[tilespmem:v2+s8+$0x0] =	vst.idx.msk $0xffff, v0  }
0xfb: {  	s9 =	sadd.s32 $0xFFFFFFFD, s28;
	v2 =	vadd.s32 v19, v3;
	v0 =	vld [tilespmem:s2+$0xFFFFFFB0]  }
0xfc: {  	v3 =	vmov s9  }
0xfd: {  	v3 =	vshrl.u32 v3, $0x3  }
0xfe: {  	v3 =	vshll.u32 v3, v1  }
0xff: {  	v3 =	vbroadcast v3, $0x0  }
0x100: {  	[tilespmem:v2+s8+$0x0] =	vst.idx.msk $0xffff, v0  }
0x101: {  	v2 =	vadd.s32 v20, v3;
	v0 =	vld [tilespmem:s2+$0x0];
	_ =	sdelay $0x4  }
0x102: {  	[tilespmem:v2+s8+$0x0] =	vst.idx.msk $0xffff, v0  }
0x103: {  	v2 =	vadd.s32 v21, v3;
	v0 =	vld [tilespmem:s2+$0x10];
	_ =	sdelay $0x4  }
0x104: {  	[tilespmem:v2+s8+$0x0] =	vst.idx.msk $0xffff, v0  }
0x105: {  	v2 =	vadd.s32 v22, v3;
	v0 =	vld [tilespmem:s2+$0x20];
	_ =	sdelay $0x4  }
0x106: {  	[tilespmem:v2+s8+$0x0] =	vst.idx.msk $0xffff, v0  }
0x107: {  	s9 =	sadd.s32 $0xFFFFFFFE, s28;
	v2 =	vadd.s32 v23, v3;
	v0 =	vld [tilespmem:s2+$0x30]  }
0x108: {  	v3 =	vmov s9  }
0x109: {  	v3 =	vshrl.u32 v3, $0x3  }
0x10a: {  	v3 =	vshll.u32 v3, v1  }
0x10b: {  	v3 =	vbroadcast v3, $0x0  }
0x10c: {  	[tilespmem:v2+s8+$0x0] =	vst.idx.msk $0xffff, v0  }
0x10d: {  	v2 =	vadd.s32 v24, v3;
	v0 =	vld [tilespmem:s2+$0x80];
	_ =	sdelay $0x4  }
0x10e: {  	[tilespmem:v2+s8+$0x0] =	vst.idx.msk $0xffff, v0  }
0x10f: {  	v2 =	vadd.s32 v25, v3;
	v0 =	vld [tilespmem:s2+$0x90];
	_ =	sdelay $0x4  }
0x110: {  	[tilespmem:v2+s8+$0x0] =	vst.idx.msk $0xffff, v0  }
0x111: {  	v2 =	vadd.s32 v26, v3;
	v0 =	vld [tilespmem:s2+$0xA0];
	_ =	sdelay $0x4  }
0x112: {  	[tilespmem:v2+s8+$0x0] =	vst.idx.msk $0xffff, v0  }
0x113: {  	s9 =	sadd.s32 $0xFFFFFFFF, s28;
	v2 =	vadd.s32 v27, v3;
	v0 =	vld [tilespmem:s2+$0xB0]  }
0x114: {  	v3 =	vmov s9  }
0x115: {  	v3 =	vshrl.u32 v3, $0x3  }
0x116: {  	v3 =	vshll.u32 v3, v1  }
0x117: {  	v3 =	vbroadcast v3, $0x0  }
0x118: {  	[tilespmem:v2+s8+$0x0] =	vst.idx.msk $0xffff, v0  }
0x119: {  	v2 =	vadd.s32 v28, v3;
	v0 =	vld [tilespmem:s2+$0x100];
	_ =	sdelay $0x4  }
0x11a: {  	[tilespmem:v2+s8+$0x0] =	vst.idx.msk $0xffff, v0  }
0x11b: {  	v2 =	vadd.s32 v29, v3;
	v0 =	vld [tilespmem:s2+$0x110];
	_ =	sdelay $0x4  }
0x11c: {  	[tilespmem:v2+s8+$0x0] =	vst.idx.msk $0xffff, v0  }
0x11d: {  	v2 =	vadd.s32 v30, v3;
	v0 =	vld [tilespmem:s2+$0x120];
	_ =	sdelay $0x4  }
0x11e: {  	[tilespmem:v2+s8+$0x0] =	vst.idx.msk $0xffff, v0  }
0x11f: {  	v2 =	vadd.s32 v31, v3;
	v0 =	vld [tilespmem:s2+$0x130]  }
0x120: {  	v3 =	vmov s28;
	s28 =	smov.u32 s6  }
0x121: {  	v3 =	vshrl.u32 v3, $0x3  }
0x122: {  	v3 =	vshll.u32 v3, v1  }
0x123: {  	v3 =	vbroadcast v3, $0x0  }
0x124: {  	[tilespmem:v2+s8+$0x0] =	vst.idx.msk $0xffff, v0  }
0x125: {  	v2 =	vadd.s32 v32, v3;
	v0 =	vld [tilespmem:s2+$0x180];
	_ =	sdelay $0x4  }
0x126: {  	[tilespmem:v2+s8+$0x0] =	vst.idx.msk $0xffff, v0  }
0x127: {  	v2 =	vadd.s32 v33, v3;
	v0 =	vld [tilespmem:s2+$0x190];
	_ =	sdelay $0x4  }
0x128: {  	[tilespmem:v2+s8+$0x0] =	vst.idx.msk $0xffff, v0  }
0x129: {  	v2 =	vadd.s32 v34, v3;
	v0 =	vld [tilespmem:s2+$0x1A0];
	_ =	sdelay $0x1  }
.Ltmp2:
0x12a: {  	(pc) =	sbr.rel @p1 .LBB2_6-.Ltmp2, $3  }
0x12b: {  	_ =	sdelay $0x1  }
0x12c: {  	[tilespmem:v2+s8+$0x0] =	vst.idx.msk $0xffff, v0  }
0x12d: {  	s6 =	sadd.s32 $0x8, s6;
	s9 =	sadd.s32 $0xFFFFFFF9, s28;
	v2 =	vadd.s32 v35, v3;
	v0 =	vld [tilespmem:s2+$0x1B0]  }
0x12e: {  	v3 =	vmov s9  }
0x12f: {  	v3 =	vshrl.u32 v3, $0x3  }
0x130: {  	v3 =	vshll.u32 v3, v1  }
0x131: {  	v3 =	vbroadcast v3, $0x0  }
0x132: {  	s2 =	sadd.s32 $0x400, s2;
	[tilespmem:v2+s8+$0x0] =	vst.idx.msk $0xffff, v0  }
0x133: {  	v0 =	vld [tilespmem:s2+$0xFFFFFE00];
	v2 =	vadd.s32 v4, v3;
	_ =	sdelay $0x4  }
0x134: {  	[tilespmem:v2+s8+$0x0] =	vst.idx.msk $0xffff, v0  }
0x135: {  	v2 =	vadd.s32 v5, v3;
	v0 =	vld [tilespmem:s2+$0xFFFFFE10];
	_ =	sdelay $0x4  }
0x136: {  	[tilespmem:v2+s8+$0x0] =	vst.idx.msk $0xffff, v0  }
0x137: {  	v2 =	vadd.s32 v6, v3;
	v0 =	vld [tilespmem:s2+$0xFFFFFE20];
	_ =	sdelay $0x4  }
0x138: {  	[tilespmem:v2+s8+$0x0] =	vst.idx.msk $0xffff, v0  }
0x139: {  	s6 =	sadd.s32 $0xFFFFFFFA, s28;
	v2 =	vadd.s32 v7, v3;
	v0 =	vld [tilespmem:s2+$0xFFFFFE30]  }
0x13a: {  	v3 =	vmov s6  }
0x13b: {  	v3 =	vshrl.u32 v3, $0x3  }
0x13c: {  	v3 =	vshll.u32 v3, v1  }
0x13d: {  	v3 =	vbroadcast v3, $0x0  }
0x13e: {  	[tilespmem:v2+s8+$0x0] =	vst.idx.msk $0xffff, v0  }
0x13f: {  	v2 =	vadd.s32 v8, v3;
	v0 =	vld [tilespmem:s2+$0xFFFFFE80];
	_ =	sdelay $0x4  }
0x140: {  	[tilespmem:v2+s8+$0x0] =	vst.idx.msk $0xffff, v0  }
0x141: {  	v2 =	vadd.s32 v9, v3;
	v0 =	vld [tilespmem:s2+$0xFFFFFE90];
	_ =	sdelay $0x4  }
0x142: {  	[tilespmem:v2+s8+$0x0] =	vst.idx.msk $0xffff, v0  }
0x143: {  	v2 =	vadd.s32 v10, v3;
	v0 =	vld [tilespmem:s2+$0xFFFFFEA0];
	_ =	sdelay $0x4  }
0x144: {  	[tilespmem:v2+s8+$0x0] =	vst.idx.msk $0xffff, v0  }
0x145: {  	s9 =	sadd.s32 $0xFFFFFFFB, s28;
	v2 =	vadd.s32 v11, v3;
	v0 =	vld [tilespmem:s2+$0xFFFFFEB0]  }
0x146: {  	v3 =	vmov s9  }
0x147: {  	v3 =	vshrl.u32 v3, $0x3  }
0x148: {  	v3 =	vshll.u32 v3, v1  }
0x149: {  	v3 =	vbroadcast v3, $0x0  }
0x14a: {  	[tilespmem:v2+s8+$0x0] =	vst.idx.msk $0xffff, v0  }
0x14b: {  	v2 =	vadd.s32 v12, v3;
	v0 =	vld [tilespmem:s2+$0xFFFFFF00];
	_ =	sdelay $0x4  }
0x14c: {  	[tilespmem:v2+s8+$0x0] =	vst.idx.msk $0xffff, v0  }
0x14d: {  	v2 =	vadd.s32 v13, v3;
	v0 =	vld [tilespmem:s2+$0xFFFFFF10];
	_ =	sdelay $0x4  }
0x14e: {  	[tilespmem:v2+s8+$0x0] =	vst.idx.msk $0xffff, v0  }
0x14f: {  	v2 =	vadd.s32 v14, v3;
	v0 =	vld [tilespmem:s2+$0xFFFFFF20];
	_ =	sdelay $0x4  }
0x150: {  	[tilespmem:v2+s8+$0x0] =	vst.idx.msk $0xffff, v0  }
0x151: {  	s9 =	sadd.s32 $0xFFFFFFFC, s28;
	v2 =	vadd.s32 v15, v3;
	v0 =	vld [tilespmem:s2+$0xFFFFFF30]  }
0x152: {  	v3 =	vmov s9  }
0x153: {  	v3 =	vshrl.u32 v3, $0x3  }
0x154: {  	v3 =	vshll.u32 v3, v1  }
0x155: {  	v3 =	vbroadcast v3, $0x0  }
0x156: {  	[tilespmem:v2+s8+$0x0] =	vst.idx.msk $0xffff, v0  }
0x157: {  	v2 =	vadd.s32 v16, v3;
	v0 =	vld [tilespmem:s2+$0xFFFFFF80];
	_ =	sdelay $0x4  }
0x158: {  	[tilespmem:v2+s8+$0x0] =	vst.idx.msk $0xffff, v0  }
0x159: {  	v2 =	vadd.s32 v17, v3;
	v0 =	vld [tilespmem:s2+$0xFFFFFF90];
	_ =	sdelay $0x4  }
0x15a: {  	[tilespmem:v2+s8+$0x0] =	vst.idx.msk $0xffff, v0  }
0x15b: {  	v2 =	vadd.s32 v18, v3;
	v0 =	vld [tilespmem:s2+$0xFFFFFFA0];
	_ =	sdelay $0x4  }
0x15c: {  	[tilespmem:v2+s8+$0x0] =	vst.idx.msk $0xffff, v0  }
0x15d: {  	s9 =	sadd.s32 $0xFFFFFFFD, s28;
	v2 =	vadd.s32 v19, v3;
	v0 =	vld [tilespmem:s2+$0xFFFFFFB0]  }
0x15e: {  	v3 =	vmov s9  }
0x15f: {  	v3 =	vshrl.u32 v3, $0x3  }
0x160: {  	v3 =	vshll.u32 v3, v1  }
0x161: {  	v3 =	vbroadcast v3, $0x0  }
0x162: {  	[tilespmem:v2+s8+$0x0] =	vst.idx.msk $0xffff, v0  }
0x163: {  	v2 =	vadd.s32 v20, v3;
	v0 =	vld [tilespmem:s2+$0x0];
	_ =	sdelay $0x4  }
0x164: {  	[tilespmem:v2+s8+$0x0] =	vst.idx.msk $0xffff, v0  }
0x165: {  	v2 =	vadd.s32 v21, v3;
	v0 =	vld [tilespmem:s2+$0x10];
	_ =	sdelay $0x4  }
0x166: {  	[tilespmem:v2+s8+$0x0] =	vst.idx.msk $0xffff, v0  }
0x167: {  	v2 =	vadd.s32 v22, v3;
	v0 =	vld [tilespmem:s2+$0x20];
	_ =	sdelay $0x4  }
0x168: {  	[tilespmem:v2+s8+$0x0] =	vst.idx.msk $0xffff, v0  }
0x169: {  	s9 =	sadd.s32 $0xFFFFFFFE, s28;
	v2 =	vadd.s32 v23, v3;
	v0 =	vld [tilespmem:s2+$0x30]  }
0x16a: {  	v3 =	vmov s9  }
0x16b: {  	v3 =	vshrl.u32 v3, $0x3  }
0x16c: {  	v3 =	vshll.u32 v3, v1  }
0x16d: {  	v3 =	vbroadcast v3, $0x0  }
0x16e: {  	[tilespmem:v2+s8+$0x0] =	vst.idx.msk $0xffff, v0  }
0x16f: {  	v2 =	vadd.s32 v24, v3;
	v0 =	vld [tilespmem:s2+$0x80];
	_ =	sdelay $0x4  }
0x170: {  	[tilespmem:v2+s8+$0x0] =	vst.idx.msk $0xffff, v0  }
0x171: {  	v2 =	vadd.s32 v25, v3;
	v0 =	vld [tilespmem:s2+$0x90];
	_ =	sdelay $0x4  }
0x172: {  	[tilespmem:v2+s8+$0x0] =	vst.idx.msk $0xffff, v0  }
0x173: {  	v2 =	vadd.s32 v26, v3;
	v0 =	vld [tilespmem:s2+$0xA0];
	_ =	sdelay $0x4  }
0x174: {  	[tilespmem:v2+s8+$0x0] =	vst.idx.msk $0xffff, v0  }
0x175: {  	s9 =	sadd.s32 $0xFFFFFFFF, s28;
	v2 =	vadd.s32 v27, v3;
	v0 =	vld [tilespmem:s2+$0xB0]  }
0x176: {  	v3 =	vmov s9  }
0x177: {  	v3 =	vshrl.u32 v3, $0x3  }
0x178: {  	v3 =	vshll.u32 v3, v1  }
0x179: {  	v3 =	vbroadcast v3, $0x0  }
0x17a: {  	[tilespmem:v2+s8+$0x0] =	vst.idx.msk $0xffff, v0  }
0x17b: {  	v2 =	vadd.s32 v28, v3;
	v0 =	vld [tilespmem:s2+$0x100];
	_ =	sdelay $0x4  }
0x17c: {  	[tilespmem:v2+s8+$0x0] =	vst.idx.msk $0xffff, v0  }
0x17d: {  	v2 =	vadd.s32 v29, v3;
	v0 =	vld [tilespmem:s2+$0x110];
	_ =	sdelay $0x4  }
0x17e: {  	[tilespmem:v2+s8+$0x0] =	vst.idx.msk $0xffff, v0  }
0x17f: {  	v2 =	vadd.s32 v30, v3;
	v0 =	vld [tilespmem:s2+$0x120];
	_ =	sdelay $0x4  }
0x180: {  	[tilespmem:v2+s8+$0x0] =	vst.idx.msk $0xffff, v0  }
0x181: {  	v2 =	vadd.s32 v31, v3;
	v0 =	vld [tilespmem:s2+$0x130]  }
0x182: {  	v3 =	vmov s28  }
0x183: {  	v3 =	vshrl.u32 v3, $0x3  }
0x184: {  	v3 =	vshll.u32 v3, v1  }
0x185: {  	v3 =	vbroadcast v3, $0x0  }
0x186: {  	[tilespmem:v2+s8+$0x0] =	vst.idx.msk $0xffff, v0  }
0x187: {  	v2 =	vadd.s32 v32, v3;
	v0 =	vld [tilespmem:s2+$0x180];
	_ =	sdelay $0x4  }
0x188: {  	[tilespmem:v2+s8+$0x0] =	vst.idx.msk $0xffff, v0  }
0x189: {  	v2 =	vadd.s32 v33, v3;
	v0 =	vld [tilespmem:s2+$0x190];
	_ =	sdelay $0x4  }
0x18a: {  	[tilespmem:v2+s8+$0x0] =	vst.idx.msk $0xffff, v0  }
0x18b: {  	v2 =	vadd.s32 v34, v3;
	v0 =	vld [tilespmem:s2+$0x1A0];
	_ =	sdelay $0x4  }
0x18c: {  	[tilespmem:v2+s8+$0x0] =	vst.idx.msk $0xffff, v0  }
0x18d: {  	v2 =	vadd.s32 v35, v3;
	v0 =	vld [tilespmem:s2+$0x1B0];
	_ =	sdelay $0x3  }
0x18e: {  	s10 =	sor.u32 s11, s10;
	s6 =	rddreg [dreg:$0x1]  }
0x18f: {  	s2 =	sadd.s32 s6, s10;
	[tilespmem:v2+s8+$0x0] =	vst.idx.msk $0xffff, v0  }
0x190: {  	[hbm4b:s2+s3] =	stream.linear.scatter [tilespmem:s8], [sflag:$0x3], $0x80, $0x38;
	[tilespmem:$0xC500] =	vst v63  }
0x191: {  	s28 =	simm.s32 $0x8188;
	s9 =	sadd.s32 $0x10, s2  }
0x192: {  	[hbm4b:s9+s3] =	stream.linear.scatter [tilespmem:s28], [sflag:$0x3], $0x80, $0x38;
	[tilespmem:$0xC500] =	vst v63  }
0x193: {  	s9 =	sadd.s32 $0x20, s2;
	s28 =	simm.s32 $0x8210  }
0x194: {  	[hbm4b:s9+s3] =	stream.linear.scatter [tilespmem:s28], [sflag:$0x3], $0x80, $0x38;
	[tilespmem:$0xC500] =	vst v63  }
0x195: {  	s9 =	sadd.s32 $0x30, s2;
	s28 =	simm.s32 $0x8298  }
0x196: {  	[hbm4b:s9+s3] =	stream.linear.scatter [tilespmem:s28], [sflag:$0x3], $0x80, $0x38;
	[tilespmem:$0xC500] =	vst v63  }
0x197: {  	s9 =	sadd.s32 $0x40, s2;
	s28 =	simm.s32 $0x8320  }
0x198: {  	[hbm4b:s9+s3] =	stream.linear.scatter [tilespmem:s28], [sflag:$0x3], $0x80, $0x38;
	[tilespmem:$0xC500] =	vst v63  }
0x199: {  	s9 =	sadd.s32 $0x50, s2;
	s28 =	simm.s32 $0x83A8  }
0x19a: {  	[hbm4b:s9+s3] =	stream.linear.scatter [tilespmem:s28], [sflag:$0x3], $0x80, $0x38;
	[tilespmem:$0xC500] =	vst v63  }
0x19b: {  	s9 =	sadd.s32 $0x60, s2;
	s28 =	simm.s32 $0x8430  }
0x19c: {  	[hbm4b:s9+s3] =	stream.linear.scatter [tilespmem:s28], [sflag:$0x3], $0x80, $0x38;
	[tilespmem:$0xC500] =	vst v63  }
0x19d: {  	s2 =	sadd.s32 $0x70, s2;
	s28 =	simm.s32 $0x84B8;
	s9 =	rddreg [dreg:$0x7]  }
0x19e: {  	[hbm4b:s2+s3] =	stream.linear.scatter [tilespmem:s28], [sflag:$0x3], $0x80, $0x38;
	[tilespmem:$0xC500] =	vst v63  }
0x19f: {  	s2 =	sadd.s32 s10, s9;
	s28 =	simm.s32 $0x8540  }
0x1a0: {  	[hbm4b:s2+s3] =	stream.linear.scatter [tilespmem:s28], [sflag:$0x3], $0x80, $0x38;
	[tilespmem:$0xC500] =	vst v63  }
0x1a1: {  	s9 =	sadd.s32 $0x10, s2;
	s28 =	simm.s32 $0x85C8  }
0x1a2: {  	[hbm4b:s9+s3] =	stream.linear.scatter [tilespmem:s28], [sflag:$0x3], $0x80, $0x38;
	[tilespmem:$0xC500] =	vst v63  }
0x1a3: {  	s9 =	sadd.s32 $0x20, s2;
	s28 =	simm.s32 $0x8650  }
0x1a4: {  	[hbm4b:s9+s3] =	stream.linear.scatter [tilespmem:s28], [sflag:$0x3], $0x80, $0x38;
	[tilespmem:$0xC500] =	vst v63  }
0x1a5: {  	s9 =	sadd.s32 $0x30, s2;
	s28 =	simm.s32 $0x86D8  }
0x1a6: {  	[hbm4b:s9+s3] =	stream.linear.scatter [tilespmem:s28], [sflag:$0x3], $0x80, $0x38;
	[tilespmem:$0xC500] =	vst v63  }
0x1a7: {  	s9 =	sadd.s32 $0x40, s2;
	s28 =	simm.s32 $0x8760  }
0x1a8: {  	[hbm4b:s9+s3] =	stream.linear.scatter [tilespmem:s28], [sflag:$0x3], $0x80, $0x38;
	[tilespmem:$0xC500] =	vst v63  }
0x1a9: {  	s9 =	sadd.s32 $0x50, s2;
	s28 =	simm.s32 $0x87E8  }
0x1aa: {  	[hbm4b:s9+s3] =	stream.linear.scatter [tilespmem:s28], [sflag:$0x3], $0x80, $0x38;
	[tilespmem:$0xC500] =	vst v63  }
0x1ab: {  	s9 =	sadd.s32 $0x60, s2;
	s28 =	simm.s32 $0x8870  }
0x1ac: {  	[hbm4b:s9+s3] =	stream.linear.scatter [tilespmem:s28], [sflag:$0x3], $0x80, $0x38;
	[tilespmem:$0xC500] =	vst v63  }
0x1ad: {  	s2 =	sadd.s32 $0x70, s2;
	s9 =	simm.s32 $0x88F8  }
0x1ae: {  	[hbm4b:s2+s3] =	stream.linear.scatter [tilespmem:s9], [sflag:$0x3], $0x80, $0x38;
	[tilespmem:$0xC500] =	vst v63  }
0x1af: {  	s28 =	simm.s32 $0x8980;
	s2 =	sadd.s32 s10, s12  }
0x1b0: {  	[hbm4b:s2+s3] =	stream.linear.scatter [tilespmem:s28], [sflag:$0x3], $0x80, $0x38;
	[tilespmem:$0xC500] =	vst v63  }
0x1b1: {  	s9 =	sadd.s32 $0x10, s2;
	s28 =	simm.s32 $0x8A08  }
0x1b2: {  	[hbm4b:s9+s3] =	stream.linear.scatter [tilespmem:s28], [sflag:$0x3], $0x80, $0x38;
	[tilespmem:$0xC500] =	vst v63  }
0x1b3: {  	s9 =	sadd.s32 $0x20, s2;
	s28 =	simm.s32 $0x8A90  }
0x1b4: {  	[hbm4b:s9+s3] =	stream.linear.scatter [tilespmem:s28], [sflag:$0x3], $0x80, $0x38;
	[tilespmem:$0xC500] =	vst v63  }
0x1b5: {  	s9 =	sadd.s32 $0x30, s2;
	s28 =	simm.s32 $0x8B18  }
0x1b6: {  	[hbm4b:s9+s3] =	stream.linear.scatter [tilespmem:s28], [sflag:$0x3], $0x80, $0x38;
	[tilespmem:$0xC500] =	vst v63  }
0x1b7: {  	s9 =	sadd.s32 $0x40, s2;
	s28 =	simm.s32 $0x8BA0  }
0x1b8: {  	[hbm4b:s9+s3] =	stream.linear.scatter [tilespmem:s28], [sflag:$0x3], $0x80, $0x38;
	[tilespmem:$0xC500] =	vst v63  }
0x1b9: {  	s9 =	sadd.s32 $0x50, s2;
	s28 =	simm.s32 $0x8C28  }
0x1ba: {  	[hbm4b:s9+s3] =	stream.linear.scatter [tilespmem:s28], [sflag:$0x3], $0x80, $0x38;
	[tilespmem:$0xC500] =	vst v63  }
0x1bb: {  	s9 =	sadd.s32 $0x60, s2;
	s28 =	simm.s32 $0x8CB0  }
0x1bc: {  	[hbm4b:s9+s3] =	stream.linear.scatter [tilespmem:s28], [sflag:$0x3], $0x80, $0x38;
	[tilespmem:$0xC500] =	vst v63  }
0x1bd: {  	s2 =	sadd.s32 $0x70, s2;
	s9 =	simm.s32 $0x8D38  }
0x1be: {  	[hbm4b:s2+s3] =	stream.linear.scatter [tilespmem:s9], [sflag:$0x3], $0x80, $0x38;
	[tilespmem:$0xC500] =	vst v63  }
0x1bf: {  	s28 =	simm.s32 $0x8DC0;
	s2 =	sadd.s32 s10, s13  }
0x1c0: {  	[hbm4b:s2+s3] =	stream.linear.scatter [tilespmem:s28], [sflag:$0x3], $0x80, $0x38;
	[tilespmem:$0xC500] =	vst v63  }
0x1c1: {  	s9 =	sadd.s32 $0x10, s2;
	s28 =	simm.s32 $0x8E48  }
0x1c2: {  	[hbm4b:s9+s3] =	stream.linear.scatter [tilespmem:s28], [sflag:$0x3], $0x80, $0x38;
	[tilespmem:$0xC500] =	vst v63  }
0x1c3: {  	s9 =	sadd.s32 $0x20, s2;
	s28 =	simm.s32 $0x8ED0  }
0x1c4: {  	[hbm4b:s9+s3] =	stream.linear.scatter [tilespmem:s28], [sflag:$0x3], $0x80, $0x38;
	[tilespmem:$0xC500] =	vst v63  }
0x1c5: {  	s9 =	sadd.s32 $0x30, s2;
	s28 =	simm.s32 $0x8F58  }
0x1c6: {  	[hbm4b:s9+s3] =	stream.linear.scatter [tilespmem:s28], [sflag:$0x3], $0x80, $0x38;
	[tilespmem:$0xC500] =	vst v63  }
0x1c7: {  	s9 =	sadd.s32 $0x40, s2;
	s28 =	simm.s32 $0x8FE0  }
0x1c8: {  	[hbm4b:s9+s3] =	stream.linear.scatter [tilespmem:s28], [sflag:$0x3], $0x80, $0x38;
	[tilespmem:$0xC500] =	vst v63  }
0x1c9: {  	s9 =	sadd.s32 $0x50, s2;
	s28 =	simm.s32 $0x9068  }
0x1ca: {  	[hbm4b:s9+s3] =	stream.linear.scatter [tilespmem:s28], [sflag:$0x3], $0x80, $0x38;
	[tilespmem:$0xC500] =	vst v63  }
0x1cb: {  	s9 =	sadd.s32 $0x60, s2;
	s28 =	simm.s32 $0x90F0  }
0x1cc: {  	[hbm4b:s9+s3] =	stream.linear.scatter [tilespmem:s28], [sflag:$0x3], $0x80, $0x38;
	[tilespmem:$0xC500] =	vst v63  }
0x1cd: {  	s2 =	sadd.s32 $0x70, s2;
	s9 =	simm.s32 $0x9178  }
0x1ce: {  	[hbm4b:s2+s3] =	stream.linear.scatter [tilespmem:s9], [sflag:$0x3], $0x80, $0x38;
	[tilespmem:$0xC500] =	vst v63  }
0x1cf: {  	s28 =	simm.s32 $0x9200;
	s2 =	sadd.s32 s10, s14  }
0x1d0: {  	[hbm4b:s2+s3] =	stream.linear.scatter [tilespmem:s28], [sflag:$0x3], $0x80, $0x38;
	[tilespmem:$0xC500] =	vst v63  }
0x1d1: {  	s9 =	sadd.s32 $0x10, s2;
	s28 =	simm.s32 $0x9288  }
0x1d2: {  	[hbm4b:s9+s3] =	stream.linear.scatter [tilespmem:s28], [sflag:$0x3], $0x80, $0x38;
	[tilespmem:$0xC500] =	vst v63  }
0x1d3: {  	s9 =	sadd.s32 $0x20, s2;
	s28 =	simm.s32 $0x9310  }
0x1d4: {  	[hbm4b:s9+s3] =	stream.linear.scatter [tilespmem:s28], [sflag:$0x3], $0x80, $0x38;
	[tilespmem:$0xC500] =	vst v63  }
0x1d5: {  	s9 =	sadd.s32 $0x30, s2;
	s28 =	simm.s32 $0x9398  }
0x1d6: {  	[hbm4b:s9+s3] =	stream.linear.scatter [tilespmem:s28], [sflag:$0x3], $0x80, $0x38;
	[tilespmem:$0xC500] =	vst v63  }
0x1d7: {  	s9 =	sadd.s32 $0x40, s2;
	s28 =	simm.s32 $0x9420  }
0x1d8: {  	[hbm4b:s9+s3] =	stream.linear.scatter [tilespmem:s28], [sflag:$0x3], $0x80, $0x38;
	[tilespmem:$0xC500] =	vst v63  }
0x1d9: {  	s9 =	sadd.s32 $0x50, s2;
	s28 =	simm.s32 $0x94A8  }
0x1da: {  	[hbm4b:s9+s3] =	stream.linear.scatter [tilespmem:s28], [sflag:$0x3], $0x80, $0x38;
	[tilespmem:$0xC500] =	vst v63  }
0x1db: {  	s9 =	sadd.s32 $0x60, s2;
	s28 =	simm.s32 $0x9530  }
0x1dc: {  	[hbm4b:s9+s3] =	stream.linear.scatter [tilespmem:s28], [sflag:$0x3], $0x80, $0x38;
	[tilespmem:$0xC500] =	vst v63  }
0x1dd: {  	s2 =	sadd.s32 $0x70, s2;
	s9 =	simm.s32 $0x95B8  }
0x1de: {  	[hbm4b:s2+s3] =	stream.linear.scatter [tilespmem:s9], [sflag:$0x3], $0x80, $0x38;
	[tilespmem:$0xC500] =	vst v63  }
0x1df: {  	s28 =	simm.s32 $0x9640;
	s2 =	sadd.s32 s10, s15  }
0x1e0: {  	[hbm4b:s2+s3] =	stream.linear.scatter [tilespmem:s28], [sflag:$0x3], $0x80, $0x38;
	[tilespmem:$0xC500] =	vst v63  }
0x1e1: {  	s9 =	sadd.s32 $0x10, s2;
	s28 =	simm.s32 $0x96C8  }
0x1e2: {  	[hbm4b:s9+s3] =	stream.linear.scatter [tilespmem:s28], [sflag:$0x3], $0x80, $0x38;
	[tilespmem:$0xC500] =	vst v63  }
0x1e3: {  	s9 =	sadd.s32 $0x20, s2;
	s28 =	simm.s32 $0x9750  }
0x1e4: {  	[hbm4b:s9+s3] =	stream.linear.scatter [tilespmem:s28], [sflag:$0x3], $0x80, $0x38;
	[tilespmem:$0xC500] =	vst v63  }
0x1e5: {  	s9 =	sadd.s32 $0x30, s2;
	s28 =	simm.s32 $0x97D8  }
0x1e6: {  	[hbm4b:s9+s3] =	stream.linear.scatter [tilespmem:s28], [sflag:$0x3], $0x80, $0x38;
	[tilespmem:$0xC500] =	vst v63  }
0x1e7: {  	s9 =	sadd.s32 $0x40, s2;
	s28 =	simm.s32 $0x9860  }
0x1e8: {  	[hbm4b:s9+s3] =	stream.linear.scatter [tilespmem:s28], [sflag:$0x3], $0x80, $0x38;
	[tilespmem:$0xC500] =	vst v63  }
0x1e9: {  	s9 =	sadd.s32 $0x50, s2;
	s28 =	simm.s32 $0x98E8  }
0x1ea: {  	[hbm4b:s9+s3] =	stream.linear.scatter [tilespmem:s28], [sflag:$0x3], $0x80, $0x38;
	[tilespmem:$0xC500] =	vst v63  }
0x1eb: {  	s9 =	sadd.s32 $0x60, s2;
	s28 =	simm.s32 $0x9970  }
0x1ec: {  	[hbm4b:s9+s3] =	stream.linear.scatter [tilespmem:s28], [sflag:$0x3], $0x80, $0x38;
	[tilespmem:$0xC500] =	vst v63  }
0x1ed: {  	s2 =	sadd.s32 $0x70, s2;
	s9 =	simm.s32 $0x99F8  }
0x1ee: {  	[hbm4b:s2+s3] =	stream.linear.scatter [tilespmem:s9], [sflag:$0x3], $0x80, $0x38;
	[tilespmem:$0xC500] =	vst v63  }
0x1ef: {  	s28 =	simm.s32 $0x9A80;
	s2 =	sadd.s32 s10, s16  }
0x1f0: {  	[hbm4b:s2+s3] =	stream.linear.scatter [tilespmem:s28], [sflag:$0x3], $0x80, $0x38;
	[tilespmem:$0xC500] =	vst v63  }
0x1f1: {  	s9 =	sadd.s32 $0x10, s2;
	s28 =	simm.s32 $0x9B08  }
0x1f2: {  	[hbm4b:s9+s3] =	stream.linear.scatter [tilespmem:s28], [sflag:$0x3], $0x80, $0x38;
	[tilespmem:$0xC500] =	vst v63  }
0x1f3: {  	s9 =	sadd.s32 $0x20, s2;
	s28 =	simm.s32 $0x9B90  }
0x1f4: {  	[hbm4b:s9+s3] =	stream.linear.scatter [tilespmem:s28], [sflag:$0x3], $0x80, $0x38;
	[tilespmem:$0xC500] =	vst v63  }
0x1f5: {  	s9 =	sadd.s32 $0x30, s2;
	s28 =	simm.s32 $0x9C18  }
0x1f6: {  	[hbm4b:s9+s3] =	stream.linear.scatter [tilespmem:s28], [sflag:$0x3], $0x80, $0x38;
	[tilespmem:$0xC500] =	vst v63  }
0x1f7: {  	s9 =	sadd.s32 $0x40, s2;
	s28 =	simm.s32 $0x9CA0  }
0x1f8: {  	[hbm4b:s9+s3] =	stream.linear.scatter [tilespmem:s28], [sflag:$0x3], $0x80, $0x38;
	[tilespmem:$0xC500] =	vst v63  }
0x1f9: {  	s9 =	sadd.s32 $0x50, s2;
	s28 =	simm.s32 $0x9D28  }
0x1fa: {  	[hbm4b:s9+s3] =	stream.linear.scatter [tilespmem:s28], [sflag:$0x3], $0x80, $0x38;
	[tilespmem:$0xC500] =	vst v63  }
0x1fb: {  	s9 =	sadd.s32 $0x60, s2;
	s28 =	simm.s32 $0x9DB0  }
0x1fc: {  	[hbm4b:s9+s3] =	stream.linear.scatter [tilespmem:s28], [sflag:$0x3], $0x80, $0x38;
	[tilespmem:$0xC500] =	vst v63  }
0x1fd: {  	s2 =	sadd.s32 $0x70, s2;
	s9 =	simm.s32 $0x9E38  }
0x1fe: {  	[hbm4b:s2+s3] =	stream.linear.scatter [tilespmem:s9], [sflag:$0x3], $0x80, $0x38;
	[tilespmem:$0xC500] =	vst v63  }
0x1ff: {  	s28 =	simm.s32 $0x9EC0;
	s2 =	sadd.s32 s10, s17  }
0x200: {  	[hbm4b:s2+s3] =	stream.linear.scatter [tilespmem:s28], [sflag:$0x3], $0x80, $0x38;
	[tilespmem:$0xC500] =	vst v63  }
0x201: {  	s9 =	sadd.s32 $0x10, s2;
	s28 =	simm.s32 $0x9F48  }
0x202: {  	[hbm4b:s9+s3] =	stream.linear.scatter [tilespmem:s28], [sflag:$0x3], $0x80, $0x38;
	[tilespmem:$0xC500] =	vst v63  }
0x203: {  	s9 =	sadd.s32 $0x20, s2;
	s28 =	simm.s32 $0x9FD0  }
0x204: {  	[hbm4b:s9+s3] =	stream.linear.scatter [tilespmem:s28], [sflag:$0x3], $0x80, $0x38;
	[tilespmem:$0xC500] =	vst v63  }
0x205: {  	s9 =	sadd.s32 $0x30, s2;
	s28 =	simm.s32 $0xA058  }
0x206: {  	[hbm4b:s9+s3] =	stream.linear.scatter [tilespmem:s28], [sflag:$0x3], $0x80, $0x38;
	[tilespmem:$0xC500] =	vst v63  }
0x207: {  	s9 =	sadd.s32 $0x40, s2;
	s28 =	simm.s32 $0xA0E0  }
0x208: {  	[hbm4b:s9+s3] =	stream.linear.scatter [tilespmem:s28], [sflag:$0x3], $0x80, $0x38;
	[tilespmem:$0xC500] =	vst v63  }
0x209: {  	p1 =	sne.s32 s30, $0x63;
	s9 =	sadd.s32 $0x50, s2;
	s28 =	simm.s32 $0xA168  }
0x20a: {  	[hbm4b:s9+s3] =	stream.linear.scatter [tilespmem:s28], [sflag:$0x3], $0x80, $0x38;
	[tilespmem:$0xC500] =	vst v63  }
.Ltmp3:
0x20b: {  	_ = 	snop;
	(pc) =	sbr.rel @p1 .LBB2_9-.Ltmp3, $4  }
0x20c: {  	s9 =	sadd.s32 $0x60, s2;
	s28 =	simm.s32 $0xA1F0  }
0x20d: {  	[hbm4b:s9+s3] =	stream.linear.scatter [tilespmem:s28], [sflag:$0x3], $0x80, $0x38;
	[tilespmem:$0xC500] =	vst v63  }
0x20e: {  	s2 =	sadd.s32 $0x70, s2;
	s28 =	simm.s32 $0xA278  }
0x20f: {  	[hbm4b:s2+s3] =	stream.linear.scatter [tilespmem:s28], [sflag:$0x3], $0x80, $0x38;
	[tilespmem:$0xC500] =	vst v63  }
.Ltmp4:
0x210: {  	(pc) =	sbr.rel .LBB2_10-.Ltmp4, $4  }
0x211: {  	_ =	swait.ge [sflag:s25], $0x4000  }
0x212: {  	v5 =	vld [tilespmem:$0x1FFC0]  }
0x213: {  	[sflag:s25] =	ssyncset.done $0x0;
	v6 =	vld [tilespmem:$0x1FFD0]  }
0x214: {  	v7 =	vld [tilespmem:$0x1FFE0];
	[sflag:s25] =	ssyncadd.s32 $0xFFFFC000  }
.LBB2_9:
0x215: {  	s2 =	simm.s32 $0x5  }
0x216: {  	_ =	swait.ge [sflag:s2], $0x80  }
0x217: {  	[sflag:s2] =	ssyncset.done $0x0  }
0x218: {  	s9 =	simm.s32 $0x100;
	[sflag:s2] =	ssyncadd.s32 $0xFFFFFF80  }
0x219: {  	[tilespmem:s9], [sflag:$0x1] =	stream.indirect.gather [hbm4b:s5+s29], $0x80, s3, s29, $0xb8;
	[tilespmem:$0xC500] =	vst v63  }
0x21a: {  	_ =	swait.ge [sflag:s25], $0x4000  }
.Ltmp5:
0x21b: {  	s28 =	sshll.u32 s30, $0xD;
	s6 =	rddreg [dreg:$0x6];
	(pc) =	sbr.rel @p0 .LBB2_11-.Ltmp5, $4  }
0x21c: {  	s2 =	sadd.s32 s6, s28  }
0x21d: {  	[sflag:s25] =	ssyncset.done $0x0;
	v5 =	vld [tilespmem:$0x1FFC0];
	s2 =	sshrl.u32 s2, $0x3  }
0x21e: {  	v6 =	vld [tilespmem:$0x1FFD0];
	[sflag:s25] =	ssyncadd.s32 $0xFFFFC000;
	s2 =	sadd.s32 s4, s2  }
0x21f: {  	v7 =	vld [tilespmem:$0x1FFE0];
	[tilespmem:s29], [sflag:$0x6] =	stream.linear.gather [hbm4b:s2+s3], $0x80, $0x38  }
.LBB2_10:
0x220: {  	_ =	swait.ge [sflag:s7], $0x400  }
0x221: {  	[sflag:s7] =	ssyncset.done $0x0  }
0x222: {  	[sflag:s7] =	ssyncadd.s32 $0xFFFFFC00  }
0x223: {  	_ =	swait.ge [sflag:s7], $0x400  }
0x224: {  	[sflag:s7] =	ssyncset.done $0x0  }
0x225: {  	[sflag:s7] =	ssyncadd.s32 $0xFFFFFC00  }
0x226: {  	_ =	swait.ge [sflag:s7], $0x400  }
0x227: {  	[sflag:s7] =	ssyncset.done $0x0  }
0x228: {  	[sflag:s7] =	ssyncadd.s32 $0xFFFFFC00  }
0x229: {  	_ =	swait.ge [sflag:s7], $0x400  }
0x22a: {  	[sflag:s7] =	ssyncset.done $0x0  }
0x22b: {  	[sflag:s7] =	ssyncadd.s32 $0xFFFFFC00  }
0x22c: {  	_ =	swait.ge [sflag:s7], $0x400  }
0x22d: {  	[sflag:s7] =	ssyncset.done $0x0  }
0x22e: {  	[sflag:s7] =	ssyncadd.s32 $0xFFFFFC00  }
0x22f: {  	_ =	swait.ge [sflag:s7], $0x400  }
0x230: {  	[sflag:s7] =	ssyncset.done $0x0  }
0x231: {  	[sflag:s7] =	ssyncadd.s32 $0xFFFFFC00  }
0x232: {  	_ =	swait.ge [sflag:s7], $0x400  }
0x233: {  	[sflag:s7] =	ssyncset.done $0x0  }
0x234: {  	[sflag:s7] =	ssyncadd.s32 $0xFFFFFC00  }
0x235: {  	_ =	swait.ge [sflag:s7], $0x400  }
0x236: {  	[sflag:s7] =	ssyncset.done $0x0  }
0x237: {  	[sflag:s7] =	ssyncadd.s32 $0xFFFFFC00  }
.LBB2_11:
0x238: {  	s2 =	simm.s32 $0x0  }
0x239: {  	v0 =	vmov s2  }
0x23a: {  	v0 =	vshrl.u32 v0, $0x3  }
0x23b: {  	v0 =	vshll.u32 v0, $0x3  }
0x23c: {  	v2 =	vbroadcast v0, $0x0  }
0x23d: {  	s9 =	simm.s32 $0x0  }
0x23e: {  	v0 =	vld [tilespmem:s9+$0x4100];
	v3 =	vadd.s32 v5, v2;
	_ =	sdelay $0x4  }
0x23f: {  	[tilespmem:v3+s8+$0x0] =	vst.idx.msk $0xffff, v0  }
0x240: {  	v3 =	vadd.s32 v6, v2;
	v0 =	vld [tilespmem:s9+$0x4110];
	_ =	sdelay $0x4  }
0x241: {  	[tilespmem:v3+s8+$0x0] =	vst.idx.msk $0xffff, v0  }
0x242: {  	v3 =	vadd.s32 v7, v2;
	v0 =	vld [tilespmem:s9+$0x4120];
	_ =	sdelay $0x4  }
0x243: {  	[tilespmem:v3+s8+$0x0] =	vst.idx.msk $0xffff, v0  }
0x244: {  	v3 =	vadd.s32 v36, v2;
	v0 =	vld [tilespmem:s9+$0x4130];
	_ =	sdelay $0x4  }
0x245: {  	[tilespmem:v3+s8+$0x0] =	vst.idx.msk $0xffff, v0  }
0x246: {  	v3 =	vadd.s32 v37, v2;
	v0 =	vld [tilespmem:s9+$0x4180];
	_ =	sdelay $0x4  }
0x247: {  	[tilespmem:v3+s8+$0x0] =	vst.idx.msk $0xffff, v0  }
0x248: {  	v3 =	vadd.s32 v38, v2;
	v0 =	vld [tilespmem:s9+$0x4190];
	_ =	sdelay $0x4  }
0x249: {  	[tilespmem:v3+s8+$0x0] =	vst.idx.msk $0xffff, v0  }
0x24a: {  	v3 =	vadd.s32 v39, v2;
	v0 =	vld [tilespmem:s9+$0x41A0];
	_ =	sdelay $0x4  }
0x24b: {  	[tilespmem:v3+s8+$0x0] =	vst.idx.msk $0xffff, v0  }
0x24c: {  	v3 =	vadd.s32 v40, v2;
	v0 =	vld [tilespmem:s9+$0x41B0];
	_ =	sdelay $0x4  }
0x24d: {  	[tilespmem:v3+s8+$0x0] =	vst.idx.msk $0xffff, v0  }
0x24e: {  	v3 =	vadd.s32 v41, v2;
	v0 =	vld [tilespmem:s9+$0x4200];
	_ =	sdelay $0x4  }
0x24f: {  	[tilespmem:v3+s8+$0x0] =	vst.idx.msk $0xffff, v0  }
0x250: {  	v3 =	vadd.s32 v42, v2;
	v0 =	vld [tilespmem:s9+$0x4210];
	_ =	sdelay $0x4  }
0x251: {  	[tilespmem:v3+s8+$0x0] =	vst.idx.msk $0xffff, v0  }
0x252: {  	v3 =	vadd.s32 v43, v2;
	v0 =	vld [tilespmem:s9+$0x4220];
	_ =	sdelay $0x4  }
0x253: {  	[tilespmem:v3+s8+$0x0] =	vst.idx.msk $0xffff, v0  }
0x254: {  	v3 =	vadd.s32 v44, v2;
	v0 =	vld [tilespmem:s9+$0x4230];
	_ =	sdelay $0x4  }
0x255: {  	[tilespmem:v3+s8+$0x0] =	vst.idx.msk $0xffff, v0  }
0x256: {  	v3 =	vadd.s32 v45, v2;
	v0 =	vld [tilespmem:s9+$0x4280];
	_ =	sdelay $0x4  }
0x257: {  	[tilespmem:v3+s8+$0x0] =	vst.idx.msk $0xffff, v0  }
0x258: {  	v3 =	vadd.s32 v46, v2;
	v0 =	vld [tilespmem:s9+$0x4290];
	_ =	sdelay $0x4  }
0x259: {  	[tilespmem:v3+s8+$0x0] =	vst.idx.msk $0xffff, v0  }
0x25a: {  	v3 =	vadd.s32 v47, v2;
	v0 =	vld [tilespmem:s9+$0x42A0];
	_ =	sdelay $0x4  }
0x25b: {  	[tilespmem:v3+s8+$0x0] =	vst.idx.msk $0xffff, v0  }
0x25c: {  	v3 =	vadd.s32 v48, v2;
	v0 =	vld [tilespmem:s9+$0x42B0];
	_ =	sdelay $0x4  }
0x25d: {  	[tilespmem:v3+s8+$0x0] =	vst.idx.msk $0xffff, v0  }
0x25e: {  	v3 =	vadd.s32 v49, v2;
	v0 =	vld [tilespmem:s9+$0x4300];
	_ =	sdelay $0x4  }
0x25f: {  	[tilespmem:v3+s8+$0x0] =	vst.idx.msk $0xffff, v0  }
0x260: {  	v3 =	vadd.s32 v50, v2;
	v0 =	vld [tilespmem:s9+$0x4310];
	_ =	sdelay $0x4  }
0x261: {  	[tilespmem:v3+s8+$0x0] =	vst.idx.msk $0xffff, v0  }
0x262: {  	v3 =	vadd.s32 v51, v2;
	v0 =	vld [tilespmem:s9+$0x4320];
	_ =	sdelay $0x4  }
0x263: {  	[tilespmem:v3+s8+$0x0] =	vst.idx.msk $0xffff, v0  }
0x264: {  	v3 =	vadd.s32 v52, v2;
	v0 =	vld [tilespmem:s9+$0x4330];
	_ =	sdelay $0x4  }
0x265: {  	[tilespmem:v3+s8+$0x0] =	vst.idx.msk $0xffff, v0  }
0x266: {  	v3 =	vadd.s32 v53, v2;
	v0 =	vld [tilespmem:s9+$0x4380];
	_ =	sdelay $0x4  }
0x267: {  	[tilespmem:v3+s8+$0x0] =	vst.idx.msk $0xffff, v0  }
0x268: {  	v3 =	vadd.s32 v54, v2;
	v0 =	vld [tilespmem:s9+$0x4390];
	_ =	sdelay $0x4  }
0x269: {  	[tilespmem:v3+s8+$0x0] =	vst.idx.msk $0xffff, v0  }
0x26a: {  	v3 =	vadd.s32 v55, v2;
	v0 =	vld [tilespmem:s9+$0x43A0];
	_ =	sdelay $0x4  }
0x26b: {  	[tilespmem:v3+s8+$0x0] =	vst.idx.msk $0xffff, v0  }
0x26c: {  	v3 =	vadd.s32 v56, v2;
	v0 =	vld [tilespmem:s9+$0x43B0];
	_ =	sdelay $0x4  }
0x26d: {  	[tilespmem:v3+s8+$0x0] =	vst.idx.msk $0xffff, v0  }
0x26e: {  	v3 =	vadd.s32 v57, v2;
	v0 =	vld [tilespmem:s9+$0x4400];
	_ =	sdelay $0x4  }
0x26f: {  	[tilespmem:v3+s8+$0x0] =	vst.idx.msk $0xffff, v0  }
0x270: {  	v3 =	vadd.s32 v58, v2;
	v0 =	vld [tilespmem:s9+$0x4410];
	_ =	sdelay $0x4  }
0x271: {  	[tilespmem:v3+s8+$0x0] =	vst.idx.msk $0xffff, v0  }
0x272: {  	v3 =	vadd.s32 v59, v2;
	v0 =	vld [tilespmem:s9+$0x4420];
	_ =	sdelay $0x4  }
0x273: {  	[tilespmem:v3+s8+$0x0] =	vst.idx.msk $0xffff, v0  }
0x274: {  	v3 =	vadd.s32 v60, v2;
	v0 =	vld [tilespmem:s9+$0x4430];
	_ =	sdelay $0x4  }
0x275: {  	[tilespmem:v3+s8+$0x0] =	vst.idx.msk $0xffff, v0  }
0x276: {  	v3 =	vadd.s32 v61, v2;
	v0 =	vld [tilespmem:s9+$0x4480];
	_ =	sdelay $0x4  }
0x277: {  	[tilespmem:v3+s8+$0x0] =	vst.idx.msk $0xffff, v0  }
0x278: {  	v3 =	vadd.s32 v62, v2;
	v0 =	vld [tilespmem:s9+$0x4490];
	_ =	sdelay $0x4  }
0x279: {  	[tilespmem:v3+s8+$0x0] =	vst.idx.msk $0xffff, v0  }
0x27a: {  	v3 =	vadd.s32 v63, v2;
	v0 =	vld [tilespmem:s9+$0x44A0];
	_ =	sdelay $0x4  }
0x27b: {  	[tilespmem:v3+s8+$0x0] =	vst.idx.msk $0xffff, v0;
	v0 =	vadd.s32 $0x3B87, v4  }
0x27c: {  	s6 =	simm.s32 $0x8;
	v3 =	vld [tilespmem:s9+$0x44B0];
	v4 =	vadd.s32 v0, v2  }
0x27d: {  	s28 =	simm.s32 $0x2000;
	s2 =	simm.s32 $0x1000;
	v2 =	vmov s6  }
.LBB2_12:
0x27e: {  	p0 =	sne.s32 s28, $0xF000;
	v2 =	vshrl.u32 v2, $0x3  }
0x27f: {  	v2 =	vshll.u32 v2, $0x3  }
0x280: {  	v2 =	vbroadcast v2, $0x0  }
0x281: {  	s9 =	sshra.s32 s2, $0x2;
	s2 =	smov.u32 s28;
	[tilespmem:v4+s8+$0x0] =	vst.idx.msk $0xffff, v3  }
0x282: {  	v3 =	vld [tilespmem:s9+$0x4100];
	v4 =	vadd.s32 v5, v2;
	_ =	sdelay $0x4  }
0x283: {  	[tilespmem:v4+s8+$0x0] =	vst.idx.msk $0xffff, v3  }
0x284: {  	v4 =	vadd.s32 v6, v2;
	v3 =	vld [tilespmem:s9+$0x4110];
	_ =	sdelay $0x4  }
0x285: {  	[tilespmem:v4+s8+$0x0] =	vst.idx.msk $0xffff, v3  }
0x286: {  	v4 =	vadd.s32 v7, v2;
	v3 =	vld [tilespmem:s9+$0x4120];
	_ =	sdelay $0x4  }
0x287: {  	[tilespmem:v4+s8+$0x0] =	vst.idx.msk $0xffff, v3  }
0x288: {  	v4 =	vadd.s32 v36, v2;
	v3 =	vld [tilespmem:s9+$0x4130];
	_ =	sdelay $0x4  }
0x289: {  	[tilespmem:v4+s8+$0x0] =	vst.idx.msk $0xffff, v3  }
0x28a: {  	v4 =	vadd.s32 v37, v2;
	v3 =	vld [tilespmem:s9+$0x4180];
	_ =	sdelay $0x4  }
0x28b: {  	[tilespmem:v4+s8+$0x0] =	vst.idx.msk $0xffff, v3  }
0x28c: {  	v4 =	vadd.s32 v38, v2;
	v3 =	vld [tilespmem:s9+$0x4190];
	_ =	sdelay $0x4  }
0x28d: {  	[tilespmem:v4+s8+$0x0] =	vst.idx.msk $0xffff, v3  }
0x28e: {  	v4 =	vadd.s32 v39, v2;
	v3 =	vld [tilespmem:s9+$0x41A0];
	_ =	sdelay $0x4  }
0x28f: {  	[tilespmem:v4+s8+$0x0] =	vst.idx.msk $0xffff, v3  }
0x290: {  	v4 =	vadd.s32 v40, v2;
	v3 =	vld [tilespmem:s9+$0x41B0];
	_ =	sdelay $0x4  }
0x291: {  	[tilespmem:v4+s8+$0x0] =	vst.idx.msk $0xffff, v3  }
0x292: {  	v4 =	vadd.s32 v41, v2;
	v3 =	vld [tilespmem:s9+$0x4200];
	_ =	sdelay $0x4  }
0x293: {  	[tilespmem:v4+s8+$0x0] =	vst.idx.msk $0xffff, v3  }
0x294: {  	v4 =	vadd.s32 v42, v2;
	v3 =	vld [tilespmem:s9+$0x4210];
	_ =	sdelay $0x4  }
0x295: {  	[tilespmem:v4+s8+$0x0] =	vst.idx.msk $0xffff, v3  }
0x296: {  	v4 =	vadd.s32 v43, v2;
	v3 =	vld [tilespmem:s9+$0x4220];
	_ =	sdelay $0x4  }
0x297: {  	[tilespmem:v4+s8+$0x0] =	vst.idx.msk $0xffff, v3  }
0x298: {  	v4 =	vadd.s32 v44, v2;
	v3 =	vld [tilespmem:s9+$0x4230];
	_ =	sdelay $0x4  }
0x299: {  	[tilespmem:v4+s8+$0x0] =	vst.idx.msk $0xffff, v3  }
0x29a: {  	v4 =	vadd.s32 v45, v2;
	v3 =	vld [tilespmem:s9+$0x4280];
	_ =	sdelay $0x4  }
0x29b: {  	[tilespmem:v4+s8+$0x0] =	vst.idx.msk $0xffff, v3  }
0x29c: {  	v4 =	vadd.s32 v46, v2;
	v3 =	vld [tilespmem:s9+$0x4290];
	_ =	sdelay $0x4  }
0x29d: {  	[tilespmem:v4+s8+$0x0] =	vst.idx.msk $0xffff, v3  }
0x29e: {  	v4 =	vadd.s32 v47, v2;
	v3 =	vld [tilespmem:s9+$0x42A0];
	_ =	sdelay $0x4  }
0x29f: {  	[tilespmem:v4+s8+$0x0] =	vst.idx.msk $0xffff, v3  }
0x2a0: {  	v4 =	vadd.s32 v48, v2;
	v3 =	vld [tilespmem:s9+$0x42B0];
	_ =	sdelay $0x4  }
0x2a1: {  	[tilespmem:v4+s8+$0x0] =	vst.idx.msk $0xffff, v3  }
0x2a2: {  	v4 =	vadd.s32 v49, v2;
	v3 =	vld [tilespmem:s9+$0x4300];
	_ =	sdelay $0x4  }
0x2a3: {  	[tilespmem:v4+s8+$0x0] =	vst.idx.msk $0xffff, v3  }
0x2a4: {  	v4 =	vadd.s32 v50, v2;
	v3 =	vld [tilespmem:s9+$0x4310];
	_ =	sdelay $0x4  }
0x2a5: {  	[tilespmem:v4+s8+$0x0] =	vst.idx.msk $0xffff, v3  }
0x2a6: {  	v4 =	vadd.s32 v51, v2;
	v3 =	vld [tilespmem:s9+$0x4320];
	_ =	sdelay $0x4  }
0x2a7: {  	[tilespmem:v4+s8+$0x0] =	vst.idx.msk $0xffff, v3  }
0x2a8: {  	v4 =	vadd.s32 v52, v2;
	v3 =	vld [tilespmem:s9+$0x4330];
	_ =	sdelay $0x4  }
0x2a9: {  	[tilespmem:v4+s8+$0x0] =	vst.idx.msk $0xffff, v3  }
0x2aa: {  	v4 =	vadd.s32 v53, v2;
	v3 =	vld [tilespmem:s9+$0x4380];
	_ =	sdelay $0x4  }
0x2ab: {  	[tilespmem:v4+s8+$0x0] =	vst.idx.msk $0xffff, v3  }
0x2ac: {  	v4 =	vadd.s32 v54, v2;
	v3 =	vld [tilespmem:s9+$0x4390];
	_ =	sdelay $0x4  }
0x2ad: {  	[tilespmem:v4+s8+$0x0] =	vst.idx.msk $0xffff, v3  }
0x2ae: {  	v4 =	vadd.s32 v55, v2;
	v3 =	vld [tilespmem:s9+$0x43A0];
	_ =	sdelay $0x4  }
0x2af: {  	[tilespmem:v4+s8+$0x0] =	vst.idx.msk $0xffff, v3  }
0x2b0: {  	v4 =	vadd.s32 v56, v2;
	v3 =	vld [tilespmem:s9+$0x43B0];
	_ =	sdelay $0x4  }
0x2b1: {  	[tilespmem:v4+s8+$0x0] =	vst.idx.msk $0xffff, v3  }
0x2b2: {  	v4 =	vadd.s32 v57, v2;
	v3 =	vld [tilespmem:s9+$0x4400];
	_ =	sdelay $0x4  }
0x2b3: {  	[tilespmem:v4+s8+$0x0] =	vst.idx.msk $0xffff, v3  }
0x2b4: {  	v4 =	vadd.s32 v58, v2;
	v3 =	vld [tilespmem:s9+$0x4410];
	_ =	sdelay $0x4  }
0x2b5: {  	[tilespmem:v4+s8+$0x0] =	vst.idx.msk $0xffff, v3  }
0x2b6: {  	v4 =	vadd.s32 v59, v2;
	v3 =	vld [tilespmem:s9+$0x4420];
	_ =	sdelay $0x4  }
0x2b7: {  	[tilespmem:v4+s8+$0x0] =	vst.idx.msk $0xffff, v3  }
0x2b8: {  	v4 =	vadd.s32 v60, v2;
	v3 =	vld [tilespmem:s9+$0x4430];
	_ =	sdelay $0x4  }
0x2b9: {  	[tilespmem:v4+s8+$0x0] =	vst.idx.msk $0xffff, v3  }
0x2ba: {  	v4 =	vadd.s32 v61, v2;
	v3 =	vld [tilespmem:s9+$0x4480];
	_ =	sdelay $0x4  }
0x2bb: {  	[tilespmem:v4+s8+$0x0] =	vst.idx.msk $0xffff, v3  }
0x2bc: {  	v4 =	vadd.s32 v62, v2;
	v3 =	vld [tilespmem:s9+$0x4490];
	_ =	sdelay $0x4  }
0x2bd: {  	[tilespmem:v4+s8+$0x0] =	vst.idx.msk $0xffff, v3  }
0x2be: {  	v4 =	vadd.s32 v63, v2;
	v3 =	vld [tilespmem:s9+$0x44A0];
	_ =	sdelay $0x2  }
.Ltmp6:
0x2bf: {  	(pc) =	sbr.rel @p0 .LBB2_12-.Ltmp6, $4  }
0x2c0: {  	_ = 	snop  }
0x2c1: {  	[tilespmem:v4+s8+$0x0] =	vst.idx.msk $0xffff, v3  }
0x2c2: {  	s6 =	sadd.s32 $0x8, s6;
	v4 =	vadd.s32 v0, v2;
	v3 =	vld [tilespmem:s9+$0x44B0]  }
0x2c3: {  	s28 =	sadd.s32 $0x1000, s28;
	v2 =	vmov s6  }
0x2c4: {  	_ = 	snop  }
0x2c5: {  	v2 =	vshrl.u32 v2, $0x3  }
0x2c6: {  	v2 =	vshll.u32 v2, $0x3  }
0x2c7: {  	v2 =	vbroadcast v2, $0x0  }
0x2c8: {  	s2 =	sshra.s32 s2, $0x2;
	[tilespmem:v4+s8+$0x0] =	vst.idx.msk $0xffff, v3  }
0x2c9: {  	v3 =	vld [tilespmem:s2+$0x4100];
	v4 =	vadd.s32 v5, v2;
	_ =	sdelay $0x4  }
0x2ca: {  	[tilespmem:v4+s8+$0x0] =	vst.idx.msk $0xffff, v3  }
0x2cb: {  	v4 =	vadd.s32 v6, v2;
	v3 =	vld [tilespmem:s2+$0x4110];
	_ =	sdelay $0x4  }
0x2cc: {  	[tilespmem:v4+s8+$0x0] =	vst.idx.msk $0xffff, v3  }
0x2cd: {  	v4 =	vadd.s32 v7, v2;
	v3 =	vld [tilespmem:s2+$0x4120];
	_ =	sdelay $0x4  }
0x2ce: {  	[tilespmem:v4+s8+$0x0] =	vst.idx.msk $0xffff, v3  }
0x2cf: {  	v4 =	vadd.s32 v36, v2;
	v3 =	vld [tilespmem:s2+$0x4130];
	_ =	sdelay $0x4  }
0x2d0: {  	[tilespmem:v4+s8+$0x0] =	vst.idx.msk $0xffff, v3  }
0x2d1: {  	v4 =	vadd.s32 v37, v2;
	v3 =	vld [tilespmem:s2+$0x4180];
	_ =	sdelay $0x4  }
0x2d2: {  	[tilespmem:v4+s8+$0x0] =	vst.idx.msk $0xffff, v3  }
0x2d3: {  	v4 =	vadd.s32 v38, v2;
	v3 =	vld [tilespmem:s2+$0x4190];
	_ =	sdelay $0x4  }
0x2d4: {  	[tilespmem:v4+s8+$0x0] =	vst.idx.msk $0xffff, v3  }
0x2d5: {  	v4 =	vadd.s32 v39, v2;
	v3 =	vld [tilespmem:s2+$0x41A0];
	_ =	sdelay $0x4  }
0x2d6: {  	[tilespmem:v4+s8+$0x0] =	vst.idx.msk $0xffff, v3  }
0x2d7: {  	v4 =	vadd.s32 v40, v2;
	v3 =	vld [tilespmem:s2+$0x41B0];
	_ =	sdelay $0x4  }
0x2d8: {  	[tilespmem:v4+s8+$0x0] =	vst.idx.msk $0xffff, v3  }
0x2d9: {  	v4 =	vadd.s32 v41, v2;
	v3 =	vld [tilespmem:s2+$0x4200];
	_ =	sdelay $0x4  }
0x2da: {  	[tilespmem:v4+s8+$0x0] =	vst.idx.msk $0xffff, v3  }
0x2db: {  	v4 =	vadd.s32 v42, v2;
	v3 =	vld [tilespmem:s2+$0x4210];
	_ =	sdelay $0x4  }
0x2dc: {  	[tilespmem:v4+s8+$0x0] =	vst.idx.msk $0xffff, v3  }
0x2dd: {  	v4 =	vadd.s32 v43, v2;
	v3 =	vld [tilespmem:s2+$0x4220];
	_ =	sdelay $0x4  }
0x2de: {  	[tilespmem:v4+s8+$0x0] =	vst.idx.msk $0xffff, v3  }
0x2df: {  	v4 =	vadd.s32 v44, v2;
	v3 =	vld [tilespmem:s2+$0x4230];
	_ =	sdelay $0x4  }
0x2e0: {  	[tilespmem:v4+s8+$0x0] =	vst.idx.msk $0xffff, v3  }
0x2e1: {  	v4 =	vadd.s32 v45, v2;
	v3 =	vld [tilespmem:s2+$0x4280];
	_ =	sdelay $0x4  }
0x2e2: {  	[tilespmem:v4+s8+$0x0] =	vst.idx.msk $0xffff, v3  }
0x2e3: {  	v4 =	vadd.s32 v46, v2;
	v3 =	vld [tilespmem:s2+$0x4290];
	_ =	sdelay $0x4  }
0x2e4: {  	[tilespmem:v4+s8+$0x0] =	vst.idx.msk $0xffff, v3  }
0x2e5: {  	v4 =	vadd.s32 v47, v2;
	v3 =	vld [tilespmem:s2+$0x42A0];
	_ =	sdelay $0x4  }
0x2e6: {  	[tilespmem:v4+s8+$0x0] =	vst.idx.msk $0xffff, v3  }
0x2e7: {  	v4 =	vadd.s32 v48, v2;
	v3 =	vld [tilespmem:s2+$0x42B0];
	_ =	sdelay $0x4  }
0x2e8: {  	[tilespmem:v4+s8+$0x0] =	vst.idx.msk $0xffff, v3  }
0x2e9: {  	v4 =	vadd.s32 v49, v2;
	v3 =	vld [tilespmem:s2+$0x4300];
	_ =	sdelay $0x4  }
0x2ea: {  	[tilespmem:v4+s8+$0x0] =	vst.idx.msk $0xffff, v3  }
0x2eb: {  	v4 =	vadd.s32 v50, v2;
	v3 =	vld [tilespmem:s2+$0x4310];
	_ =	sdelay $0x4  }
0x2ec: {  	[tilespmem:v4+s8+$0x0] =	vst.idx.msk $0xffff, v3  }
0x2ed: {  	v4 =	vadd.s32 v51, v2;
	v3 =	vld [tilespmem:s2+$0x4320];
	_ =	sdelay $0x4  }
0x2ee: {  	[tilespmem:v4+s8+$0x0] =	vst.idx.msk $0xffff, v3  }
0x2ef: {  	v4 =	vadd.s32 v52, v2;
	v3 =	vld [tilespmem:s2+$0x4330];
	_ =	sdelay $0x4  }
0x2f0: {  	[tilespmem:v4+s8+$0x0] =	vst.idx.msk $0xffff, v3  }
0x2f1: {  	v4 =	vadd.s32 v53, v2;
	v3 =	vld [tilespmem:s2+$0x4380];
	_ =	sdelay $0x4  }
0x2f2: {  	[tilespmem:v4+s8+$0x0] =	vst.idx.msk $0xffff, v3  }
0x2f3: {  	v4 =	vadd.s32 v54, v2;
	v3 =	vld [tilespmem:s2+$0x4390];
	_ =	sdelay $0x4  }
0x2f4: {  	[tilespmem:v4+s8+$0x0] =	vst.idx.msk $0xffff, v3  }
0x2f5: {  	v4 =	vadd.s32 v55, v2;
	v3 =	vld [tilespmem:s2+$0x43A0];
	_ =	sdelay $0x4  }
0x2f6: {  	[tilespmem:v4+s8+$0x0] =	vst.idx.msk $0xffff, v3  }
0x2f7: {  	v4 =	vadd.s32 v56, v2;
	v3 =	vld [tilespmem:s2+$0x43B0];
	_ =	sdelay $0x4  }
0x2f8: {  	[tilespmem:v4+s8+$0x0] =	vst.idx.msk $0xffff, v3  }
0x2f9: {  	v4 =	vadd.s32 v57, v2;
	v3 =	vld [tilespmem:s2+$0x4400];
	_ =	sdelay $0x4  }
0x2fa: {  	[tilespmem:v4+s8+$0x0] =	vst.idx.msk $0xffff, v3  }
0x2fb: {  	v4 =	vadd.s32 v58, v2;
	v3 =	vld [tilespmem:s2+$0x4410];
	_ =	sdelay $0x4  }
0x2fc: {  	[tilespmem:v4+s8+$0x0] =	vst.idx.msk $0xffff, v3  }
0x2fd: {  	v4 =	vadd.s32 v59, v2;
	v3 =	vld [tilespmem:s2+$0x4420];
	_ =	sdelay $0x4  }
0x2fe: {  	[tilespmem:v4+s8+$0x0] =	vst.idx.msk $0xffff, v3  }
0x2ff: {  	v4 =	vadd.s32 v60, v2;
	v3 =	vld [tilespmem:s2+$0x4430];
	_ =	sdelay $0x4  }
0x300: {  	[tilespmem:v4+s8+$0x0] =	vst.idx.msk $0xffff, v3  }
0x301: {  	v4 =	vadd.s32 v61, v2;
	v3 =	vld [tilespmem:s2+$0x4480];
	_ =	sdelay $0x4  }
0x302: {  	[tilespmem:v4+s8+$0x0] =	vst.idx.msk $0xffff, v3  }
0x303: {  	v4 =	vadd.s32 v62, v2;
	v3 =	vld [tilespmem:s2+$0x4490];
	_ =	sdelay $0x4  }
0x304: {  	[tilespmem:v4+s8+$0x0] =	vst.idx.msk $0xffff, v3  }
0x305: {  	v4 =	vadd.s32 v63, v2;
	v3 =	vld [tilespmem:s2+$0x44A0];
	_ =	sdelay $0x4  }
0x306: {  	[tilespmem:v4+s8+$0x0] =	vst.idx.msk $0xffff, v3  }
0x307: {  	v0 =	vadd.s32 v0, v2;
	v3 =	vld [tilespmem:s2+$0x44B0];
	_ =	sdelay $0x4  }
0x308: {  	s6 =	simm.s32 $0xA300;
	s2 =	sadd.s32 s10, s18;
	[tilespmem:v0+s8+$0x0] =	vst.idx.msk $0xffff, v3  }
0x309: {  	[hbm4b:s2+s3] =	stream.linear.scatter [tilespmem:s6], [sflag:$0x4], $0x80, $0x38;
	[tilespmem:$0xC500] =	vst v63  }
0x30a: {  	s9 =	simm.s32 $0xA388;
	s28 =	sadd.s32 $0x10, s2  }
0x30b: {  	[hbm4b:s28+s3] =	stream.linear.scatter [tilespmem:s9], [sflag:$0x4], $0x80, $0x38;
	[tilespmem:$0xC500] =	vst v63  }
0x30c: {  	s9 =	sadd.s32 $0x20, s2;
	s28 =	simm.s32 $0xA410  }
0x30d: {  	[hbm4b:s9+s3] =	stream.linear.scatter [tilespmem:s28], [sflag:$0x4], $0x80, $0x38;
	[tilespmem:$0xC500] =	vst v63  }
0x30e: {  	s9 =	sadd.s32 $0x30, s2;
	s28 =	simm.s32 $0xA498  }
0x30f: {  	[hbm4b:s9+s3] =	stream.linear.scatter [tilespmem:s28], [sflag:$0x4], $0x80, $0x38;
	[tilespmem:$0xC500] =	vst v63  }
0x310: {  	s9 =	sadd.s32 $0x40, s2;
	s28 =	simm.s32 $0xA520  }
0x311: {  	[hbm4b:s9+s3] =	stream.linear.scatter [tilespmem:s28], [sflag:$0x4], $0x80, $0x38;
	[tilespmem:$0xC500] =	vst v63  }
0x312: {  	s9 =	sadd.s32 $0x50, s2;
	s28 =	simm.s32 $0xA5A8  }
0x313: {  	[hbm4b:s9+s3] =	stream.linear.scatter [tilespmem:s28], [sflag:$0x4], $0x80, $0x38;
	[tilespmem:$0xC500] =	vst v63  }
0x314: {  	s9 =	sadd.s32 $0x60, s2;
	s28 =	simm.s32 $0xA630  }
0x315: {  	[hbm4b:s9+s3] =	stream.linear.scatter [tilespmem:s28], [sflag:$0x4], $0x80, $0x38;
	[tilespmem:$0xC500] =	vst v63  }
0x316: {  	s2 =	sadd.s32 $0x70, s2;
	s9 =	simm.s32 $0xA6B8  }
0x317: {  	[hbm4b:s2+s3] =	stream.linear.scatter [tilespmem:s9], [sflag:$0x4], $0x80, $0x38;
	[tilespmem:$0xC500] =	vst v63  }
0x318: {  	s28 =	simm.s32 $0xA740;
	s2 =	sadd.s32 s10, s19  }
0x319: {  	[hbm4b:s2+s3] =	stream.linear.scatter [tilespmem:s28], [sflag:$0x4], $0x80, $0x38;
	[tilespmem:$0xC500] =	vst v63  }
0x31a: {  	s9 =	sadd.s32 $0x10, s2;
	s28 =	simm.s32 $0xA7C8  }
0x31b: {  	[hbm4b:s9+s3] =	stream.linear.scatter [tilespmem:s28], [sflag:$0x4], $0x80, $0x38;
	[tilespmem:$0xC500] =	vst v63  }
0x31c: {  	s9 =	sadd.s32 $0x20, s2;
	s28 =	simm.s32 $0xA850  }
0x31d: {  	[hbm4b:s9+s3] =	stream.linear.scatter [tilespmem:s28], [sflag:$0x4], $0x80, $0x38;
	[tilespmem:$0xC500] =	vst v63  }
0x31e: {  	s9 =	sadd.s32 $0x30, s2;
	s28 =	simm.s32 $0xA8D8  }
0x31f: {  	[hbm4b:s9+s3] =	stream.linear.scatter [tilespmem:s28], [sflag:$0x4], $0x80, $0x38;
	[tilespmem:$0xC500] =	vst v63  }
0x320: {  	s9 =	sadd.s32 $0x40, s2;
	s28 =	simm.s32 $0xA960  }
0x321: {  	[hbm4b:s9+s3] =	stream.linear.scatter [tilespmem:s28], [sflag:$0x4], $0x80, $0x38;
	[tilespmem:$0xC500] =	vst v63  }
0x322: {  	s9 =	sadd.s32 $0x50, s2;
	s28 =	simm.s32 $0xA9E8  }
0x323: {  	[hbm4b:s9+s3] =	stream.linear.scatter [tilespmem:s28], [sflag:$0x4], $0x80, $0x38;
	[tilespmem:$0xC500] =	vst v63  }
0x324: {  	s9 =	sadd.s32 $0x60, s2;
	s28 =	simm.s32 $0xAA70  }
0x325: {  	[hbm4b:s9+s3] =	stream.linear.scatter [tilespmem:s28], [sflag:$0x4], $0x80, $0x38;
	[tilespmem:$0xC500] =	vst v63  }
0x326: {  	s2 =	sadd.s32 $0x70, s2;
	s9 =	simm.s32 $0xAAF8  }
0x327: {  	[hbm4b:s2+s3] =	stream.linear.scatter [tilespmem:s9], [sflag:$0x4], $0x80, $0x38;
	[tilespmem:$0xC500] =	vst v63  }
0x328: {  	s28 =	simm.s32 $0xAB80;
	s2 =	sadd.s32 s10, s20  }
0x329: {  	[hbm4b:s2+s3] =	stream.linear.scatter [tilespmem:s28], [sflag:$0x4], $0x80, $0x38;
	[tilespmem:$0xC500] =	vst v63  }
0x32a: {  	s9 =	sadd.s32 $0x10, s2;
	s28 =	simm.s32 $0xAC08  }
0x32b: {  	[hbm4b:s9+s3] =	stream.linear.scatter [tilespmem:s28], [sflag:$0x4], $0x80, $0x38;
	[tilespmem:$0xC500] =	vst v63  }
0x32c: {  	s9 =	sadd.s32 $0x20, s2;
	s28 =	simm.s32 $0xAC90  }
0x32d: {  	[hbm4b:s9+s3] =	stream.linear.scatter [tilespmem:s28], [sflag:$0x4], $0x80, $0x38;
	[tilespmem:$0xC500] =	vst v63  }
0x32e: {  	s9 =	sadd.s32 $0x30, s2;
	s28 =	simm.s32 $0xAD18  }
0x32f: {  	[hbm4b:s9+s3] =	stream.linear.scatter [tilespmem:s28], [sflag:$0x4], $0x80, $0x38;
	[tilespmem:$0xC500] =	vst v63  }
0x330: {  	s9 =	sadd.s32 $0x40, s2;
	s28 =	simm.s32 $0xADA0  }
0x331: {  	[hbm4b:s9+s3] =	stream.linear.scatter [tilespmem:s28], [sflag:$0x4], $0x80, $0x38;
	[tilespmem:$0xC500] =	vst v63  }
0x332: {  	s9 =	sadd.s32 $0x50, s2;
	s28 =	simm.s32 $0xAE28  }
0x333: {  	[hbm4b:s9+s3] =	stream.linear.scatter [tilespmem:s28], [sflag:$0x4], $0x80, $0x38;
	[tilespmem:$0xC500] =	vst v63  }
0x334: {  	s9 =	sadd.s32 $0x60, s2;
	s28 =	simm.s32 $0xAEB0  }
0x335: {  	[hbm4b:s9+s3] =	stream.linear.scatter [tilespmem:s28], [sflag:$0x4], $0x80, $0x38;
	[tilespmem:$0xC500] =	vst v63  }
0x336: {  	s2 =	sadd.s32 $0x70, s2;
	s9 =	simm.s32 $0xAF38  }
0x337: {  	[hbm4b:s2+s3] =	stream.linear.scatter [tilespmem:s9], [sflag:$0x4], $0x80, $0x38;
	[tilespmem:$0xC500] =	vst v63  }
0x338: {  	s28 =	simm.s32 $0xAFC0;
	s2 =	sadd.s32 s10, s21  }
0x339: {  	[hbm4b:s2+s3] =	stream.linear.scatter [tilespmem:s28], [sflag:$0x4], $0x80, $0x38;
	[tilespmem:$0xC500] =	vst v63  }
0x33a: {  	s9 =	sadd.s32 $0x10, s2;
	s28 =	simm.s32 $0xB048  }
0x33b: {  	[hbm4b:s9+s3] =	stream.linear.scatter [tilespmem:s28], [sflag:$0x4], $0x80, $0x38;
	[tilespmem:$0xC500] =	vst v63  }
0x33c: {  	s9 =	sadd.s32 $0x20, s2;
	s28 =	simm.s32 $0xB0D0  }
0x33d: {  	[hbm4b:s9+s3] =	stream.linear.scatter [tilespmem:s28], [sflag:$0x4], $0x80, $0x38;
	[tilespmem:$0xC500] =	vst v63  }
0x33e: {  	s9 =	sadd.s32 $0x30, s2;
	s28 =	simm.s32 $0xB158  }
0x33f: {  	[hbm4b:s9+s3] =	stream.linear.scatter [tilespmem:s28], [sflag:$0x4], $0x80, $0x38;
	[tilespmem:$0xC500] =	vst v63  }
0x340: {  	s9 =	sadd.s32 $0x40, s2;
	s28 =	simm.s32 $0xB1E0  }
0x341: {  	[hbm4b:s9+s3] =	stream.linear.scatter [tilespmem:s28], [sflag:$0x4], $0x80, $0x38;
	[tilespmem:$0xC500] =	vst v63  }
0x342: {  	s9 =	sadd.s32 $0x50, s2;
	s28 =	simm.s32 $0xB268  }
0x343: {  	[hbm4b:s9+s3] =	stream.linear.scatter [tilespmem:s28], [sflag:$0x4], $0x80, $0x38;
	[tilespmem:$0xC500] =	vst v63  }
0x344: {  	s9 =	sadd.s32 $0x60, s2;
	s28 =	simm.s32 $0xB2F0  }
0x345: {  	[hbm4b:s9+s3] =	stream.linear.scatter [tilespmem:s28], [sflag:$0x4], $0x80, $0x38;
	[tilespmem:$0xC500] =	vst v63  }
0x346: {  	s2 =	sadd.s32 $0x70, s2;
	s9 =	simm.s32 $0xB378  }
0x347: {  	[hbm4b:s2+s3] =	stream.linear.scatter [tilespmem:s9], [sflag:$0x4], $0x80, $0x38;
	[tilespmem:$0xC500] =	vst v63  }
0x348: {  	s28 =	simm.s32 $0xB400;
	s2 =	sadd.s32 s10, s22  }
0x349: {  	[hbm4b:s2+s3] =	stream.linear.scatter [tilespmem:s28], [sflag:$0x4], $0x80, $0x38;
	[tilespmem:$0xC500] =	vst v63  }
0x34a: {  	s9 =	sadd.s32 $0x10, s2;
	s28 =	simm.s32 $0xB488  }
0x34b: {  	[hbm4b:s9+s3] =	stream.linear.scatter [tilespmem:s28], [sflag:$0x4], $0x80, $0x38;
	[tilespmem:$0xC500] =	vst v63  }
0x34c: {  	s9 =	sadd.s32 $0x20, s2;
	s28 =	simm.s32 $0xB510  }
0x34d: {  	[hbm4b:s9+s3] =	stream.linear.scatter [tilespmem:s28], [sflag:$0x4], $0x80, $0x38;
	[tilespmem:$0xC500] =	vst v63  }
0x34e: {  	s9 =	sadd.s32 $0x30, s2;
	s28 =	simm.s32 $0xB598  }
0x34f: {  	[hbm4b:s9+s3] =	stream.linear.scatter [tilespmem:s28], [sflag:$0x4], $0x80, $0x38;
	[tilespmem:$0xC500] =	vst v63  }
0x350: {  	s9 =	sadd.s32 $0x40, s2;
	s28 =	simm.s32 $0xB620  }
0x351: {  	[hbm4b:s9+s3] =	stream.linear.scatter [tilespmem:s28], [sflag:$0x4], $0x80, $0x38;
	[tilespmem:$0xC500] =	vst v63  }
0x352: {  	s9 =	sadd.s32 $0x50, s2;
	s28 =	simm.s32 $0xB6A8  }
0x353: {  	[hbm4b:s9+s3] =	stream.linear.scatter [tilespmem:s28], [sflag:$0x4], $0x80, $0x38;
	[tilespmem:$0xC500] =	vst v63  }
0x354: {  	s9 =	sadd.s32 $0x60, s2;
	s28 =	simm.s32 $0xB730  }
0x355: {  	[hbm4b:s9+s3] =	stream.linear.scatter [tilespmem:s28], [sflag:$0x4], $0x80, $0x38;
	[tilespmem:$0xC500] =	vst v63  }
0x356: {  	s2 =	sadd.s32 $0x70, s2;
	s9 =	simm.s32 $0xB7B8  }
0x357: {  	[hbm4b:s2+s3] =	stream.linear.scatter [tilespmem:s9], [sflag:$0x4], $0x80, $0x38;
	[tilespmem:$0xC500] =	vst v63  }
0x358: {  	s28 =	simm.s32 $0xB840;
	s2 =	sadd.s32 s10, s23  }
0x359: {  	[hbm4b:s2+s3] =	stream.linear.scatter [tilespmem:s28], [sflag:$0x4], $0x80, $0x38;
	[tilespmem:$0xC500] =	vst v63  }
0x35a: {  	s9 =	sadd.s32 $0x10, s2;
	s28 =	simm.s32 $0xB8C8  }
0x35b: {  	[hbm4b:s9+s3] =	stream.linear.scatter [tilespmem:s28], [sflag:$0x4], $0x80, $0x38;
	[tilespmem:$0xC500] =	vst v63  }
0x35c: {  	s9 =	sadd.s32 $0x20, s2;
	s28 =	simm.s32 $0xB950  }
0x35d: {  	[hbm4b:s9+s3] =	stream.linear.scatter [tilespmem:s28], [sflag:$0x4], $0x80, $0x38;
	[tilespmem:$0xC500] =	vst v63  }
0x35e: {  	s9 =	sadd.s32 $0x30, s2;
	s28 =	simm.s32 $0xB9D8  }
0x35f: {  	[hbm4b:s9+s3] =	stream.linear.scatter [tilespmem:s28], [sflag:$0x4], $0x80, $0x38;
	[tilespmem:$0xC500] =	vst v63  }
0x360: {  	s9 =	sadd.s32 $0x40, s2;
	s28 =	simm.s32 $0xBA60  }
0x361: {  	[hbm4b:s9+s3] =	stream.linear.scatter [tilespmem:s28], [sflag:$0x4], $0x80, $0x38;
	[tilespmem:$0xC500] =	vst v63  }
0x362: {  	s9 =	sadd.s32 $0x50, s2;
	s28 =	simm.s32 $0xBAE8  }
0x363: {  	[hbm4b:s9+s3] =	stream.linear.scatter [tilespmem:s28], [sflag:$0x4], $0x80, $0x38;
	[tilespmem:$0xC500] =	vst v63  }
0x364: {  	s9 =	sadd.s32 $0x60, s2;
	s28 =	simm.s32 $0xBB70  }
0x365: {  	[hbm4b:s9+s3] =	stream.linear.scatter [tilespmem:s28], [sflag:$0x4], $0x80, $0x38;
	[tilespmem:$0xC500] =	vst v63  }
0x366: {  	s2 =	sadd.s32 $0x70, s2;
	s9 =	simm.s32 $0xBBF8  }
0x367: {  	[hbm4b:s2+s3] =	stream.linear.scatter [tilespmem:s9], [sflag:$0x4], $0x80, $0x38;
	[tilespmem:$0xC500] =	vst v63  }
0x368: {  	s28 =	simm.s32 $0xBC80;
	s2 =	sadd.s32 s10, s24  }
0x369: {  	[hbm4b:s2+s3] =	stream.linear.scatter [tilespmem:s28], [sflag:$0x4], $0x80, $0x38;
	[tilespmem:$0xC500] =	vst v63  }
0x36a: {  	s9 =	sadd.s32 $0x10, s2;
	s28 =	simm.s32 $0xBD08  }
0x36b: {  	[hbm4b:s9+s3] =	stream.linear.scatter [tilespmem:s28], [sflag:$0x4], $0x80, $0x38;
	[tilespmem:$0xC500] =	vst v63  }
0x36c: {  	s9 =	sadd.s32 $0x20, s2;
	s28 =	simm.s32 $0xBD90  }
0x36d: {  	[hbm4b:s9+s3] =	stream.linear.scatter [tilespmem:s28], [sflag:$0x4], $0x80, $0x38;
	[tilespmem:$0xC500] =	vst v63  }
0x36e: {  	s9 =	sadd.s32 $0x30, s2;
	s28 =	simm.s32 $0xBE18  }
0x36f: {  	[hbm4b:s9+s3] =	stream.linear.scatter [tilespmem:s28], [sflag:$0x4], $0x80, $0x38;
	[tilespmem:$0xC500] =	vst v63  }
0x370: {  	s9 =	sadd.s32 $0x40, s2;
	s28 =	simm.s32 $0xBEA0  }
0x371: {  	[hbm4b:s9+s3] =	stream.linear.scatter [tilespmem:s28], [sflag:$0x4], $0x80, $0x38;
	[tilespmem:$0xC500] =	vst v63  }
0x372: {  	s9 =	sadd.s32 $0x50, s2;
	s28 =	simm.s32 $0xBF28  }
0x373: {  	[hbm4b:s9+s3] =	stream.linear.scatter [tilespmem:s28], [sflag:$0x4], $0x80, $0x38;
	[tilespmem:$0xC500] =	vst v63  }
0x374: {  	s9 =	sadd.s32 $0x60, s2;
	s28 =	simm.s32 $0xBFB0  }
0x375: {  	[hbm4b:s9+s3] =	stream.linear.scatter [tilespmem:s28], [sflag:$0x4], $0x80, $0x38;
	[tilespmem:$0xC500] =	vst v63  }
0x376: {  	s2 =	sadd.s32 $0x70, s2;
	s28 =	simm.s32 $0xC038  }
0x377: {  	[hbm4b:s2+s3] =	stream.linear.scatter [tilespmem:s28], [sflag:$0x4], $0x80, $0x38;
	[tilespmem:$0xC500] =	vst v63  }
0x378: {  	s9 =	simm.s32 $0xC0C0;
	s2 =	sadd.s32 s10, s26  }
0x379: {  	[hbm4b:s2+s3] =	stream.linear.scatter [tilespmem:s9], [sflag:$0x4], $0x80, $0x38;
	[tilespmem:$0xC500] =	vst v63  }
0x37a: {  	s28 =	simm.s32 $0xC148;
	s10 =	sadd.s32 $0x10, s2  }
0x37b: {  	[hbm4b:s10+s3] =	stream.linear.scatter [tilespmem:s28], [sflag:$0x4], $0x80, $0x38;
	[tilespmem:$0xC500] =	vst v63  }
0x37c: {  	s10 =	sadd.s32 $0x20, s2;
	s28 =	simm.s32 $0xC1D0  }
0x37d: {  	[hbm4b:s10+s3] =	stream.linear.scatter [tilespmem:s28], [sflag:$0x4], $0x80, $0x38;
	[tilespmem:$0xC500] =	vst v63  }
0x37e: {  	s10 =	sadd.s32 $0x30, s2;
	s28 =	simm.s32 $0xC258  }
0x37f: {  	[hbm4b:s10+s3] =	stream.linear.scatter [tilespmem:s28], [sflag:$0x4], $0x80, $0x38;
	[tilespmem:$0xC500] =	vst v63  }
0x380: {  	s30 =	sadd.s32 $0x1, s30;
	s10 =	sadd.s32 $0x40, s2;
	s28 =	simm.s32 $0xC2E0  }
0x381: {  	[hbm4b:s10+s3] =	stream.linear.scatter [tilespmem:s28], [sflag:$0x4], $0x80, $0x38;
	[tilespmem:$0xC500] =	vst v63  }
0x382: {  	p0 =	sne.s32 s30, $0x64;
	s10 =	sadd.s32 $0x50, s2;
	s28 =	simm.s32 $0xC368  }
0x383: {  	[hbm4b:s10+s3] =	stream.linear.scatter [tilespmem:s28], [sflag:$0x4], $0x80, $0x38;
	[tilespmem:$0xC500] =	vst v63  }
.Ltmp7:
0x384: {  	_ = 	snop;
	(pc) =	sbr.rel @p0 .LBB2_2-.Ltmp7, $4  }
0x385: {  	s9 =	sadd.s32 $0x60, s2;
	s10 =	simm.s32 $0xC3F0  }
0x386: {  	[hbm4b:s9+s3] =	stream.linear.scatter [tilespmem:s10], [sflag:$0x4], $0x80, $0x38;
	[tilespmem:$0xC500] =	vst v63  }
0x387: {  	s2 =	sadd.s32 $0x70, s2;
	s28 =	simm.s32 $0xC478  }
0x388: {  	v4 =	vld [tilespmem:$0x1FFF0];
	[hbm4b:s2+s3] =	stream.linear.scatter [tilespmem:s28], [sflag:$0x4], $0x80, $0x38  }
0x389: {  	_ =	swait.ge [sflag:s0], $0x400  }
0x38a: {  	[sflag:s0] =	ssyncset.done $0x0  }
0x38b: {  	[sflag:s0] =	ssyncadd.s32 $0xFFFFFC00  }
0x38c: {  	_ =	swait.ge [sflag:s0], $0x400  }
0x38d: {  	[sflag:s0] =	ssyncset.done $0x0  }
0x38e: {  	[sflag:s0] =	ssyncadd.s32 $0xFFFFFC00  }
0x38f: {  	_ =	swait.ge [sflag:s0], $0x400  }
0x390: {  	[sflag:s0] =	ssyncset.done $0x0  }
0x391: {  	[sflag:s0] =	ssyncadd.s32 $0xFFFFFC00  }
0x392: {  	_ =	swait.ge [sflag:s0], $0x400  }
0x393: {  	[sflag:s0] =	ssyncset.done $0x0  }
0x394: {  	[sflag:s0] =	ssyncadd.s32 $0xFFFFFC00  }
0x395: {  	_ =	swait.ge [sflag:s0], $0x400  }
0x396: {  	[sflag:s0] =	ssyncset.done $0x0  }
0x397: {  	[sflag:s0] =	ssyncadd.s32 $0xFFFFFC00  }
0x398: {  	_ =	swait.ge [sflag:s0], $0x400  }
0x399: {  	[sflag:s0] =	ssyncset.done $0x0  }
0x39a: {  	[sflag:s0] =	ssyncadd.s32 $0xFFFFFC00  }
0x39b: {  	_ =	swait.ge [sflag:s0], $0x400  }
0x39c: {  	[sflag:s0] =	ssyncset.done $0x0  }
0x39d: {  	[sflag:s0] =	ssyncadd.s32 $0xFFFFFC00  }
0x39e: {  	_ =	swait.ge [sflag:s0], $0x400  }
0x39f: {  	[sflag:s0] =	ssyncset.done $0x0  }
0x3a0: {  	[sflag:s0] =	ssyncadd.s32 $0xFFFFFC00  }
0x3a1: {  	_ =	swait.ge [sflag:s7], $0x400  }
0x3a2: {  	[sflag:s7] =	ssyncset.done $0x0  }
0x3a3: {  	[sflag:s7] =	ssyncadd.s32 $0xFFFFFC00  }
0x3a4: {  	_ =	swait.ge [sflag:s7], $0x400  }
0x3a5: {  	[sflag:s7] =	ssyncset.done $0x0  }
0x3a6: {  	[sflag:s7] =	ssyncadd.s32 $0xFFFFFC00  }
0x3a7: {  	_ =	swait.ge [sflag:s7], $0x400  }
0x3a8: {  	[sflag:s7] =	ssyncset.done $0x0  }
0x3a9: {  	[sflag:s7] =	ssyncadd.s32 $0xFFFFFC00  }
0x3aa: {  	_ =	swait.ge [sflag:s7], $0x400  }
0x3ab: {  	[sflag:s7] =	ssyncset.done $0x0  }
0x3ac: {  	[sflag:s7] =	ssyncadd.s32 $0xFFFFFC00  }
0x3ad: {  	_ =	swait.ge [sflag:s7], $0x400  }
0x3ae: {  	[sflag:s7] =	ssyncset.done $0x0  }
0x3af: {  	[sflag:s7] =	ssyncadd.s32 $0xFFFFFC00  }
0x3b0: {  	_ =	swait.ge [sflag:s7], $0x400  }
0x3b1: {  	[sflag:s7] =	ssyncset.done $0x0  }
0x3b2: {  	[sflag:s7] =	ssyncadd.s32 $0xFFFFFC00  }
0x3b3: {  	_ =	swait.ge [sflag:s7], $0x400  }
0x3b4: {  	[sflag:s7] =	ssyncset.done $0x0  }
0x3b5: {  	[sflag:s7] =	ssyncadd.s32 $0xFFFFFC00  }
0x3b6: {  	_ =	swait.ge [sflag:s7], $0x400  }
0x3b7: {  	s6 =	rddreg [dreg:$0x9]  }
0x3b8: {  	s2 =	rddreg [dreg:$0x8];
	s6 =	sadd.s32 $0x1, s6  }
0x3b9: {  	p0 =	sne.s32 s6, s2  }
.Ltmp8:
0x3ba: {  	_ = 	snop;
	(pc) =	sbr.rel @p0 .LBB2_1-.Ltmp8, $3  }
0x3bb: {  	_ =	sdelay $0x1  }
0x3bc: {  	[sflag:s7] =	ssyncset.done $0x0  }
0x3bd: {  	[sflag:s7] =	ssyncadd.s32 $0xFFFFFC00  }
0x3be: {  	_ =	sfence.sel $0x180000  }
0x3bf: {  	[bflag:$0x0] =	sbarrier.arrive $0xFFFF  }
0x3c0: {  	_ =	strace $0x90000047  }
0x3c1: {  	s0 =	stileid.u32;
	[bflag:$0x2] =	sbarrier.arrive $0xFFFF  }
0x3c2: {  	p0 =	sne.s32 s0, $0x0;
	s0 =	rddreg [dreg:$0x2]  }
0x3c3: {  	s0 =	sadd.s32 @!p0 $0x100000, s0  }
0x3c4: {  	[sflag:s0] =	ssyncadd.tile.s32 @!p0 $0x1;
	_ =	shalt  }
.Lfunc_end2:
_tile_overlayer_lowered:
.L_overlay_start_2:
0x3c5: {  	(tag) =	ssettag $0x2  }
0x3c6: {  	s0 =	rddreg [dreg:$0x0];
	s2 =	stileid.u32  }
0x3c7: {  	s1 =	rddreg [dreg:$0x1];
	p0 =	sne.s32 s2, $0x0  }
0x3c8: {  	s3 =	rddreg [dreg:$0x2];
	[bflag:$0x3] =	sbarrier.arrive $0xFFFF;
	s2 =	simm.s32 @!p0 $0x1C07  }
0x3c9: {  	[timem:s3], [sflag:s2] =	dma.local @!p0 [hbm:s0], s1  }
0x3ca: {  	s0 =	simm.s32 @!p0 $0x7  }
0x3cb: {  	_ =	swait.ge @!p0 [sflag:s0], s1  }
0x3cc: {  	s1 =	ssub.s32 @!p0 $0x0, s1;
	[sflag:s0] =	ssyncset.done @!p0 $0x0  }
0x3cd: {  	[sflag:s0] =	ssyncadd.s32 @!p0 s1  }
0x3ce: {  	[bflag:$0x3] =	sbarrier.arrive $0xFFFF  }
0x3cf: {  	_ =	shalt  }

</sc_bundles>
